<compile_context>
chip_gen: v7x
topology: tpu7x:2x2x1
jax: 0.10.2.dev20260603
libtpu: 0.0.44.dev20260713+nightly
codegen_flags: <defaults>
</compile_context>

<pallas_src>
import functools

import jax
import jax.numpy as jnp
from jax import lax
from jax.experimental import pallas as pl
from jax.experimental.pallas import tpu as pltpu, tpu_sc as plsc

N_NODES = 10000
N_EDGES = 160000
HID = 512
NL = 4

NW = 32
E_PAD = NW * 5120
PER_W = E_PAD // NW
A_BLKS = (1024, 1024, 1024, 1024, 1024)

_MESH = plsc.VectorSubcoreMesh(core_axis_name="c", subcore_axis_name="s")
_SC_PARAMS = pltpu.CompilerParams(needs_layout_passes=False,
                                  use_tc_tiling_on_sc=False)


def _silu(v):
    return v * (1.0 / (1.0 + jnp.exp(-v)))


def _ef_body(x_hbm, src_hbm, dst_hbm, ea_hbm, ef_out,
             x_v, src_v, dst_v, ea_v, ef_v):
    c = lax.axis_index("c")
    s = lax.axis_index("s")
    wid = s * 2 + c
    pltpu.sync_copy(x_hbm, x_v)
    iota = lax.iota(jnp.int32, 16)
    base_w = wid * PER_W
    off_b = 0
    for nb in A_BLKS:
        base = base_w + off_b
        pltpu.sync_copy(src_hbm.at[pl.ds(base, nb)], src_v.at[pl.ds(0, nb)])
        pltpu.sync_copy(dst_hbm.at[pl.ds(base, nb)], dst_v.at[pl.ds(0, nb)])
        pltpu.sync_copy(ea_hbm.at[pl.ds(base * 4, nb * 4)],
                        ea_v.at[pl.ds(0, nb * 4)])

        def body(i, carry):
            off = i * 16
            sj = src_v[pl.ds(off, 16)]
            di = dst_v[pl.ds(off, 16)]
            li = off + iota

            def gx(idx, f):
                return plsc.load_gather(x_v, [idx * 5 + f])

            def gea(f):
                return plsc.load_gather(ea_v, [li * 4 + f])

            xi = [gx(di, f) for f in range(5)]
            xj = [gx(sj, f) for f in range(5)]
            u0, u1, u2, rn = gea(0), gea(1), gea(2), gea(3)
            mm = xi[2] * xj[2] + xi[3] * xj[3] + xi[4] * xj[4]
            mr = xj[2] * u0 + xj[3] * u1 + xj[4] * u2
            feats = [xi[2], xi[3], xi[4], xj[2], xj[3], xj[4],
                     mm, mr, rn, xi[0], xi[1], xj[0], xj[1]]
            zero = jnp.zeros((16,), jnp.float32)
            for f in range(16):
                v = feats[f] if f < 13 else zero
                ef_v[f, pl.ds(off, 16)] = v
            return carry

        lax.fori_loop(0, nb // 16, body, 0)
        pltpu.sync_copy(ef_v.at[:, pl.ds(0, nb)], ef_out.at[:, pl.ds(base, nb)])
        off_b += nb


@functools.partial(jax.jit, static_argnums=())
def _build_ef(x, src_p, dst_p, ea_p):
    fn = functools.partial(
        pl.kernel,
        mesh=_MESH,
        compiler_params=_SC_PARAMS,
        out_type=jax.ShapeDtypeStruct((16, E_PAD), jnp.float32),
        scratch_types=[
            pltpu.VMEM((N_NODES * 5,), jnp.float32),
            pltpu.VMEM((1024,), jnp.int32),
            pltpu.VMEM((1024,), jnp.int32),
            pltpu.VMEM((1024 * 4,), jnp.float32),
            pltpu.VMEM((16, 1024), jnp.float32),
        ],
    )(_ef_body)
    return fn(x, src_p, dst_p, ea_p)


def _edge_mlp_body(ef_ref, w1_ref, b1_ref, w2_ref, b2_ref,
                   o0, o1, o2, o3):
    efb = ef_ref[...]
    h1 = lax.dot_general(efb, w1_ref[...],
                         dimension_numbers=(((0,), (0,)), ((), ())),
                         preferred_element_type=jnp.float32)
    h1 = _silu(h1 + b1_ref[...])
    msg = jnp.dot(h1, w2_ref[...], preferred_element_type=jnp.float32)
    msg = _silu(msg + b2_ref[...])
    for a, o in enumerate((o0, o1, o2, o3)):
        o[...] = msg[:, a * 128:(a + 1) * 128]


def _edge_mlp_layer(ef, We1l, be1l, We2l, be2l):
    BE = 2048
    n_e = E_PAD // BE
    ospec = pl.BlockSpec((BE, 128), lambda e: (e, 0))
    oshape = jax.ShapeDtypeStruct((E_PAD, 128), jnp.float32)
    return pl.pallas_call(
        _edge_mlp_body,
        grid=(n_e,),
        in_specs=[
            pl.BlockSpec((16, BE), lambda e: (0, e)),
            pl.BlockSpec((16, HID), lambda e: (0, 0)),
            pl.BlockSpec((1, HID), lambda e: (0, 0)),
            pl.BlockSpec((HID, HID), lambda e: (0, 0)),
            pl.BlockSpec((1, HID), lambda e: (0, 0)),
        ],
        out_specs=(ospec, ospec, ospec, ospec),
        out_shape=(oshape, oshape, oshape, oshape),
    )(ef, We1l, be1l, We2l, be2l)


E_CHUNK = 512
N_CHUNKS = N_EDGES // E_CHUNK
N_TAIL = N_EDGES - N_CHUNKS * E_CHUNK
N_ROWS_PAD = 10240
RPS = N_ROWS_PAD // 16


def _segsum_body(m0, m1, m2, m3, dst_hbm, zeros_hbm, aggr,
                 idxb, idxt, mbuf, zb, acc):
    c = lax.axis_index("c")
    s = lax.axis_index("s")
    pltpu.sync_copy(zeros_hbm, zb)
    nk = 19 + jnp.where(s < 8, 1, 0)
    start = 19 * s + jnp.minimum(s, 8)
    row0 = RPS * s
    def _run_chunk(m_hbm, col0, cidx):
        for t in range(5):
            pltpu.sync_copy(zb, acc.at[pl.ds(row0 + 128 * t, 128), :])
        plsc.subcore_barrier()

        def ebody(k, carry):
            kk = start + k
            pltpu.sync_copy(
                m_hbm.at[pl.ds(kk * E_CHUNK, E_CHUNK), pl.ds(col0, 64)],
                mbuf.at[0])
            pltpu.sync_copy(dst_hbm.at[kk], idxb)
            pltpu.sync_copy(mbuf.at[0], acc.at[idxb], add=True)
            return carry

        lax.fori_loop(0, nk, ebody, 0)

        @pl.when(s == 15)
        def _tail():
            base = N_CHUNKS * E_CHUNK
            pltpu.sync_copy(
                m_hbm.at[pl.ds(base, N_TAIL), pl.ds(col0, 64)],
                mbuf.at[0, pl.ds(0, N_TAIL)])
            pltpu.sync_copy(dst_hbm.at[N_CHUNKS, pl.ds(0, N_TAIL)], idxt)
            pltpu.sync_copy(mbuf.at[0, pl.ds(0, N_TAIL)],
                            acc.at[idxt], add=True)

        plsc.subcore_barrier()
        for t in range(5):
            r = row0 + 128 * t
            pltpu.sync_copy(acc.at[pl.ds(r, 128), :],
                            aggr.at[cidx, pl.ds(r, 128), :])
        plsc.subcore_barrier()

    for a, m_hbm in enumerate((m0, m1, m2, m3)):
        for h in range(2):
            @pl.when(c == a // 2)
            def _chunk():
                _run_chunk(m_hbm, h * 64, 2 * a + h)


def _segment_sum(msgs, dst_hbm, zeros_hbm):
    fn = functools.partial(
        pl.kernel,
        mesh=_MESH,
        compiler_params=_SC_PARAMS,
        out_type=jax.ShapeDtypeStruct((8, N_ROWS_PAD, 64), jnp.float32),
        scratch_types=[
            pltpu.VMEM((E_CHUNK,), jnp.int32),
            pltpu.VMEM((N_TAIL,), jnp.int32),
            pltpu.VMEM((2, E_CHUNK, 64), jnp.float32),
            pltpu.VMEM((128, 64), jnp.float32),
            pltpu.VMEM_SHARED((N_ROWS_PAD, 64), jnp.float32),
        ],
    )(_segsum_body)
    return fn(msgs[0], msgs[1], msgs[2], msgs[3], dst_hbm, zeros_hbm)


def _node_body(x_ref, ag0, ag1, ag2, ag3, wemb_ref, bemb_ref, wn1a_ref,
               wn1b_ref, bn1_ref, wn2_ref, bn2_ref, wo1_ref, bo1_ref,
               wo2_ref, bo2_ref, out_ref):
    aggs = (ag0, ag1, ag2, ag3)
    xb = x_ref[...]
    h = _silu(jnp.dot(xb, wemb_ref[...], preferred_element_type=jnp.float32)
              + bemb_ref[...])
    for l in range(NL):
        t = (jnp.dot(h, wn1a_ref[l], preferred_element_type=jnp.float32)
             + bn1_ref[l])
        for q in range(8):
            t = t + jnp.dot(aggs[l][q], wn1b_ref[l, q],
                            preferred_element_type=jnp.float32)
        upd = jnp.dot(_silu(t), wn2_ref[l], preferred_element_type=jnp.float32)
        h = h + upd + bn2_ref[l]
    o = _silu(jnp.dot(h, wo1_ref[...], preferred_element_type=jnp.float32)
              + bo1_ref[...])
    out_ref[...] = (jnp.dot(o, wo2_ref[...], preferred_element_type=jnp.float32)
                    + bo2_ref[...])


def _node_pipeline(xp, aggrs, Wembp, bembr, Wn1a, Wn1b, bn1r, Wn2, bn2r,
                   Wo1, bo1r, Wo2p, bo2r):
    BN = 1000
    n_b = N_NODES // BN
    full = lambda shape: pl.BlockSpec(shape, lambda n: tuple(0 for _ in shape))
    agspec = pl.BlockSpec((8, BN, 64), lambda n: (0, n, 0))
    return pl.pallas_call(
        _node_body,
        grid=(n_b,),
        in_specs=[
            pl.BlockSpec((BN, 8), lambda n: (n, 0)),
            agspec, agspec, agspec, agspec,
            full((8, HID)),
            full((1, HID)),
            full((NL, HID, HID)),
            full((NL, 8, 64, HID)),
            pl.BlockSpec((NL, 1, HID), lambda n: (0, 0, 0)),
            full((NL, HID, HID)),
            pl.BlockSpec((NL, 1, HID), lambda n: (0, 0, 0)),
            full((HID, HID)),
            full((1, HID)),
            full((HID, 128)),
            full((1, 128)),
        ],
        out_specs=pl.BlockSpec((BN, 128), lambda n: (n, 0)),
        out_shape=jax.ShapeDtypeStruct((N_NODES, 128), jnp.float32),
    )(xp, aggrs[0], aggrs[1], aggrs[2], aggrs[3], Wembp, bembr, Wn1a, Wn1b,
      bn1r, Wn2, bn2r, Wo1, bo1r, Wo2p, bo2r)


def kernel(x, edge_index, edge_attr, W_emb, b_emb, We1, be1, We2, be2,
           Wn1, bn1, Wn2, bn2, Wo1, bo1, Wo2, bo2):
    ei = edge_index.astype(jnp.int32)
    src = ei[0]
    dst = ei[1]
    pad = E_PAD - N_EDGES
    src_p = jnp.pad(src, (0, pad))
    dst_p = jnp.pad(dst, (0, pad))
    ea_p = jnp.pad(edge_attr, ((0, pad), (0, 0)))

    ef = _build_ef(x.reshape(-1), src_p, dst_p, ea_p.reshape(-1))

    We1p = jnp.pad(We1, ((0, 0), (0, 3), (0, 0)))
    be1r = be1.reshape(NL, 1, HID)
    be2r = be2.reshape(NL, 1, HID)
    zeros_hbm = jnp.zeros((128, 64), jnp.float32)
    dst3 = jnp.pad(dst, (0, (N_CHUNKS + 1) * E_CHUNK - N_EDGES)).reshape(
        N_CHUNKS + 1, E_CHUNK)
    aggrs = []
    for l in range(NL):
        msgs = _edge_mlp_layer(ef, We1p[l], be1r[l], We2[l], be2r[l])
        aggrs.append(_segment_sum(msgs, dst3, zeros_hbm))

    xp = jnp.pad(x, ((0, 0), (0, 3)))
    Wembp = jnp.pad(W_emb, ((0, 3), (0, 0)))
    Wo2p = jnp.pad(Wo2, ((0, 0), (0, 125)))
    bo2r = jnp.pad(bo2, (0, 125)).reshape(1, 128)
    Wn1a = Wn1[:, :HID, :]
    Wn1b = Wn1[:, HID:, :].reshape(NL, 8, 64, HID)
    out = _node_pipeline(xp, aggrs, Wembp, b_emb.reshape(1, HID),
                         Wn1a, Wn1b, bn1.reshape(NL, 1, HID), Wn2,
                         bn2.reshape(NL, 1, HID), Wo1, bo1.reshape(1, HID),
                         Wo2p, bo2r)
    return out[:, :3]

# --- scband reference (transcript-rebuilt; emitter-appended) ---
"""Pipeline reference for scband-naive-fe-gd-bfield-model-83743272337605 (READ-ONLY COPY).

The authoritative reference and input builder live on the scoring server;
editing this copy changes nothing except your own understanding.
"""

import jax, jax.numpy as jnp
import numpy as np

N_NODES = 10000
N_EDGES = 160000
HID = 512
EHID = 512
NL = 4
EDGE_FEATURE_DIM = 13

def silu(v):
    return v * jax.nn.sigmoid(v)

def setup_inputs(seed: int = 0) -> dict:
    key = jax.random.key(seed)
    ks = jax.random.split(key, 32)
    x = jax.random.normal(ks[0], (N_NODES, 5), dtype=jnp.float32)
    edge_index = jax.random.randint(ks[1], (2, N_EDGES), 0, N_NODES, dtype=jnp.int64 if jax.config.jax_enable_x64 else jnp.int32)
    edge_attr = jax.random.normal(ks[2], (N_EDGES, 4), dtype=jnp.float32)
    s = lambda *sh: 1.0 / np.sqrt(sh[-2])
    W_emb = jax.random.normal(ks[3], (5, HID), dtype=jnp.float32) * (1/np.sqrt(5))
    b_emb = jnp.zeros((HID,), dtype=jnp.float32)
    We1 = jax.random.normal(ks[4], (NL, EDGE_FEATURE_DIM, EHID), dtype=jnp.float32) * (1/np.sqrt(EDGE_FEATURE_DIM))
    be1 = jnp.zeros((NL, EHID), dtype=jnp.float32)
    We2 = jax.random.normal(ks[5], (NL, EHID, EHID), dtype=jnp.float32) * (1/np.sqrt(EHID))
    be2 = jnp.zeros((NL, EHID), dtype=jnp.float32)
    Wn1 = jax.random.normal(ks[6], (NL, HID + EHID, HID), dtype=jnp.float32) * (1/np.sqrt(HID + EHID))
    bn1 = jnp.zeros((NL, HID), dtype=jnp.float32)
    Wn2 = jax.random.normal(ks[7], (NL, HID, HID), dtype=jnp.float32) * (1/np.sqrt(HID))
    bn2 = jnp.zeros((NL, HID), dtype=jnp.float32)
    Wo1 = jax.random.normal(ks[8], (HID, HID), dtype=jnp.float32) * (1/np.sqrt(HID))
    bo1 = jnp.zeros((HID,), dtype=jnp.float32)
    Wo2 = jax.random.normal(ks[9], (HID, 3), dtype=jnp.float32) * (1/np.sqrt(HID))
    bo2 = jnp.zeros((3,), dtype=jnp.float32)
    return {"x": x, "edge_index": edge_index, "edge_attr": edge_attr,
            "W_emb": W_emb, "b_emb": b_emb, "We1": We1, "be1": be1, "We2": We2, "be2": be2,
            "Wn1": Wn1, "bn1": bn1, "Wn2": Wn2, "bn2": bn2,
            "Wo1": Wo1, "bo1": bo1, "Wo2": Wo2, "bo2": bo2}

def reference(x, edge_index, edge_attr, W_emb, b_emb, We1, be1, We2, be2, Wn1, bn1, Wn2, bn2, Wo1, bo1, Wo2, bo2):
    # PyG default flow source_to_target: j = edge_index[0] (src), i = edge_index[1] (dst)
    src = edge_index[0]
    dst = edge_index[1]
    raw_x = x
    h = silu(raw_x @ W_emb + b_emb)
    # edge features depend only on raw_x / edge_attr (constant across layers)
    rx_i = raw_x[dst]
    rx_j = raw_x[src]
    m_i = rx_i[:, 2:5]
    m_j = rx_j[:, 2:5]
    nt_i = rx_i[:, :2]
    nt_j = rx_j[:, :2]
    u_ij = edge_attr[:, :3]
    r_norm = edge_attr[:, 3:4]
    mm = jnp.sum(m_i * m_j, axis=-1, keepdims=True)
    mr = jnp.sum(m_j * u_ij, axis=-1, keepdims=True)
    ef = jnp.concatenate([m_i, m_j, mm, mr, r_norm, nt_i, nt_j], axis=-1)
    for l in range(NL):
        msg = silu(silu(ef @ We1[l] + be1[l]) @ We2[l] + be2[l])  # dropout is identity at inference
        aggr = jax.ops.segment_sum(msg, dst, num_segments=N_NODES)
        node_in = jnp.concatenate([h, aggr], axis=-1)
        upd = silu(node_in @ Wn1[l] + bn1[l]) @ Wn2[l] + bn2[l]
        h = h + upd
    b_field = silu(h @ Wo1 + bo1) @ Wo2 + bo2
    return b_field

if __name__ == "__main__":
    import jax
    _d = setup_inputs()
    print(jax.jit(kernel)(*tuple(_d.values())))

</pallas_src>

<mosaic_0001>
#map = affine_map<(d0, d1) -> (0)>
#map1 = affine_map<(d0, d1) -> (0, 0)>
module attributes {stable_mosaic.version = 14 : i64} {
  func.func @_ef_body(%arg0: i32, %arg1: i32, %arg2: memref<50000xf32, #tpu.memory_space<hbm>>, %arg3: memref<163840xi32, #tpu.memory_space<hbm>>, %arg4: memref<163840xi32, #tpu.memory_space<hbm>>, %arg5: memref<655360xf32, #tpu.memory_space<hbm>>, %arg6: memref<16x163840xf32, #tpu.memory_space<hbm>>, %arg7: memref<50000xf32, #tpu.memory_space<vmem>>, %arg8: memref<1024xi32, #tpu.memory_space<vmem>>, %arg9: memref<1024xi32, #tpu.memory_space<vmem>>, %arg10: memref<4096xf32, #tpu.memory_space<vmem>>, %arg11: memref<16x1024xf32, #tpu.memory_space<vmem>>) attributes {dimension_semantics = [#tpu.dimension_semantics<core_parallel>, #tpu.dimension_semantics<subcore_parallel>], iteration_bounds = array<i64: 2, 16>, scalar_prefetch = 0 : i64, scratch_operands = 5 : i64, tpu.core_type = #tpu.core_type<sc_vector_subcore>, window_params = [{transform_indices = #map}, {transform_indices = #map}, {transform_indices = #map}, {transform_indices = #map}, {transform_indices = #map1}]} {
    %mul3A = arith.constant 2 : i32
    %mul3A_0 = arith.muli %arg1, %mul3A : i32
    %add3A = arith.addi %mul3A_0, %arg0 : i32
    "tpu.region"() ({
      %run_scoped3A = tpu.sem_alloc : memref<!tpu.dma_semaphore, #tpu.memory_space<semaphore_mem>>
      tpu.enqueue_dma source(%arg2 : memref<50000xf32, #tpu.memory_space<hbm>>) target(%arg7 : memref<50000xf32, #tpu.memory_space<vmem>>) target_semaphore(%run_scoped3A : memref<!tpu.dma_semaphore, #tpu.memory_space<semaphore_mem>>)
      tpu.wait_dma2 semaphore(%run_scoped3A : memref<!tpu.dma_semaphore, #tpu.memory_space<semaphore_mem>>) src(%arg2 : memref<50000xf32, #tpu.memory_space<hbm>>) dst(%arg7 : memref<50000xf32, #tpu.memory_space<vmem>>)
      tpu.yield
    }) : () -> ()
    %iota3A = tpu.iota {dimensions = array<i32: 0>} : vector<16xi32>
    %mul3A_1 = arith.constant 5120 : i32
    %mul3A_2 = arith.muli %add3A, %mul3A_1 : i32
    %add3A_3 = arith.constant 0 : i32
    %add3A_4 = arith.addi %mul3A_2, %add3A_3 : i32
    "tpu.region"() ({
      %run_scoped3A = tpu.sem_alloc : memref<!tpu.dma_semaphore, #tpu.memory_space<semaphore_mem>>
      %dma_start3A = arith.constant 0 : i32
      %dma_start3A_52 = tpu.memref_slice %arg8[%dma_start3A] : memref<1024xi32, #tpu.memory_space<vmem>> -> memref<1024xi32, #tpu.memory_space<vmem>>
      %dma_start3A_53 = tpu.memref_slice %arg3[%add3A_4] : memref<163840xi32, #tpu.memory_space<hbm>> -> memref<1024xi32, #tpu.memory_space<hbm>>
      %dma_start3A_54 = arith.constant 0 : i32
      %dma_start3A_55 = tpu.memref_slice %arg8[%dma_start3A_54] : memref<1024xi32, #tpu.memory_space<vmem>> -> memref<1024xi32, #tpu.memory_space<vmem>>
      %dma_start3A_56 = tpu.memref_slice %arg3[%add3A_4] : memref<163840xi32, #tpu.memory_space<hbm>> -> memref<1024xi32, #tpu.memory_space<hbm>>
      tpu.enqueue_dma source(%dma_start3A_56 : memref<1024xi32, #tpu.memory_space<hbm>>) target(%dma_start3A_55 : memref<1024xi32, #tpu.memory_space<vmem>>) target_semaphore(%run_scoped3A : memref<!tpu.dma_semaphore, #tpu.memory_space<semaphore_mem>>)
      %dma_wait3A = arith.constant 0 : i32
      %dma_wait3A_57 = tpu.memref_slice %arg8[%dma_wait3A] : memref<1024xi32, #tpu.memory_space<vmem>> -> memref<1024xi32, #tpu.memory_space<vmem>>
      %dma_wait3A_58 = tpu.memref_slice %arg3[%add3A_4] : memref<163840xi32, #tpu.memory_space<hbm>> -> memref<1024xi32, #tpu.memory_space<hbm>>
      %dma_wait3A_59 = arith.constant 0 : i32
      %dma_wait3A_60 = tpu.memref_slice %arg8[%dma_wait3A_59] : memref<1024xi32, #tpu.memory_space<vmem>> -> memref<1024xi32, #tpu.memory_space<vmem>>
      %dma_wait3A_61 = tpu.memref_slice %arg3[%add3A_4] : memref<163840xi32, #tpu.memory_space<hbm>> -> memref<1024xi32, #tpu.memory_space<hbm>>
      tpu.wait_dma2 semaphore(%run_scoped3A : memref<!tpu.dma_semaphore, #tpu.memory_space<semaphore_mem>>) src(%dma_wait3A_61 : memref<1024xi32, #tpu.memory_space<hbm>>) dst(%dma_wait3A_60 : memref<1024xi32, #tpu.memory_space<vmem>>)
      tpu.yield
    }) : () -> ()
    "tpu.region"() ({
      %run_scoped3A = tpu.sem_alloc : memref<!tpu.dma_semaphore, #tpu.memory_space<semaphore_mem>>
      %dma_start3A = arith.constant 0 : i32
      %dma_start3A_52 = tpu.memref_slice %arg9[%dma_start3A] : memref<1024xi32, #tpu.memory_space<vmem>> -> memref<1024xi32, #tpu.memory_space<vmem>>
      %dma_start3A_53 = tpu.memref_slice %arg4[%add3A_4] : memref<163840xi32, #tpu.memory_space<hbm>> -> memref<1024xi32, #tpu.memory_space<hbm>>
      %dma_start3A_54 = arith.constant 0 : i32
      %dma_start3A_55 = tpu.memref_slice %arg9[%dma_start3A_54] : memref<1024xi32, #tpu.memory_space<vmem>> -> memref<1024xi32, #tpu.memory_space<vmem>>
      %dma_start3A_56 = tpu.memref_slice %arg4[%add3A_4] : memref<163840xi32, #tpu.memory_space<hbm>> -> memref<1024xi32, #tpu.memory_space<hbm>>
      tpu.enqueue_dma source(%dma_start3A_56 : memref<1024xi32, #tpu.memory_space<hbm>>) target(%dma_start3A_55 : memref<1024xi32, #tpu.memory_space<vmem>>) target_semaphore(%run_scoped3A : memref<!tpu.dma_semaphore, #tpu.memory_space<semaphore_mem>>)
      %dma_wait3A = arith.constant 0 : i32
      %dma_wait3A_57 = tpu.memref_slice %arg9[%dma_wait3A] : memref<1024xi32, #tpu.memory_space<vmem>> -> memref<1024xi32, #tpu.memory_space<vmem>>
      %dma_wait3A_58 = tpu.memref_slice %arg4[%add3A_4] : memref<163840xi32, #tpu.memory_space<hbm>> -> memref<1024xi32, #tpu.memory_space<hbm>>
      %dma_wait3A_59 = arith.constant 0 : i32
      %dma_wait3A_60 = tpu.memref_slice %arg9[%dma_wait3A_59] : memref<1024xi32, #tpu.memory_space<vmem>> -> memref<1024xi32, #tpu.memory_space<vmem>>
      %dma_wait3A_61 = tpu.memref_slice %arg4[%add3A_4] : memref<163840xi32, #tpu.memory_space<hbm>> -> memref<1024xi32, #tpu.memory_space<hbm>>
      tpu.wait_dma2 semaphore(%run_scoped3A : memref<!tpu.dma_semaphore, #tpu.memory_space<semaphore_mem>>) src(%dma_wait3A_61 : memref<1024xi32, #tpu.memory_space<hbm>>) dst(%dma_wait3A_60 : memref<1024xi32, #tpu.memory_space<vmem>>)
      tpu.yield
    }) : () -> ()
    %mul3A_5 = arith.constant 4 : i32
    %mul3A_6 = arith.muli %add3A_4, %mul3A_5 : i32
    "tpu.region"() ({
      %run_scoped3A = tpu.sem_alloc : memref<!tpu.dma_semaphore, #tpu.memory_space<semaphore_mem>>
      %dma_start3A = arith.constant 0 : i32
      %dma_start3A_52 = tpu.memref_slice %arg10[%dma_start3A] : memref<4096xf32, #tpu.memory_space<vmem>> -> memref<4096xf32, #tpu.memory_space<vmem>>
      %dma_start3A_53 = tpu.memref_slice %arg5[%mul3A_6] : memref<655360xf32, #tpu.memory_space<hbm>> -> memref<4096xf32, #tpu.memory_space<hbm>>
      %dma_start3A_54 = arith.constant 0 : i32
      %dma_start3A_55 = tpu.memref_slice %arg10[%dma_start3A_54] : memref<4096xf32, #tpu.memory_space<vmem>> -> memref<4096xf32, #tpu.memory_space<vmem>>
      %dma_start3A_56 = tpu.memref_slice %arg5[%mul3A_6] : memref<655360xf32, #tpu.memory_space<hbm>> -> memref<4096xf32, #tpu.memory_space<hbm>>
      tpu.enqueue_dma source(%dma_start3A_56 : memref<4096xf32, #tpu.memory_space<hbm>>) target(%dma_start3A_55 : memref<4096xf32, #tpu.memory_space<vmem>>) target_semaphore(%run_scoped3A : memref<!tpu.dma_semaphore, #tpu.memory_space<semaphore_mem>>)
      %dma_wait3A = arith.constant 0 : i32
      %dma_wait3A_57 = tpu.memref_slice %arg10[%dma_wait3A] : memref<4096xf32, #tpu.memory_space<vmem>> -> memref<4096xf32, #tpu.memory_space<vmem>>
      %dma_wait3A_58 = tpu.memref_slice %arg5[%mul3A_6] : memref<655360xf32, #tpu.memory_space<hbm>> -> memref<4096xf32, #tpu.memory_space<hbm>>
      %dma_wait3A_59 = arith.constant 0 : i32
      %dma_wait3A_60 = tpu.memref_slice %arg10[%dma_wait3A_59] : memref<4096xf32, #tpu.memory_space<vmem>> -> memref<4096xf32, #tpu.memory_space<vmem>>
      %dma_wait3A_61 = tpu.memref_slice %arg5[%mul3A_6] : memref<655360xf32, #tpu.memory_space<hbm>> -> memref<4096xf32, #tpu.memory_space<hbm>>
      tpu.wait_dma2 semaphore(%run_scoped3A : memref<!tpu.dma_semaphore, #tpu.memory_space<semaphore_mem>>) src(%dma_wait3A_61 : memref<4096xf32, #tpu.memory_space<hbm>>) dst(%dma_wait3A_60 : memref<4096xf32, #tpu.memory_space<vmem>>)
      tpu.yield
    }) : () -> ()
    %scan3A = arith.constant 0 : i32
    %scan3A_7 = arith.constant 0 : i32
    %scan3A_8 = arith.constant 64 : i32
    %scan3A_9 = arith.addi %scan3A_7, %scan3A_8 : i32
    %scan3A_10 = arith.constant 1 : i32
    scf.for %scan3A_52 = %scan3A_7 to %scan3A_9 step %scan3A_10  : i32 {
      %mul3A_53 = arith.constant 16 : i32
      %mul3A_54 = arith.muli %scan3A_52, %mul3A_53 : i32
      %get3A = arith.index_cast %mul3A_54 : i32 to index
      %get3A_55 = tpu.vector_load %arg8[%get3A] {strides = array<i32>} : memref<1024xi32, #tpu.memory_space<vmem>>, vector<16xi32>,
      %get3A_56 = arith.index_cast %mul3A_54 : i32 to index
      %get3A_57 = tpu.vector_load %arg9[%get3A_56] {strides = array<i32>} : memref<1024xi32, #tpu.memory_space<vmem>>, vector<16xi32>,
      %add3A_58 = vector.broadcast %mul3A_54 : i32 to vector<16xi32>
      %add3A_59 = arith.addi %add3A_58, %iota3A : vector<16xi32>
      %mul3A_60 = arith.constant 5 : i32
      %mul3A_61 = vector.broadcast %mul3A_60 : i32 to vector<16xi32>
      %mul3A_62 = arith.muli %get3A_57, %mul3A_61 : vector<16xi32>
      %add3A_63 = arith.constant 0 : i32
      %add3A_64 = vector.broadcast %add3A_63 : i32 to vector<16xi32>
      %add3A_65 = arith.addi %mul3A_62, %add3A_64 : vector<16xi32>
      %gather3A = tpu.vector_load_idx %arg7[%add3A_65] : memref<50000xf32, #tpu.memory_space<vmem>>[vector<16xi32>], vector<16xf32>,
      %mul3A_66 = arith.constant 5 : i32
      %mul3A_67 = vector.broadcast %mul3A_66 : i32 to vector<16xi32>
      %mul3A_68 = arith.muli %get3A_57, %mul3A_67 : vector<16xi32>
      %add3A_69 = arith.constant 1 : i32
      %add3A_70 = vector.broadcast %add3A_69 : i32 to vector<16xi32>
      %add3A_71 = arith.addi %mul3A_68, %add3A_70 : vector<16xi32>
      %gather3A_72 = tpu.vector_load_idx %arg7[%add3A_71] : memref<50000xf32, #tpu.memory_space<vmem>>[vector<16xi32>], vector<16xf32>,
      %mul3A_73 = arith.constant 5 : i32
      %mul3A_74 = vector.broadcast %mul3A_73 : i32 to vector<16xi32>
      %mul3A_75 = arith.muli %get3A_57, %mul3A_74 : vector<16xi32>
      %add3A_76 = arith.constant 2 : i32
      %add3A_77 = vector.broadcast %add3A_76 : i32 to vector<16xi32>
      %add3A_78 = arith.addi %mul3A_75, %add3A_77 : vector<16xi32>
      %gather3A_79 = tpu.vector_load_idx %arg7[%add3A_78] : memref<50000xf32, #tpu.memory_space<vmem>>[vector<16xi32>], vector<16xf32>,
      %mul3A_80 = arith.constant 5 : i32
      %mul3A_81 = vector.broadcast %mul3A_80 : i32 to vector<16xi32>
      %mul3A_82 = arith.muli %get3A_57, %mul3A_81 : vector<16xi32>
      %add3A_83 = arith.constant 3 : i32
      %add3A_84 = vector.broadcast %add3A_83 : i32 to vector<16xi32>
      %add3A_85 = arith.addi %mul3A_82, %add3A_84 : vector<16xi32>
      %gather3A_86 = tpu.vector_load_idx %arg7[%add3A_85] : memref<50000xf32, #tpu.memory_space<vmem>>[vector<16xi32>], vector<16xf32>,
      %mul3A_87 = arith.constant 5 : i32
      %mul3A_88 = vector.broadcast %mul3A_87 : i32 to vector<16xi32>
      %mul3A_89 = arith.muli %get3A_57, %mul3A_88 : vector<16xi32>
      %add3A_90 = arith.constant 4 : i32
      %add3A_91 = vector.broadcast %add3A_90 : i32 to vector<16xi32>
      %add3A_92 = arith.addi %mul3A_89, %add3A_91 : vector<16xi32>
      %gather3A_93 = tpu.vector_load_idx %arg7[%add3A_92] : memref<50000xf32, #tpu.memory_space<vmem>>[vector<16xi32>], vector<16xf32>,
      %mul3A_94 = arith.constant 5 : i32
      %mul3A_95 = vector.broadcast %mul3A_94 : i32 to vector<16xi32>
      %mul3A_96 = arith.muli %get3A_55, %mul3A_95 : vector<16xi32>
      %add3A_97 = arith.constant 0 : i32
      %add3A_98 = vector.broadcast %add3A_97 : i32 to vector<16xi32>
      %add3A_99 = arith.addi %mul3A_96, %add3A_98 : vector<16xi32>
      %gather3A_100 = tpu.vector_load_idx %arg7[%add3A_99] : memref<50000xf32, #tpu.memory_space<vmem>>[vector<16xi32>], vector<16xf32>,
      %mul3A_101 = arith.constant 5 : i32
      %mul3A_102 = vector.broadcast %mul3A_101 : i32 to vector<16xi32>
      %mul3A_103 = arith.muli %get3A_55, %mul3A_102 : vector<16xi32>
      %add3A_104 = arith.constant 1 : i32
      %add3A_105 = vector.broadcast %add3A_104 : i32 to vector<16xi32>
      %add3A_106 = arith.addi %mul3A_103, %add3A_105 : vector<16xi32>
      %gather3A_107 = tpu.vector_load_idx %arg7[%add3A_106] : memref<50000xf32, #tpu.memory_space<vmem>>[vector<16xi32>], vector<16xf32>,
      %mul3A_108 = arith.constant 5 : i32
      %mul3A_109 = vector.broadcast %mul3A_108 : i32 to vector<16xi32>
      %mul3A_110 = arith.muli %get3A_55, %mul3A_109 : vector<16xi32>
      %add3A_111 = arith.constant 2 : i32
      %add3A_112 = vector.broadcast %add3A_111 : i32 to vector<16xi32>
      %add3A_113 = arith.addi %mul3A_110, %add3A_112 : vector<16xi32>
      %gather3A_114 = tpu.vector_load_idx %arg7[%add3A_113] : memref<50000xf32, #tpu.memory_space<vmem>>[vector<16xi32>], vector<16xf32>,
      %mul3A_115 = arith.constant 5 : i32
      %mul3A_116 = vector.broadcast %mul3A_115 : i32 to vector<16xi32>
      %mul3A_117 = arith.muli %get3A_55, %mul3A_116 : vector<16xi32>
      %add3A_118 = arith.constant 3 : i32
      %add3A_119 = vector.broadcast %add3A_118 : i32 to vector<16xi32>
      %add3A_120 = arith.addi %mul3A_117, %add3A_119 : vector<16xi32>
      %gather3A_121 = tpu.vector_load_idx %arg7[%add3A_120] : memref<50000xf32, #tpu.memory_space<vmem>>[vector<16xi32>], vector<16xf32>,
      %mul3A_122 = arith.constant 5 : i32
      %mul3A_123 = vector.broadcast %mul3A_122 : i32 to vector<16xi32>
      %mul3A_124 = arith.muli %get3A_55, %mul3A_123 : vector<16xi32>
      %add3A_125 = arith.constant 4 : i32
      %add3A_126 = vector.broadcast %add3A_125 : i32 to vector<16xi32>
      %add3A_127 = arith.addi %mul3A_124, %add3A_126 : vector<16xi32>
      %gather3A_128 = tpu.vector_load_idx %arg7[%add3A_127] : memref<50000xf32, #tpu.memory_space<vmem>>[vector<16xi32>], vector<16xf32>,
      %mul3A_129 = arith.constant 4 : i32
      %mul3A_130 = vector.broadcast %mul3A_129 : i32 to vector<16xi32>
      %mul3A_131 = arith.muli %add3A_59, %mul3A_130 : vector<16xi32>
      %add3A_132 = arith.constant 0 : i32
      %add3A_133 = vector.broadcast %add3A_132 : i32 to vector<16xi32>
      %add3A_134 = arith.addi %mul3A_131, %add3A_133 : vector<16xi32>
      %gather3A_135 = tpu.vector_load_idx %arg10[%add3A_134] : memref<4096xf32, #tpu.memory_space<vmem>>[vector<16xi32>], vector<16xf32>,
      %mul3A_136 = arith.constant 4 : i32
      %mul3A_137 = vector.broadcast %mul3A_136 : i32 to vector<16xi32>
      %mul3A_138 = arith.muli %add3A_59, %mul3A_137 : vector<16xi32>
      %add3A_139 = arith.constant 1 : i32
      %add3A_140 = vector.broadcast %add3A_139 : i32 to vector<16xi32>
      %add3A_141 = arith.addi %mul3A_138, %add3A_140 : vector<16xi32>
      %gather3A_142 = tpu.vector_load_idx %arg10[%add3A_141] : memref<4096xf32, #tpu.memory_space<vmem>>[vector<16xi32>], vector<16xf32>,
      %mul3A_143 = arith.constant 4 : i32
      %mul3A_144 = vector.broadcast %mul3A_143 : i32 to vector<16xi32>
      %mul3A_145 = arith.muli %add3A_59, %mul3A_144 : vector<16xi32>
      %add3A_146 = arith.constant 2 : i32
      %add3A_147 = vector.broadcast %add3A_146 : i32 to vector<16xi32>
      %add3A_148 = arith.addi %mul3A_145, %add3A_147 : vector<16xi32>
      %gather3A_149 = tpu.vector_load_idx %arg10[%add3A_148] : memref<4096xf32, #tpu.memory_space<vmem>>[vector<16xi32>], vector<16xf32>,
      %mul3A_150 = arith.constant 4 : i32
      %mul3A_151 = vector.broadcast %mul3A_150 : i32 to vector<16xi32>
      %mul3A_152 = arith.muli %add3A_59, %mul3A_151 : vector<16xi32>
      %add3A_153 = arith.constant 3 : i32
      %add3A_154 = vector.broadcast %add3A_153 : i32 to vector<16xi32>
      %add3A_155 = arith.addi %mul3A_152, %add3A_154 : vector<16xi32>
      %gather3A_156 = tpu.vector_load_idx %arg10[%add3A_155] : memref<4096xf32, #tpu.memory_space<vmem>>[vector<16xi32>], vector<16xf32>,
      %mul3A_157 = arith.mulf %gather3A_79, %gather3A_114 : vector<16xf32>
      %mul3A_158 = arith.mulf %gather3A_86, %gather3A_121 : vector<16xf32>
      %add3A_159 = arith.addf %mul3A_157, %mul3A_158 : vector<16xf32>
      %mul3A_160 = arith.mulf %gather3A_93, %gather3A_128 : vector<16xf32>
      %add3A_161 = arith.addf %add3A_159, %mul3A_160 : vector<16xf32>
      %mul3A_162 = arith.mulf %gather3A_114, %gather3A_135 : vector<16xf32>
      %mul3A_163 = arith.mulf %gather3A_121, %gather3A_142 : vector<16xf32>
      %add3A_164 = arith.addf %mul3A_162, %mul3A_163 : vector<16xf32>
      %mul3A_165 = arith.mulf %gather3A_128, %gather3A_149 : vector<16xf32>
      %add3A_166 = arith.addf %add3A_164, %mul3A_165 : vector<16xf32>
      %broadcast_in_dim3A = arith.constant 0.000000e+00 : f32
      %broadcast_in_dim3A_167 = vector.broadcast %broadcast_in_dim3A : f32 to vector<16xf32>
      %swap3A = arith.constant 0 : i32
      %swap3A_168 = arith.index_cast %swap3A : i32 to index
      %swap3A_169 = arith.index_cast %mul3A_54 : i32 to index
      %swap3A_170 = tpu.vector_load %arg11[%swap3A_168, %swap3A_169] {strides = array<i32>} : memref<16x1024xf32, #tpu.memory_space<vmem>>, vector<16xf32>,
      tpu.vector_store %arg11[%swap3A_168, %swap3A_169], %gather3A_79 {strides = array<i32>} : memref<16x1024xf32, #tpu.memory_space<vmem>>, vector<16xf32>,
      %swap3A_171 = arith.constant 1 : i32
      %swap3A_172 = arith.index_cast %swap3A_171 : i32 to index
      %swap3A_173 = arith.index_cast %mul3A_54 : i32 to index
      %swap3A_174 = tpu.vector_load %arg11[%swap3A_172, %swap3A_173] {strides = array<i32>} : memref<16x1024xf32, #tpu.memory_space<vmem>>, vector<16xf32>,
      tpu.vector_store %arg11[%swap3A_172, %swap3A_173], %gather3A_86 {strides = array<i32>} : memref<16x1024xf32, #tpu.memory_space<vmem>>, vector<16xf32>,
      %swap3A_175 = arith.constant 2 : i32
      %swap3A_176 = arith.index_cast %swap3A_175 : i32 to index
      %swap3A_177 = arith.index_cast %mul3A_54 : i32 to index
      %swap3A_178 = tpu.vector_load %arg11[%swap3A_176, %swap3A_177] {strides = array<i32>} : memref<16x1024xf32, #tpu.memory_space<vmem>>, vector<16xf32>,
      tpu.vector_store %arg11[%swap3A_176, %swap3A_177], %gather3A_93 {strides = array<i32>} : memref<16x1024xf32, #tpu.memory_space<vmem>>, vector<16xf32>,
      %swap3A_179 = arith.constant 3 : i32
      %swap3A_180 = arith.index_cast %swap3A_179 : i32 to index
      %swap3A_181 = arith.index_cast %mul3A_54 : i32 to index
      %swap3A_182 = tpu.vector_load %arg11[%swap3A_180, %swap3A_181] {strides = array<i32>} : memref<16x1024xf32, #tpu.memory_space<vmem>>, vector<16xf32>,
      tpu.vector_store %arg11[%swap3A_180, %swap3A_181], %gather3A_114 {strides = array<i32>} : memref<16x1024xf32, #tpu.memory_space<vmem>>, vector<16xf32>,
      %swap3A_183 = arith.constant 4 : i32
      %swap3A_184 = arith.index_cast %swap3A_183 : i32 to index
      %swap3A_185 = arith.index_cast %mul3A_54 : i32 to index
      %swap3A_186 = tpu.vector_load %arg11[%swap3A_184, %swap3A_185] {strides = array<i32>} : memref<16x1024xf32, #tpu.memory_space<vmem>>, vector<16xf32>,
      tpu.vector_store %arg11[%swap3A_184, %swap3A_185], %gather3A_121 {strides = array<i32>} : memref<16x1024xf32, #tpu.memory_space<vmem>>, vector<16xf32>,
      %swap3A_187 = arith.constant 5 : i32
      %swap3A_188 = arith.index_cast %swap3A_187 : i32 to index
      %swap3A_189 = arith.index_cast %mul3A_54 : i32 to index
      %swap3A_190 = tpu.vector_load %arg11[%swap3A_188, %swap3A_189] {strides = array<i32>} : memref<16x1024xf32, #tpu.memory_space<vmem>>, vector<16xf32>,
      tpu.vector_store %arg11[%swap3A_188, %swap3A_189], %gather3A_128 {strides = array<i32>} : memref<16x1024xf32, #tpu.memory_space<vmem>>, vector<16xf32>,
      %swap3A_191 = arith.constant 6 : i32
      %swap3A_192 = arith.index_cast %swap3A_191 : i32 to index
      %swap3A_193 = arith.index_cast %mul3A_54 : i32 to index
      %swap3A_194 = tpu.vector_load %arg11[%swap3A_192, %swap3A_193] {strides = array<i32>} : memref<16x1024xf32, #tpu.memory_space<vmem>>, vector<16xf32>,
      tpu.vector_store %arg11[%swap3A_192, %swap3A_193], %add3A_161 {strides = array<i32>} : memref<16x1024xf32, #tpu.memory_space<vmem>>, vector<16xf32>,
      %swap3A_195 = arith.constant 7 : i32
      %swap3A_196 = arith.index_cast %swap3A_195 : i32 to index
      %swap3A_197 = arith.index_cast %mul3A_54 : i32 to index
      %swap3A_198 = tpu.vector_load %arg11[%swap3A_196, %swap3A_197] {strides = array<i32>} : memref<16x1024xf32, #tpu.memory_space<vmem>>, vector<16xf32>,
      tpu.vector_store %arg11[%swap3A_196, %swap3A_197], %add3A_166 {strides = array<i32>} : memref<16x1024xf32, #tpu.memory_space<vmem>>, vector<16xf32>,
      %swap3A_199 = arith.constant 8 : i32
      %swap3A_200 = arith.index_cast %swap3A_199 : i32 to index
      %swap3A_201 = arith.index_cast %mul3A_54 : i32 to index
      %swap3A_202 = tpu.vector_load %arg11[%swap3A_200, %swap3A_201] {strides = array<i32>} : memref<16x1024xf32, #tpu.memory_space<vmem>>, vector<16xf32>,
      tpu.vector_store %arg11[%swap3A_200, %swap3A_201], %gather3A_156 {strides = array<i32>} : memref<16x1024xf32, #tpu.memory_space<vmem>>, vector<16xf32>,
      %swap3A_203 = arith.constant 9 : i32
      %swap3A_204 = arith.index_cast %swap3A_203 : i32 to index
      %swap3A_205 = arith.index_cast %mul3A_54 : i32 to index
      %swap3A_206 = tpu.vector_load %arg11[%swap3A_204, %swap3A_205] {strides = array<i32>} : memref<16x1024xf32, #tpu.memory_space<vmem>>, vector<16xf32>,
      tpu.vector_store %arg11[%swap3A_204, %swap3A_205], %gather3A {strides = array<i32>} : memref<16x1024xf32, #tpu.memory_space<vmem>>, vector<16xf32>,
      %swap3A_207 = arith.constant 10 : i32
      %swap3A_208 = arith.index_cast %swap3A_207 : i32 to index
      %swap3A_209 = arith.index_cast %mul3A_54 : i32 to index
      %swap3A_210 = tpu.vector_load %arg11[%swap3A_208, %swap3A_209] {strides = array<i32>} : memref<16x1024xf32, #tpu.memory_space<vmem>>, vector<16xf32>,
      tpu.vector_store %arg11[%swap3A_208, %swap3A_209], %gather3A_72 {strides = array<i32>} : memref<16x1024xf32, #tpu.memory_space<vmem>>, vector<16xf32>,
      %swap3A_211 = arith.constant 11 : i32
      %swap3A_212 = arith.index_cast %swap3A_211 : i32 to index
      %swap3A_213 = arith.index_cast %mul3A_54 : i32 to index
      %swap3A_214 = tpu.vector_load %arg11[%swap3A_212, %swap3A_213] {strides = array<i32>} : memref<16x1024xf32, #tpu.memory_space<vmem>>, vector<16xf32>,
      tpu.vector_store %arg11[%swap3A_212, %swap3A_213], %gather3A_100 {strides = array<i32>} : memref<16x1024xf32, #tpu.memory_space<vmem>>, vector<16xf32>,
      %swap3A_215 = arith.constant 12 : i32
      %swap3A_216 = arith.index_cast %swap3A_215 : i32 to index
      %swap3A_217 = arith.index_cast %mul3A_54 : i32 to index
      %swap3A_218 = tpu.vector_load %arg11[%swap3A_216, %swap3A_217] {strides = array<i32>} : memref<16x1024xf32, #tpu.memory_space<vmem>>, vector<16xf32>,
      tpu.vector_store %arg11[%swap3A_216, %swap3A_217], %gather3A_107 {strides = array<i32>} : memref<16x1024xf32, #tpu.memory_space<vmem>>, vector<16xf32>,
      %swap3A_219 = arith.constant 13 : i32
      %swap3A_220 = arith.index_cast %swap3A_219 : i32 to index
      %swap3A_221 = arith.index_cast %mul3A_54 : i32 to index
      %swap3A_222 = tpu.vector_load %arg11[%swap3A_220, %swap3A_221] {strides = array<i32>} : memref<16x1024xf32, #tpu.memory_space<vmem>>, vector<16xf32>,
      tpu.vector_store %arg11[%swap3A_220, %swap3A_221], %broadcast_in_dim3A_167 {strides = array<i32>} : memref<16x1024xf32, #tpu.memory_space<vmem>>, vector<16xf32>,
      %swap3A_223 = arith.constant 14 : i32
      %swap3A_224 = arith.index_cast %swap3A_223 : i32 to index
      %swap3A_225 = arith.index_cast %mul3A_54 : i32 to index
      %swap3A_226 = tpu.vector_load %arg11[%swap3A_224, %swap3A_225] {strides = array<i32>} : memref<16x1024xf32, #tpu.memory_space<vmem>>, vector<16xf32>,
      tpu.vector_store %arg11[%swap3A_224, %swap3A_225], %broadcast_in_dim3A_167 {strides = array<i32>} : memref<16x1024xf32, #tpu.memory_space<vmem>>, vector<16xf32>,
      %swap3A_227 = arith.constant 15 : i32
      %swap3A_228 = arith.index_cast %swap3A_227 : i32 to index
      %swap3A_229 = arith.index_cast %mul3A_54 : i32 to index
      %swap3A_230 = tpu.vector_load %arg11[%swap3A_228, %swap3A_229] {strides = array<i32>} : memref<16x1024xf32, #tpu.memory_space<vmem>>, vector<16xf32>,
      tpu.vector_store %arg11[%swap3A_228, %swap3A_229], %broadcast_in_dim3A_167 {strides = array<i32>} : memref<16x1024xf32, #tpu.memory_space<vmem>>, vector<16xf32>,
    }
    %scan3A_11 = arith.constant 64 : i32
    "tpu.region"() ({
      %run_scoped3A = tpu.sem_alloc : memref<!tpu.dma_semaphore, #tpu.memory_space<semaphore_mem>>
      %dma_start3A = arith.constant 0 : i32
      %dma_start3A_52 = arith.constant 0 : i32
      %dma_start3A_53 = tpu.memref_slice %arg11[%dma_start3A, %dma_start3A_52] : memref<16x1024xf32, #tpu.memory_space<vmem>> -> memref<16x1024xf32, #tpu.memory_space<vmem>>
      %dma_start3A_54 = arith.constant 0 : i32
      %dma_start3A_55 = tpu.memref_slice %arg6[%dma_start3A_54, %add3A_4] : memref<16x163840xf32, #tpu.memory_space<hbm>> -> memref<16x1024xf32, #tpu.memory_space<hbm>>
      %dma_start3A_56 = arith.constant 0 : i32
      %dma_start3A_57 = tpu.memref_slice %arg6[%dma_start3A_56, %add3A_4] : memref<16x163840xf32, #tpu.memory_space<hbm>> -> memref<16x1024xf32, #tpu.memory_space<hbm>>
      %dma_start3A_58 = arith.constant 0 : i32
      %dma_start3A_59 = arith.constant 0 : i32
      %dma_start3A_60 = tpu.memref_slice %arg11[%dma_start3A_58, %dma_start3A_59] : memref<16x1024xf32, #tpu.memory_space<vmem>> -> memref<16x1024xf32, #tpu.memory_space<vmem>>
      tpu.enqueue_dma source(%dma_start3A_60 : memref<16x1024xf32, #tpu.memory_space<vmem>>) target(%dma_start3A_57 : memref<16x1024xf32, #tpu.memory_space<hbm>>) target_semaphore(%run_scoped3A : memref<!tpu.dma_semaphore, #tpu.memory_space<semaphore_mem>>)
      %dma_wait3A = arith.constant 0 : i32
      %dma_wait3A_61 = arith.constant 0 : i32
      %dma_wait3A_62 = tpu.memref_slice %arg11[%dma_wait3A, %dma_wait3A_61] : memref<16x1024xf32, #tpu.memory_space<vmem>> -> memref<16x1024xf32, #tpu.memory_space<vmem>>
      %dma_wait3A_63 = arith.constant 0 : i32
      %dma_wait3A_64 = tpu.memref_slice %arg6[%dma_wait3A_63, %add3A_4] : memref<16x163840xf32, #tpu.memory_space<hbm>> -> memref<16x1024xf32, #tpu.memory_space<hbm>>
      %dma_wait3A_65 = arith.constant 0 : i32
      %dma_wait3A_66 = tpu.memref_slice %arg6[%dma_wait3A_65, %add3A_4] : memref<16x163840xf32, #tpu.memory_space<hbm>> -> memref<16x1024xf32, #tpu.memory_space<hbm>>
      %dma_wait3A_67 = arith.constant 0 : i32
      %dma_wait3A_68 = arith.constant 0 : i32
      %dma_wait3A_69 = tpu.memref_slice %arg11[%dma_wait3A_67, %dma_wait3A_68] : memref<16x1024xf32, #tpu.memory_space<vmem>> -> memref<16x1024xf32, #tpu.memory_space<vmem>>
      tpu.wait_dma2 semaphore(%run_scoped3A : memref<!tpu.dma_semaphore, #tpu.memory_space<semaphore_mem>>) src(%dma_wait3A_69 : memref<16x1024xf32, #tpu.memory_space<vmem>>) dst(%dma_wait3A_66 : memref<16x1024xf32, #tpu.memory_space<hbm>>)
      tpu.yield
    }) : () -> ()
    %add3A_12 = arith.constant 1024 : i32
    %add3A_13 = arith.addi %mul3A_2, %add3A_12 : i32
    "tpu.region"() ({
      %run_scoped3A = tpu.sem_alloc : memref<!tpu.dma_semaphore, #tpu.memory_space<semaphore_mem>>
      %dma_start3A = arith.constant 0 : i32
      %dma_start3A_52 = tpu.memref_slice %arg8[%dma_start3A] : memref<1024xi32, #tpu.memory_space<vmem>> -> memref<1024xi32, #tpu.memory_space<vmem>>
      %dma_start3A_53 = tpu.memref_slice %arg3[%add3A_13] : memref<163840xi32, #tpu.memory_space<hbm>> -> memref<1024xi32, #tpu.memory_space<hbm>>
      %dma_start3A_54 = arith.constant 0 : i32
      %dma_start3A_55 = tpu.memref_slice %arg8[%dma_start3A_54] : memref<1024xi32, #tpu.memory_space<vmem>> -> memref<1024xi32, #tpu.memory_space<vmem>>
      %dma_start3A_56 = tpu.memref_slice %arg3[%add3A_13] : memref<163840xi32, #tpu.memory_space<hbm>> -> memref<1024xi32, #tpu.memory_space<hbm>>
      tpu.enqueue_dma source(%dma_start3A_56 : memref<1024xi32, #tpu.memory_space<hbm>>) target(%dma_start3A_55 : memref<1024xi32, #tpu.memory_space<vmem>>) target_semaphore(%run_scoped3A : memref<!tpu.dma_semaphore, #tpu.memory_space<semaphore_mem>>)
      %dma_wait3A = arith.constant 0 : i32
      %dma_wait3A_57 = tpu.memref_slice %arg8[%dma_wait3A] : memref<1024xi32, #tpu.memory_space<vmem>> -> memref<1024xi32, #tpu.memory_space<vmem>>
      %dma_wait3A_58 = tpu.memref_slice %arg3[%add3A_13] : memref<163840xi32, #tpu.memory_space<hbm>> -> memref<1024xi32, #tpu.memory_space<hbm>>
      %dma_wait3A_59 = arith.constant 0 : i32
      %dma_wait3A_60 = tpu.memref_slice %arg8[%dma_wait3A_59] : memref<1024xi32, #tpu.memory_space<vmem>> -> memref<1024xi32, #tpu.memory_space<vmem>>
      %dma_wait3A_61 = tpu.memref_slice %arg3[%add3A_13] : memref<163840xi32, #tpu.memory_space<hbm>> -> memref<1024xi32, #tpu.memory_space<hbm>>
      tpu.wait_dma2 semaphore(%run_scoped3A : memref<!tpu.dma_semaphore, #tpu.memory_space<semaphore_mem>>) src(%dma_wait3A_61 : memref<1024xi32, #tpu.memory_space<hbm>>) dst(%dma_wait3A_60 : memref<1024xi32, #tpu.memory_space<vmem>>)
      tpu.yield
    }) : () -> ()
    "tpu.region"() ({
      %run_scoped3A = tpu.sem_alloc : memref<!tpu.dma_semaphore, #tpu.memory_space<semaphore_mem>>
      %dma_start3A = arith.constant 0 : i32
      %dma_start3A_52 = tpu.memref_slice %arg9[%dma_start3A] : memref<1024xi32, #tpu.memory_space<vmem>> -> memref<1024xi32, #tpu.memory_space<vmem>>
      %dma_start3A_53 = tpu.memref_slice %arg4[%add3A_13] : memref<163840xi32, #tpu.memory_space<hbm>> -> memref<1024xi32, #tpu.memory_space<hbm>>
      %dma_start3A_54 = arith.constant 0 : i32
      %dma_start3A_55 = tpu.memref_slice %arg9[%dma_start3A_54] : memref<1024xi32, #tpu.memory_space<vmem>> -> memref<1024xi32, #tpu.memory_space<vmem>>
      %dma_start3A_56 = tpu.memref_slice %arg4[%add3A_13] : memref<163840xi32, #tpu.memory_space<hbm>> -> memref<1024xi32, #tpu.memory_space<hbm>>
      tpu.enqueue_dma source(%dma_start3A_56 : memref<1024xi32, #tpu.memory_space<hbm>>) target(%dma_start3A_55 : memref<1024xi32, #tpu.memory_space<vmem>>) target_semaphore(%run_scoped3A : memref<!tpu.dma_semaphore, #tpu.memory_space<semaphore_mem>>)
      %dma_wait3A = arith.constant 0 : i32
      %dma_wait3A_57 = tpu.memref_slice %arg9[%dma_wait3A] : memref<1024xi32, #tpu.memory_space<vmem>> -> memref<1024xi32, #tpu.memory_space<vmem>>
      %dma_wait3A_58 = tpu.memref_slice %arg4[%add3A_13] : memref<163840xi32, #tpu.memory_space<hbm>> -> memref<1024xi32, #tpu.memory_space<hbm>>
      %dma_wait3A_59 = arith.constant 0 : i32
      %dma_wait3A_60 = tpu.memref_slice %arg9[%dma_wait3A_59] : memref<1024xi32, #tpu.memory_space<vmem>> -> memref<1024xi32, #tpu.memory_space<vmem>>
      %dma_wait3A_61 = tpu.memref_slice %arg4[%add3A_13] : memref<163840xi32, #tpu.memory_space<hbm>> -> memref<1024xi32, #tpu.memory_space<hbm>>
      tpu.wait_dma2 semaphore(%run_scoped3A : memref<!tpu.dma_semaphore, #tpu.memory_space<semaphore_mem>>) src(%dma_wait3A_61 : memref<1024xi32, #tpu.memory_space<hbm>>) dst(%dma_wait3A_60 : memref<1024xi32, #tpu.memory_space<vmem>>)
      tpu.yield
    }) : () -> ()
    %mul3A_14 = arith.constant 4 : i32
    %mul3A_15 = arith.muli %add3A_13, %mul3A_14 : i32
    "tpu.region"() ({
      %run_scoped3A = tpu.sem_alloc : memref<!tpu.dma_semaphore, #tpu.memory_space<semaphore_mem>>
      %dma_start3A = arith.constant 0 : i32
      %dma_start3A_52 = tpu.memref_slice %arg10[%dma_start3A] : memref<4096xf32, #tpu.memory_space<vmem>> -> memref<4096xf32, #tpu.memory_space<vmem>>
      %dma_start3A_53 = tpu.memref_slice %arg5[%mul3A_15] : memref<655360xf32, #tpu.memory_space<hbm>> -> memref<4096xf32, #tpu.memory_space<hbm>>
      %dma_start3A_54 = arith.constant 0 : i32
      %dma_start3A_55 = tpu.memref_slice %arg10[%dma_start3A_54] : memref<4096xf32, #tpu.memory_space<vmem>> -> memref<4096xf32, #tpu.memory_space<vmem>>
      %dma_start3A_56 = tpu.memref_slice %arg5[%mul3A_15] : memref<655360xf32, #tpu.memory_space<hbm>> -> memref<4096xf32, #tpu.memory_space<hbm>>
      tpu.enqueue_dma source(%dma_start3A_56 : memref<4096xf32, #tpu.memory_space<hbm>>) target(%dma_start3A_55 : memref<4096xf32, #tpu.memory_space<vmem>>) target_semaphore(%run_scoped3A : memref<!tpu.dma_semaphore, #tpu.memory_space<semaphore_mem>>)
      %dma_wait3A = arith.constant 0 : i32
      %dma_wait3A_57 = tpu.memref_slice %arg10[%dma_wait3A] : memref<4096xf32, #tpu.memory_space<vmem>> -> memref<4096xf32, #tpu.memory_space<vmem>>
      %dma_wait3A_58 = tpu.memref_slice %arg5[%mul3A_15] : memref<655360xf32, #tpu.memory_space<hbm>> -> memref<4096xf32, #tpu.memory_space<hbm>>
      %dma_wait3A_59 = arith.constant 0 : i32
      %dma_wait3A_60 = tpu.memref_slice %arg10[%dma_wait3A_59] : memref<4096xf32, #tpu.memory_space<vmem>> -> memref<4096xf32, #tpu.memory_space<vmem>>
      %dma_wait3A_61 = tpu.memref_slice %arg5[%mul3A_15] : memref<655360xf32, #tpu.memory_space<hbm>> -> memref<4096xf32, #tpu.memory_space<hbm>>
      tpu.wait_dma2 semaphore(%run_scoped3A : memref<!tpu.dma_semaphore, #tpu.memory_space<semaphore_mem>>) src(%dma_wait3A_61 : memref<4096xf32, #tpu.memory_space<hbm>>) dst(%dma_wait3A_60 : memref<4096xf32, #tpu.memory_space<vmem>>)
      tpu.yield
    }) : () -> ()
    %scan3A_16 = arith.constant 0 : i32
    %scan3A_17 = arith.constant 0 : i32
    %scan3A_18 = arith.constant 64 : i32
    %scan3A_19 = arith.addi %scan3A_17, %scan3A_18 : i32
    %scan3A_20 = arith.constant 1 : i32
    scf.for %scan3A_52 = %scan3A_17 to %scan3A_19 step %scan3A_20  : i32 {
      %mul3A_53 = arith.constant 16 : i32
      %mul3A_54 = arith.muli %scan3A_52, %mul3A_53 : i32
      %get3A = arith.index_cast %mul3A_54 : i32 to index
      %get3A_55 = tpu.vector_load %arg8[%get3A] {strides = array<i32>} : memref<1024xi32, #tpu.memory_space<vmem>>, vector<16xi32>,
      %get3A_56 = arith.index_cast %mul3A_54 : i32 to index
      %get3A_57 = tpu.vector_load %arg9[%get3A_56] {strides = array<i32>} : memref<1024xi32, #tpu.memory_space<vmem>>, vector<16xi32>,
      %add3A_58 = vector.broadcast %mul3A_54 : i32 to vector<16xi32>
      %add3A_59 = arith.addi %add3A_58, %iota3A : vector<16xi32>
      %mul3A_60 = arith.constant 5 : i32
      %mul3A_61 = vector.broadcast %mul3A_60 : i32 to vector<16xi32>
      %mul3A_62 = arith.muli %get3A_57, %mul3A_61 : vector<16xi32>
      %add3A_63 = arith.constant 0 : i32
      %add3A_64 = vector.broadcast %add3A_63 : i32 to vector<16xi32>
      %add3A_65 = arith.addi %mul3A_62, %add3A_64 : vector<16xi32>
      %gather3A = tpu.vector_load_idx %arg7[%add3A_65] : memref<50000xf32, #tpu.memory_space<vmem>>[vector<16xi32>], vector<16xf32>,
      %mul3A_66 = arith.constant 5 : i32
      %mul3A_67 = vector.broadcast %mul3A_66 : i32 to vector<16xi32>
      %mul3A_68 = arith.muli %get3A_57, %mul3A_67 : vector<16xi32>
      %add3A_69 = arith.constant 1 : i32
      %add3A_70 = vector.broadcast %add3A_69 : i32 to vector<16xi32>
      %add3A_71 = arith.addi %mul3A_68, %add3A_70 : vector<16xi32>
      %gather3A_72 = tpu.vector_load_idx %arg7[%add3A_71] : memref<50000xf32, #tpu.memory_space<vmem>>[vector<16xi32>], vector<16xf32>,
      %mul3A_73 = arith.constant 5 : i32
      %mul3A_74 = vector.broadcast %mul3A_73 : i32 to vector<16xi32>
      %mul3A_75 = arith.muli %get3A_57, %mul3A_74 : vector<16xi32>
      %add3A_76 = arith.constant 2 : i32
      %add3A_77 = vector.broadcast %add3A_76 : i32 to vector<16xi32>
      %add3A_78 = arith.addi %mul3A_75, %add3A_77 : vector<16xi32>
      %gather3A_79 = tpu.vector_load_idx %arg7[%add3A_78] : memref<50000xf32, #tpu.memory_space<vmem>>[vector<16xi32>], vector<16xf32>,
      %mul3A_80 = arith.constant 5 : i32
      %mul3A_81 = vector.broadcast %mul3A_80 : i32 to vector<16xi32>
      %mul3A_82 = arith.muli %get3A_57, %mul3A_81 : vector<16xi32>
      %add3A_83 = arith.constant 3 : i32
      %add3A_84 = vector.broadcast %add3A_83 : i32 to vector<16xi32>
      %add3A_85 = arith.addi %mul3A_82, %add3A_84 : vector<16xi32>
      %gather3A_86 = tpu.vector_load_idx %arg7[%add3A_85] : memref<50000xf32, #tpu.memory_space<vmem>>[vector<16xi32>], vector<16xf32>,
      %mul3A_87 = arith.constant 5 : i32
      %mul3A_88 = vector.broadcast %mul3A_87 : i32 to vector<16xi32>
      %mul3A_89 = arith.muli %get3A_57, %mul3A_88 : vector<16xi32>
      %add3A_90 = arith.constant 4 : i32
      %add3A_91 = vector.broadcast %add3A_90 : i32 to vector<16xi32>
      %add3A_92 = arith.addi %mul3A_89, %add3A_91 : vector<16xi32>
      %gather3A_93 = tpu.vector_load_idx %arg7[%add3A_92] : memref<50000xf32, #tpu.memory_space<vmem>>[vector<16xi32>], vector<16xf32>,
      %mul3A_94 = arith.constant 5 : i32
      %mul3A_95 = vector.broadcast %mul3A_94 : i32 to vector<16xi32>
      %mul3A_96 = arith.muli %get3A_55, %mul3A_95 : vector<16xi32>
      %add3A_97 = arith.constant 0 : i32
      %add3A_98 = vector.broadcast %add3A_97 : i32 to vector<16xi32>
      %add3A_99 = arith.addi %mul3A_96, %add3A_98 : vector<16xi32>
      %gather3A_100 = tpu.vector_load_idx %arg7[%add3A_99] : memref<50000xf32, #tpu.memory_space<vmem>>[vector<16xi32>], vector<16xf32>,
      %mul3A_101 = arith.constant 5 : i32
      %mul3A_102 = vector.broadcast %mul3A_101 : i32 to vector<16xi32>
      %mul3A_103 = arith.muli %get3A_55, %mul3A_102 : vector<16xi32>
      %add3A_104 = arith.constant 1 : i32
      %add3A_105 = vector.broadcast %add3A_104 : i32 to vector<16xi32>
      %add3A_106 = arith.addi %mul3A_103, %add3A_105 : vector<16xi32>
      %gather3A_107 = tpu.vector_load_idx %arg7[%add3A_106] : memref<50000xf32, #tpu.memory_space<vmem>>[vector<16xi32>], vector<16xf32>,
      %mul3A_108 = arith.constant 5 : i32
      %mul3A_109 = vector.broadcast %mul3A_108 : i32 to vector<16xi32>
      %mul3A_110 = arith.muli %get3A_55, %mul3A_109 : vector<16xi32>
      %add3A_111 = arith.constant 2 : i32
      %add3A_112 = vector.broadcast %add3A_111 : i32 to vector<16xi32>
      %add3A_113 = arith.addi %mul3A_110, %add3A_112 : vector<16xi32>
      %gather3A_114 = tpu.vector_load_idx %arg7[%add3A_113] : memref<50000xf32, #tpu.memory_space<vmem>>[vector<16xi32>], vector<16xf32>,
      %mul3A_115 = arith.constant 5 : i32
      %mul3A_116 = vector.broadcast %mul3A_115 : i32 to vector<16xi32>
      %mul3A_117 = arith.muli %get3A_55, %mul3A_116 : vector<16xi32>
      %add3A_118 = arith.constant 3 : i32
      %add3A_119 = vector.broadcast %add3A_118 : i32 to vector<16xi32>
      %add3A_120 = arith.addi %mul3A_117, %add3A_119 : vector<16xi32>
      %gather3A_121 = tpu.vector_load_idx %arg7[%add3A_120] : memref<50000xf32, #tpu.memory_space<vmem>>[vector<16xi32>], vector<16xf32>,
      %mul3A_122 = arith.constant 5 : i32
      %mul3A_123 = vector.broadcast %mul3A_122 : i32 to vector<16xi32>
      %mul3A_124 = arith.muli %get3A_55, %mul3A_123 : vector<16xi32>
      %add3A_125 = arith.constant 4 : i32
      %add3A_126 = vector.broadcast %add3A_125 : i32 to vector<16xi32>
      %add3A_127 = arith.addi %mul3A_124, %add3A_126 : vector<16xi32>
      %gather3A_128 = tpu.vector_load_idx %arg7[%add3A_127] : memref<50000xf32, #tpu.memory_space<vmem>>[vector<16xi32>], vector<16xf32>,
      %mul3A_129 = arith.constant 4 : i32
      %mul3A_130 = vector.broadcast %mul3A_129 : i32 to vector<16xi32>
      %mul3A_131 = arith.muli %add3A_59, %mul3A_130 : vector<16xi32>
      %add3A_132 = arith.constant 0 : i32
      %add3A_133 = vector.broadcast %add3A_132 : i32 to vector<16xi32>
      %add3A_134 = arith.addi %mul3A_131, %add3A_133 : vector<16xi32>
      %gather3A_135 = tpu.vector_load_idx %arg10[%add3A_134] : memref<4096xf32, #tpu.memory_space<vmem>>[vector<16xi32>], vector<16xf32>,
      %mul3A_136 = arith.constant 4 : i32
      %mul3A_137 = vector.broadcast %mul3A_136 : i32 to vector<16xi32>
      %mul3A_138 = arith.muli %add3A_59, %mul3A_137 : vector<16xi32>
      %add3A_139 = arith.constant 1 : i32
      %add3A_140 = vector.broadcast %add3A_139 : i32 to vector<16xi32>
      %add3A_141 = arith.addi %mul3A_138, %add3A_140 : vector<16xi32>
      %gather3A_142 = tpu.vector_load_idx %arg10[%add3A_141] : memref<4096xf32, #tpu.memory_space<vmem>>[vector<16xi32>], vector<16xf32>,
      %mul3A_143 = arith.constant 4 : i32
      %mul3A_144 = vector.broadcast %mul3A_143 : i32 to vector<16xi32>
      %mul3A_145 = arith.muli %add3A_59, %mul3A_144 : vector<16xi32>
      %add3A_146 = arith.constant 2 : i32
      %add3A_147 = vector.broadcast %add3A_146 : i32 to vector<16xi32>
      %add3A_148 = arith.addi %mul3A_145, %add3A_147 : vector<16xi32>
      %gather3A_149 = tpu.vector_load_idx %arg10[%add3A_148] : memref<4096xf32, #tpu.memory_space<vmem>>[vector<16xi32>], vector<16xf32>,
      %mul3A_150 = arith.constant 4 : i32
      %mul3A_151 = vector.broadcast %mul3A_150 : i32 to vector<16xi32>
      %mul3A_152 = arith.muli %add3A_59, %mul3A_151 : vector<16xi32>
      %add3A_153 = arith.constant 3 : i32
      %add3A_154 = vector.broadcast %add3A_153 : i32 to vector<16xi32>
      %add3A_155 = arith.addi %mul3A_152, %add3A_154 : vector<16xi32>
      %gather3A_156 = tpu.vector_load_idx %arg10[%add3A_155] : memref<4096xf32, #tpu.memory_space<vmem>>[vector<16xi32>], vector<16xf32>,
      %mul3A_157 = arith.mulf %gather3A_79, %gather3A_114 : vector<16xf32>
      %mul3A_158 = arith.mulf %gather3A_86, %gather3A_121 : vector<16xf32>
      %add3A_159 = arith.addf %mul3A_157, %mul3A_158 : vector<16xf32>
      %mul3A_160 = arith.mulf %gather3A_93, %gather3A_128 : vector<16xf32>
      %add3A_161 = arith.addf %add3A_159, %mul3A_160 : vector<16xf32>
      %mul3A_162 = arith.mulf %gather3A_114, %gather3A_135 : vector<16xf32>
      %mul3A_163 = arith.mulf %gather3A_121, %gather3A_142 : vector<16xf32>
      %add3A_164 = arith.addf %mul3A_162, %mul3A_163 : vector<16xf32>
      %mul3A_165 = arith.mulf %gather3A_128, %gather3A_149 : vector<16xf32>
      %add3A_166 = arith.addf %add3A_164, %mul3A_165 : vector<16xf32>
      %broadcast_in_dim3A = arith.constant 0.000000e+00 : f32
      %broadcast_in_dim3A_167 = vector.broadcast %broadcast_in_dim3A : f32 to vector<16xf32>
      %swap3A = arith.constant 0 : i32
      %swap3A_168 = arith.index_cast %swap3A : i32 to index
      %swap3A_169 = arith.index_cast %mul3A_54 : i32 to index
      %swap3A_170 = tpu.vector_load %arg11[%swap3A_168, %swap3A_169] {strides = array<i32>} : memref<16x1024xf32, #tpu.memory_space<vmem>>, vector<16xf32>,
      tpu.vector_store %arg11[%swap3A_168, %swap3A_169], %gather3A_79 {strides = array<i32>} : memref<16x1024xf32, #tpu.memory_space<vmem>>, vector<16xf32>,
      %swap3A_171 = arith.constant 1 : i32
      %swap3A_172 = arith.index_cast %swap3A_171 : i32 to index
      %swap3A_173 = arith.index_cast %mul3A_54 : i32 to index
      %swap3A_174 = tpu.vector_load %arg11[%swap3A_172, %swap3A_173] {strides = array<i32>} : memref<16x1024xf32, #tpu.memory_space<vmem>>, vector<16xf32>,
      tpu.vector_store %arg11[%swap3A_172, %swap3A_173], %gather3A_86 {strides = array<i32>} : memref<16x1024xf32, #tpu.memory_space<vmem>>, vector<16xf32>,
      %swap3A_175 = arith.constant 2 : i32
      %swap3A_176 = arith.index_cast %swap3A_175 : i32 to index
      %swap3A_177 = arith.index_cast %mul3A_54 : i32 to index
      %swap3A_178 = tpu.vector_load %arg11[%swap3A_176, %swap3A_177] {strides = array<i32>} : memref<16x1024xf32, #tpu.memory_space<vmem>>, vector<16xf32>,
      tpu.vector_store %arg11[%swap3A_176, %swap3A_177], %gather3A_93 {strides = array<i32>} : memref<16x1024xf32, #tpu.memory_space<vmem>>, vector<16xf32>,
      %swap3A_179 = arith.constant 3 : i32
      %swap3A_180 = arith.index_cast %swap3A_179 : i32 to index
      %swap3A_181 = arith.index_cast %mul3A_54 : i32 to index
      %swap3A_182 = tpu.vector_load %arg11[%swap3A_180, %swap3A_181] {strides = array<i32>} : memref<16x1024xf32, #tpu.memory_space<vmem>>, vector<16xf32>,
      tpu.vector_store %arg11[%swap3A_180, %swap3A_181], %gather3A_114 {strides = array<i32>} : memref<16x1024xf32, #tpu.memory_space<vmem>>, vector<16xf32>,
      %swap3A_183 = arith.constant 4 : i32
      %swap3A_184 = arith.index_cast %swap3A_183 : i32 to index
      %swap3A_185 = arith.index_cast %mul3A_54 : i32 to index
      %swap3A_186 = tpu.vector_load %arg11[%swap3A_184, %swap3A_185] {strides = array<i32>} : memref<16x1024xf32, #tpu.memory_space<vmem>>, vector<16xf32>,
      tpu.vector_store %arg11[%swap3A_184, %swap3A_185], %gather3A_121 {strides = array<i32>} : memref<16x1024xf32, #tpu.memory_space<vmem>>, vector<16xf32>,
      %swap3A_187 = arith.constant 5 : i32
      %swap3A_188 = arith.index_cast %swap3A_187 : i32 to index
      %swap3A_189 = arith.index_cast %mul3A_54 : i32 to index
      %swap3A_190 = tpu.vector_load %arg11[%swap3A_188, %swap3A_189] {strides = array<i32>} : memref<16x1024xf32, #tpu.memory_space<vmem>>, vector<16xf32>,
      tpu.vector_store %arg11[%swap3A_188, %swap3A_189], %gather3A_128 {strides = array<i32>} : memref<16x1024xf32, #tpu.memory_space<vmem>>, vector<16xf32>,
      %swap3A_191 = arith.constant 6 : i32
      %swap3A_192 = arith.index_cast %swap3A_191 : i32 to index
      %swap3A_193 = arith.index_cast %mul3A_54 : i32 to index
      %swap3A_194 = tpu.vector_load %arg11[%swap3A_192, %swap3A_193] {strides = array<i32>} : memref<16x1024xf32, #tpu.memory_space<vmem>>, vector<16xf32>,
      tpu.vector_store %arg11[%swap3A_192, %swap3A_193], %add3A_161 {strides = array<i32>} : memref<16x1024xf32, #tpu.memory_space<vmem>>, vector<16xf32>,
      %swap3A_195 = arith.constant 7 : i32
      %swap3A_196 = arith.index_cast %swap3A_195 : i32 to index
      %swap3A_197 = arith.index_cast %mul3A_54 : i32 to index
      %swap3A_198 = tpu.vector_load %arg11[%swap3A_196, %swap3A_197] {strides = array<i32>} : memref<16x1024xf32, #tpu.memory_space<vmem>>, vector<16xf32>,
      tpu.vector_store %arg11[%swap3A_196, %swap3A_197], %add3A_166 {strides = array<i32>} : memref<16x1024xf32, #tpu.memory_space<vmem>>, vector<16xf32>,
      %swap3A_199 = arith.constant 8 : i32
      %swap3A_200 = arith.index_cast %swap3A_199 : i32 to index
      %swap3A_201 = arith.index_cast %mul3A_54 : i32 to index
      %swap3A_202 = tpu.vector_load %arg11[%swap3A_200, %swap3A_201] {strides = array<i32>} : memref<16x1024xf32, #tpu.memory_space<vmem>>, vector<16xf32>,
      tpu.vector_store %arg11[%swap3A_200, %swap3A_201], %gather3A_156 {strides = array<i32>} : memref<16x1024xf32, #tpu.memory_space<vmem>>, vector<16xf32>,
      %swap3A_203 = arith.constant 9 : i32
      %swap3A_204 = arith.index_cast %swap3A_203 : i32 to index
      %swap3A_205 = arith.index_cast %mul3A_54 : i32 to index
      %swap3A_206 = tpu.vector_load %arg11[%swap3A_204, %swap3A_205] {strides = array<i32>} : memref<16x1024xf32, #tpu.memory_space<vmem>>, vector<16xf32>,
      tpu.vector_store %arg11[%swap3A_204, %swap3A_205], %gather3A {strides = array<i32>} : memref<16x1024xf32, #tpu.memory_space<vmem>>, vector<16xf32>,
      %swap3A_207 = arith.constant 10 : i32
      %swap3A_208 = arith.index_cast %swap3A_207 : i32 to index
      %swap3A_209 = arith.index_cast %mul3A_54 : i32 to index
      %swap3A_210 = tpu.vector_load %arg11[%swap3A_208, %swap3A_209] {strides = array<i32>} : memref<16x1024xf32, #tpu.memory_space<vmem>>, vector<16xf32>,
      tpu.vector_store %arg11[%swap3A_208, %swap3A_209], %gather3A_72 {strides = array<i32>} : memref<16x1024xf32, #tpu.memory_space<vmem>>, vector<16xf32>,
      %swap3A_211 = arith.constant 11 : i32
      %swap3A_212 = arith.index_cast %swap3A_211 : i32 to index
      %swap3A_213 = arith.index_cast %mul3A_54 : i32 to index
      %swap3A_214 = tpu.vector_load %arg11[%swap3A_212, %swap3A_213] {strides = array<i32>} : memref<16x1024xf32, #tpu.memory_space<vmem>>, vector<16xf32>,
      tpu.vector_store %arg11[%swap3A_212, %swap3A_213], %gather3A_100 {strides = array<i32>} : memref<16x1024xf32, #tpu.memory_space<vmem>>, vector<16xf32>,
      %swap3A_215 = arith.constant 12 : i32
      %swap3A_216 = arith.index_cast %swap3A_215 : i32 to index
      %swap3A_217 = arith.index_cast %mul3A_54 : i32 to index
      %swap3A_218 = tpu.vector_load %arg11[%swap3A_216, %swap3A_217] {strides = array<i32>} : memref<16x1024xf32, #tpu.memory_space<vmem>>, vector<16xf32>,
      tpu.vector_store %arg11[%swap3A_216, %swap3A_217], %gather3A_107 {strides = array<i32>} : memref<16x1024xf32, #tpu.memory_space<vmem>>, vector<16xf32>,
      %swap3A_219 = arith.constant 13 : i32
      %swap3A_220 = arith.index_cast %swap3A_219 : i32 to index
      %swap3A_221 = arith.index_cast %mul3A_54 : i32 to index
      %swap3A_222 = tpu.vector_load %arg11[%swap3A_220, %swap3A_221] {strides = array<i32>} : memref<16x1024xf32, #tpu.memory_space<vmem>>, vector<16xf32>,
      tpu.vector_store %arg11[%swap3A_220, %swap3A_221], %broadcast_in_dim3A_167 {strides = array<i32>} : memref<16x1024xf32, #tpu.memory_space<vmem>>, vector<16xf32>,
      %swap3A_223 = arith.constant 14 : i32
      %swap3A_224 = arith.index_cast %swap3A_223 : i32 to index
      %swap3A_225 = arith.index_cast %mul3A_54 : i32 to index
      %swap3A_226 = tpu.vector_load %arg11[%swap3A_224, %swap3A_225] {strides = array<i32>} : memref<16x1024xf32, #tpu.memory_space<vmem>>, vector<16xf32>,
      tpu.vector_store %arg11[%swap3A_224, %swap3A_225], %broadcast_in_dim3A_167 {strides = array<i32>} : memref<16x1024xf32, #tpu.memory_space<vmem>>, vector<16xf32>,
      %swap3A_227 = arith.constant 15 : i32
      %swap3A_228 = arith.index_cast %swap3A_227 : i32 to index
      %swap3A_229 = arith.index_cast %mul3A_54 : i32 to index
      %swap3A_230 = tpu.vector_load %arg11[%swap3A_228, %swap3A_229] {strides = array<i32>} : memref<16x1024xf32, #tpu.memory_space<vmem>>, vector<16xf32>,
      tpu.vector_store %arg11[%swap3A_228, %swap3A_229], %broadcast_in_dim3A_167 {strides = array<i32>} : memref<16x1024xf32, #tpu.memory_space<vmem>>, vector<16xf32>,
    }
    %scan3A_21 = arith.constant 64 : i32
    "tpu.region"() ({
      %run_scoped3A = tpu.sem_alloc : memref<!tpu.dma_semaphore, #tpu.memory_space<semaphore_mem>>
      %dma_start3A = arith.constant 0 : i32
      %dma_start3A_52 = arith.constant 0 : i32
      %dma_start3A_53 = tpu.memref_slice %arg11[%dma_start3A, %dma_start3A_52] : memref<16x1024xf32, #tpu.memory_space<vmem>> -> memref<16x1024xf32, #tpu.memory_space<vmem>>
      %dma_start3A_54 = arith.constant 0 : i32
      %dma_start3A_55 = tpu.memref_slice %arg6[%dma_start3A_54, %add3A_13] : memref<16x163840xf32, #tpu.memory_space<hbm>> -> memref<16x1024xf32, #tpu.memory_space<hbm>>
      %dma_start3A_56 = arith.constant 0 : i32
      %dma_start3A_57 = tpu.memref_slice %arg6[%dma_start3A_56, %add3A_13] : memref<16x163840xf32, #tpu.memory_space<hbm>> -> memref<16x1024xf32, #tpu.memory_space<hbm>>
      %dma_start3A_58 = arith.constant 0 : i32
      %dma_start3A_59 = arith.constant 0 : i32
      %dma_start3A_60 = tpu.memref_slice %arg11[%dma_start3A_58, %dma_start3A_59] : memref<16x1024xf32, #tpu.memory_space<vmem>> -> memref<16x1024xf32, #tpu.memory_space<vmem>>
      tpu.enqueue_dma source(%dma_start3A_60 : memref<16x1024xf32, #tpu.memory_space<vmem>>) target(%dma_start3A_57 : memref<16x1024xf32, #tpu.memory_space<hbm>>) target_semaphore(%run_scoped3A : memref<!tpu.dma_semaphore, #tpu.memory_space<semaphore_mem>>)
      %dma_wait3A = arith.constant 0 : i32
      %dma_wait3A_61 = arith.constant 0 : i32
      %dma_wait3A_62 = tpu.memref_slice %arg11[%dma_wait3A, %dma_wait3A_61] : memref<16x1024xf32, #tpu.memory_space<vmem>> -> memref<16x1024xf32, #tpu.memory_space<vmem>>
      %dma_wait3A_63 = arith.constant 0 : i32
      %dma_wait3A_64 = tpu.memref_slice %arg6[%dma_wait3A_63, %add3A_13] : memref<16x163840xf32, #tpu.memory_space<hbm>> -> memref<16x1024xf32, #tpu.memory_space<hbm>>
      %dma_wait3A_65 = arith.constant 0 : i32
      %dma_wait3A_66 = tpu.memref_slice %arg6[%dma_wait3A_65, %add3A_13] : memref<16x163840xf32, #tpu.memory_space<hbm>> -> memref<16x1024xf32, #tpu.memory_space<hbm>>
      %dma_wait3A_67 = arith.constant 0 : i32
      %dma_wait3A_68 = arith.constant 0 : i32
      %dma_wait3A_69 = tpu.memref_slice %arg11[%dma_wait3A_67, %dma_wait3A_68] : memref<16x1024xf32, #tpu.memory_space<vmem>> -> memref<16x1024xf32, #tpu.memory_space<vmem>>
      tpu.wait_dma2 semaphore(%run_scoped3A : memref<!tpu.dma_semaphore, #tpu.memory_space<semaphore_mem>>) src(%dma_wait3A_69 : memref<16x1024xf32, #tpu.memory_space<vmem>>) dst(%dma_wait3A_66 : memref<16x1024xf32, #tpu.memory_space<hbm>>)
      tpu.yield
    }) : () -> ()
    %add3A_22 = arith.constant 2048 : i32
    %add3A_23 = arith.addi %mul3A_2, %add3A_22 : i32
    "tpu.region"() ({
      %run_scoped3A = tpu.sem_alloc : memref<!tpu.dma_semaphore, #tpu.memory_space<semaphore_mem>>
      %dma_start3A = arith.constant 0 : i32
      %dma_start3A_52 = tpu.memref_slice %arg8[%dma_start3A] : memref<1024xi32, #tpu.memory_space<vmem>> -> memref<1024xi32, #tpu.memory_space<vmem>>
      %dma_start3A_53 = tpu.memref_slice %arg3[%add3A_23] : memref<163840xi32, #tpu.memory_space<hbm>> -> memref<1024xi32, #tpu.memory_space<hbm>>
      %dma_start3A_54 = arith.constant 0 : i32
      %dma_start3A_55 = tpu.memref_slice %arg8[%dma_start3A_54] : memref<1024xi32, #tpu.memory_space<vmem>> -> memref<1024xi32, #tpu.memory_space<vmem>>
      %dma_start3A_56 = tpu.memref_slice %arg3[%add3A_23] : memref<163840xi32, #tpu.memory_space<hbm>> -> memref<1024xi32, #tpu.memory_space<hbm>>
      tpu.enqueue_dma source(%dma_start3A_56 : memref<1024xi32, #tpu.memory_space<hbm>>) target(%dma_start3A_55 : memref<1024xi32, #tpu.memory_space<vmem>>) target_semaphore(%run_scoped3A : memref<!tpu.dma_semaphore, #tpu.memory_space<semaphore_mem>>)
      %dma_wait3A = arith.constant 0 : i32
      %dma_wait3A_57 = tpu.memref_slice %arg8[%dma_wait3A] : memref<1024xi32, #tpu.memory_space<vmem>> -> memref<1024xi32, #tpu.memory_space<vmem>>
      %dma_wait3A_58 = tpu.memref_slice %arg3[%add3A_23] : memref<163840xi32, #tpu.memory_space<hbm>> -> memref<1024xi32, #tpu.memory_space<hbm>>
      %dma_wait3A_59 = arith.constant 0 : i32
      %dma_wait3A_60 = tpu.memref_slice %arg8[%dma_wait3A_59] : memref<1024xi32, #tpu.memory_space<vmem>> -> memref<1024xi32, #tpu.memory_space<vmem>>
      %dma_wait3A_61 = tpu.memref_slice %arg3[%add3A_23] : memref<163840xi32, #tpu.memory_space<hbm>> -> memref<1024xi32, #tpu.memory_space<hbm>>
      tpu.wait_dma2 semaphore(%run_scoped3A : memref<!tpu.dma_semaphore, #tpu.memory_space<semaphore_mem>>) src(%dma_wait3A_61 : memref<1024xi32, #tpu.memory_space<hbm>>) dst(%dma_wait3A_60 : memref<1024xi32, #tpu.memory_space<vmem>>)
      tpu.yield
    }) : () -> ()
    "tpu.region"() ({
      %run_scoped3A = tpu.sem_alloc : memref<!tpu.dma_semaphore, #tpu.memory_space<semaphore_mem>>
      %dma_start3A = arith.constant 0 : i32
      %dma_start3A_52 = tpu.memref_slice %arg9[%dma_start3A] : memref<1024xi32, #tpu.memory_space<vmem>> -> memref<1024xi32, #tpu.memory_space<vmem>>
      %dma_start3A_53 = tpu.memref_slice %arg4[%add3A_23] : memref<163840xi32, #tpu.memory_space<hbm>> -> memref<1024xi32, #tpu.memory_space<hbm>>
      %dma_start3A_54 = arith.constant 0 : i32
      %dma_start3A_55 = tpu.memref_slice %arg9[%dma_start3A_54] : memref<1024xi32, #tpu.memory_space<vmem>> -> memref<1024xi32, #tpu.memory_space<vmem>>
      %dma_start3A_56 = tpu.memref_slice %arg4[%add3A_23] : memref<163840xi32, #tpu.memory_space<hbm>> -> memref<1024xi32, #tpu.memory_space<hbm>>
      tpu.enqueue_dma source(%dma_start3A_56 : memref<1024xi32, #tpu.memory_space<hbm>>) target(%dma_start3A_55 : memref<1024xi32, #tpu.memory_space<vmem>>) target_semaphore(%run_scoped3A : memref<!tpu.dma_semaphore, #tpu.memory_space<semaphore_mem>>)
      %dma_wait3A = arith.constant 0 : i32
      %dma_wait3A_57 = tpu.memref_slice %arg9[%dma_wait3A] : memref<1024xi32, #tpu.memory_space<vmem>> -> memref<1024xi32, #tpu.memory_space<vmem>>
      %dma_wait3A_58 = tpu.memref_slice %arg4[%add3A_23] : memref<163840xi32, #tpu.memory_space<hbm>> -> memref<1024xi32, #tpu.memory_space<hbm>>
      %dma_wait3A_59 = arith.constant 0 : i32
      %dma_wait3A_60 = tpu.memref_slice %arg9[%dma_wait3A_59] : memref<1024xi32, #tpu.memory_space<vmem>> -> memref<1024xi32, #tpu.memory_space<vmem>>
      %dma_wait3A_61 = tpu.memref_slice %arg4[%add3A_23] : memref<163840xi32, #tpu.memory_space<hbm>> -> memref<1024xi32, #tpu.memory_space<hbm>>
      tpu.wait_dma2 semaphore(%run_scoped3A : memref<!tpu.dma_semaphore, #tpu.memory_space<semaphore_mem>>) src(%dma_wait3A_61 : memref<1024xi32, #tpu.memory_space<hbm>>) dst(%dma_wait3A_60 : memref<1024xi32, #tpu.memory_space<vmem>>)
      tpu.yield
    }) : () -> ()
    %mul3A_24 = arith.constant 4 : i32
    %mul3A_25 = arith.muli %add3A_23, %mul3A_24 : i32
    "tpu.region"() ({
      %run_scoped3A = tpu.sem_alloc : memref<!tpu.dma_semaphore, #tpu.memory_space<semaphore_mem>>
      %dma_start3A = arith.constant 0 : i32
      %dma_start3A_52 = tpu.memref_slice %arg10[%dma_start3A] : memref<4096xf32, #tpu.memory_space<vmem>> -> memref<4096xf32, #tpu.memory_space<vmem>>
      %dma_start3A_53 = tpu.memref_slice %arg5[%mul3A_25] : memref<655360xf32, #tpu.memory_space<hbm>> -> memref<4096xf32, #tpu.memory_space<hbm>>
      %dma_start3A_54 = arith.constant 0 : i32
      %dma_start3A_55 = tpu.memref_slice %arg10[%dma_start3A_54] : memref<4096xf32, #tpu.memory_space<vmem>> -> memref<4096xf32, #tpu.memory_space<vmem>>
      %dma_start3A_56 = tpu.memref_slice %arg5[%mul3A_25] : memref<655360xf32, #tpu.memory_space<hbm>> -> memref<4096xf32, #tpu.memory_space<hbm>>
      tpu.enqueue_dma source(%dma_start3A_56 : memref<4096xf32, #tpu.memory_space<hbm>>) target(%dma_start3A_55 : memref<4096xf32, #tpu.memory_space<vmem>>) target_semaphore(%run_scoped3A : memref<!tpu.dma_semaphore, #tpu.memory_space<semaphore_mem>>)
      %dma_wait3A = arith.constant 0 : i32
      %dma_wait3A_57 = tpu.memref_slice %arg10[%dma_wait3A] : memref<4096xf32, #tpu.memory_space<vmem>> -> memref<4096xf32, #tpu.memory_space<vmem>>
      %dma_wait3A_58 = tpu.memref_slice %arg5[%mul3A_25] : memref<655360xf32, #tpu.memory_space<hbm>> -> memref<4096xf32, #tpu.memory_space<hbm>>
      %dma_wait3A_59 = arith.constant 0 : i32
      %dma_wait3A_60 = tpu.memref_slice %arg10[%dma_wait3A_59] : memref<4096xf32, #tpu.memory_space<vmem>> -> memref<4096xf32, #tpu.memory_space<vmem>>
      %dma_wait3A_61 = tpu.memref_slice %arg5[%mul3A_25] : memref<655360xf32, #tpu.memory_space<hbm>> -> memref<4096xf32, #tpu.memory_space<hbm>>
      tpu.wait_dma2 semaphore(%run_scoped3A : memref<!tpu.dma_semaphore, #tpu.memory_space<semaphore_mem>>) src(%dma_wait3A_61 : memref<4096xf32, #tpu.memory_space<hbm>>) dst(%dma_wait3A_60 : memref<4096xf32, #tpu.memory_space<vmem>>)
      tpu.yield
    }) : () -> ()
    %scan3A_26 = arith.constant 0 : i32
    %scan3A_27 = arith.constant 0 : i32
    %scan3A_28 = arith.constant 64 : i32
    %scan3A_29 = arith.addi %scan3A_27, %scan3A_28 : i32
    %scan3A_30 = arith.constant 1 : i32
    scf.for %scan3A_52 = %scan3A_27 to %scan3A_29 step %scan3A_30  : i32 {
      %mul3A_53 = arith.constant 16 : i32
      %mul3A_54 = arith.muli %scan3A_52, %mul3A_53 : i32
      %get3A = arith.index_cast %mul3A_54 : i32 to index
      %get3A_55 = tpu.vector_load %arg8[%get3A] {strides = array<i32>} : memref<1024xi32, #tpu.memory_space<vmem>>, vector<16xi32>,
      %get3A_56 = arith.index_cast %mul3A_54 : i32 to index
      %get3A_57 = tpu.vector_load %arg9[%get3A_56] {strides = array<i32>} : memref<1024xi32, #tpu.memory_space<vmem>>, vector<16xi32>,
      %add3A_58 = vector.broadcast %mul3A_54 : i32 to vector<16xi32>
      %add3A_59 = arith.addi %add3A_58, %iota3A : vector<16xi32>
      %mul3A_60 = arith.constant 5 : i32
      %mul3A_61 = vector.broadcast %mul3A_60 : i32 to vector<16xi32>
      %mul3A_62 = arith.muli %get3A_57, %mul3A_61 : vector<16xi32>
      %add3A_63 = arith.constant 0 : i32
      %add3A_64 = vector.broadcast %add3A_63 : i32 to vector<16xi32>
      %add3A_65 = arith.addi %mul3A_62, %add3A_64 : vector<16xi32>
      %gather3A = tpu.vector_load_idx %arg7[%add3A_65] : memref<50000xf32, #tpu.memory_space<vmem>>[vector<16xi32>], vector<16xf32>,
      %mul3A_66 = arith.constant 5 : i32
      %mul3A_67 = vector.broadcast %mul3A_66 : i32 to vector<16xi32>
      %mul3A_68 = arith.muli %get3A_57, %mul3A_67 : vector<16xi32>
      %add3A_69 = arith.constant 1 : i32
      %add3A_70 = vector.broadcast %add3A_69 : i32 to vector<16xi32>
      %add3A_71 = arith.addi %mul3A_68, %add3A_70 : vector<16xi32>
      %gather3A_72 = tpu.vector_load_idx %arg7[%add3A_71] : memref<50000xf32, #tpu.memory_space<vmem>>[vector<16xi32>], vector<16xf32>,
      %mul3A_73 = arith.constant 5 : i32
      %mul3A_74 = vector.broadcast %mul3A_73 : i32 to vector<16xi32>
      %mul3A_75 = arith.muli %get3A_57, %mul3A_74 : vector<16xi32>
      %add3A_76 = arith.constant 2 : i32
      %add3A_77 = vector.broadcast %add3A_76 : i32 to vector<16xi32>
      %add3A_78 = arith.addi %mul3A_75, %add3A_77 : vector<16xi32>
      %gather3A_79 = tpu.vector_load_idx %arg7[%add3A_78] : memref<50000xf32, #tpu.memory_space<vmem>>[vector<16xi32>], vector<16xf32>,
      %mul3A_80 = arith.constant 5 : i32
      %mul3A_81 = vector.broadcast %mul3A_80 : i32 to vector<16xi32>
      %mul3A_82 = arith.muli %get3A_57, %mul3A_81 : vector<16xi32>
      %add3A_83 = arith.constant 3 : i32
      %add3A_84 = vector.broadcast %add3A_83 : i32 to vector<16xi32>
      %add3A_85 = arith.addi %mul3A_82, %add3A_84 : vector<16xi32>
      %gather3A_86 = tpu.vector_load_idx %arg7[%add3A_85] : memref<50000xf32, #tpu.memory_space<vmem>>[vector<16xi32>], vector<16xf32>,
      %mul3A_87 = arith.constant 5 : i32
      %mul3A_88 = vector.broadcast %mul3A_87 : i32 to vector<16xi32>
      %mul3A_89 = arith.muli %get3A_57, %mul3A_88 : vector<16xi32>
      %add3A_90 = arith.constant 4 : i32
      %add3A_91 = vector.broadcast %add3A_90 : i32 to vector<16xi32>
      %add3A_92 = arith.addi %mul3A_89, %add3A_91 : vector<16xi32>
      %gather3A_93 = tpu.vector_load_idx %arg7[%add3A_92] : memref<50000xf32, #tpu.memory_space<vmem>>[vector<16xi32>], vector<16xf32>,
      %mul3A_94 = arith.constant 5 : i32
      %mul3A_95 = vector.broadcast %mul3A_94 : i32 to vector<16xi32>
      %mul3A_96 = arith.muli %get3A_55, %mul3A_95 : vector<16xi32>
      %add3A_97 = arith.constant 0 : i32
      %add3A_98 = vector.broadcast %add3A_97 : i32 to vector<16xi32>
      %add3A_99 = arith.addi %mul3A_96, %add3A_98 : vector<16xi32>
      %gather3A_100 = tpu.vector_load_idx %arg7[%add3A_99] : memref<50000xf32, #tpu.memory_space<vmem>>[vector<16xi32>], vector<16xf32>,
      %mul3A_101 = arith.constant 5 : i32
      %mul3A_102 = vector.broadcast %mul3A_101 : i32 to vector<16xi32>
      %mul3A_103 = arith.muli %get3A_55, %mul3A_102 : vector<16xi32>
      %add3A_104 = arith.constant 1 : i32
      %add3A_105 = vector.broadcast %add3A_104 : i32 to vector<16xi32>
      %add3A_106 = arith.addi %mul3A_103, %add3A_105 : vector<16xi32>
      %gather3A_107 = tpu.vector_load_idx %arg7[%add3A_106] : memref<50000xf32, #tpu.memory_space<vmem>>[vector<16xi32>], vector<16xf32>,
      %mul3A_108 = arith.constant 5 : i32
      %mul3A_109 = vector.broadcast %mul3A_108 : i32 to vector<16xi32>
      %mul3A_110 = arith.muli %get3A_55, %mul3A_109 : vector<16xi32>
      %add3A_111 = arith.constant 2 : i32
      %add3A_112 = vector.broadcast %add3A_111 : i32 to vector<16xi32>
      %add3A_113 = arith.addi %mul3A_110, %add3A_112 : vector<16xi32>
      %gather3A_114 = tpu.vector_load_idx %arg7[%add3A_113] : memref<50000xf32, #tpu.memory_space<vmem>>[vector<16xi32>], vector<16xf32>,
      %mul3A_115 = arith.constant 5 : i32
      %mul3A_116 = vector.broadcast %mul3A_115 : i32 to vector<16xi32>
      %mul3A_117 = arith.muli %get3A_55, %mul3A_116 : vector<16xi32>
      %add3A_118 = arith.constant 3 : i32
      %add3A_119 = vector.broadcast %add3A_118 : i32 to vector<16xi32>
      %add3A_120 = arith.addi %mul3A_117, %add3A_119 : vector<16xi32>
      %gather3A_121 = tpu.vector_load_idx %arg7[%add3A_120] : memref<50000xf32, #tpu.memory_space<vmem>>[vector<16xi32>], vector<16xf32>,
      %mul3A_122 = arith.constant 5 : i32
      %mul3A_123 = vector.broadcast %mul3A_122 : i32 to vector<16xi32>
      %mul3A_124 = arith.muli %get3A_55, %mul3A_123 : vector<16xi32>
      %add3A_125 = arith.constant 4 : i32
      %add3A_126 = vector.broadcast %add3A_125 : i32 to vector<16xi32>
      %add3A_127 = arith.addi %mul3A_124, %add3A_126 : vector<16xi32>
      %gather3A_128 = tpu.vector_load_idx %arg7[%add3A_127] : memref<50000xf32, #tpu.memory_space<vmem>>[vector<16xi32>], vector<16xf32>,
      %mul3A_129 = arith.constant 4 : i32
      %mul3A_130 = vector.broadcast %mul3A_129 : i32 to vector<16xi32>
      %mul3A_131 = arith.muli %add3A_59, %mul3A_130 : vector<16xi32>
      %add3A_132 = arith.constant 0 : i32
      %add3A_133 = vector.broadcast %add3A_132 : i32 to vector<16xi32>
      %add3A_134 = arith.addi %mul3A_131, %add3A_133 : vector<16xi32>
      %gather3A_135 = tpu.vector_load_idx %arg10[%add3A_134] : memref<4096xf32, #tpu.memory_space<vmem>>[vector<16xi32>], vector<16xf32>,
      %mul3A_136 = arith.constant 4 : i32
      %mul3A_137 = vector.broadcast %mul3A_136 : i32 to vector<16xi32>
      %mul3A_138 = arith.muli %add3A_59, %mul3A_137 : vector<16xi32>
      %add3A_139 = arith.constant 1 : i32
      %add3A_140 = vector.broadcast %add3A_139 : i32 to vector<16xi32>
      %add3A_141 = arith.addi %mul3A_138, %add3A_140 : vector<16xi32>
      %gather3A_142 = tpu.vector_load_idx %arg10[%add3A_141] : memref<4096xf32, #tpu.memory_space<vmem>>[vector<16xi32>], vector<16xf32>,
      %mul3A_143 = arith.constant 4 : i32
      %mul3A_144 = vector.broadcast %mul3A_143 : i32 to vector<16xi32>
      %mul3A_145 = arith.muli %add3A_59, %mul3A_144 : vector<16xi32>
      %add3A_146 = arith.constant 2 : i32
      %add3A_147 = vector.broadcast %add3A_146 : i32 to vector<16xi32>
      %add3A_148 = arith.addi %mul3A_145, %add3A_147 : vector<16xi32>
      %gather3A_149 = tpu.vector_load_idx %arg10[%add3A_148] : memref<4096xf32, #tpu.memory_space<vmem>>[vector<16xi32>], vector<16xf32>,
      %mul3A_150 = arith.constant 4 : i32
      %mul3A_151 = vector.broadcast %mul3A_150 : i32 to vector<16xi32>
      %mul3A_152 = arith.muli %add3A_59, %mul3A_151 : vector<16xi32>
      %add3A_153 = arith.constant 3 : i32
      %add3A_154 = vector.broadcast %add3A_153 : i32 to vector<16xi32>
      %add3A_155 = arith.addi %mul3A_152, %add3A_154 : vector<16xi32>
      %gather3A_156 = tpu.vector_load_idx %arg10[%add3A_155] : memref<4096xf32, #tpu.memory_space<vmem>>[vector<16xi32>], vector<16xf32>,
      %mul3A_157 = arith.mulf %gather3A_79, %gather3A_114 : vector<16xf32>
      %mul3A_158 = arith.mulf %gather3A_86, %gather3A_121 : vector<16xf32>
      %add3A_159 = arith.addf %mul3A_157, %mul3A_158 : vector<16xf32>
      %mul3A_160 = arith.mulf %gather3A_93, %gather3A_128 : vector<16xf32>
      %add3A_161 = arith.addf %add3A_159, %mul3A_160 : vector<16xf32>
      %mul3A_162 = arith.mulf %gather3A_114, %gather3A_135 : vector<16xf32>
      %mul3A_163 = arith.mulf %gather3A_121, %gather3A_142 : vector<16xf32>
      %add3A_164 = arith.addf %mul3A_162, %mul3A_163 : vector<16xf32>
      %mul3A_165 = arith.mulf %gather3A_128, %gather3A_149 : vector<16xf32>
      %add3A_166 = arith.addf %add3A_164, %mul3A_165 : vector<16xf32>
      %broadcast_in_dim3A = arith.constant 0.000000e+00 : f32
      %broadcast_in_dim3A_167 = vector.broadcast %broadcast_in_dim3A : f32 to vector<16xf32>
      %swap3A = arith.constant 0 : i32
      %swap3A_168 = arith.index_cast %swap3A : i32 to index
      %swap3A_169 = arith.index_cast %mul3A_54 : i32 to index
      %swap3A_170 = tpu.vector_load %arg11[%swap3A_168, %swap3A_169] {strides = array<i32>} : memref<16x1024xf32, #tpu.memory_space<vmem>>, vector<16xf32>,
      tpu.vector_store %arg11[%swap3A_168, %swap3A_169], %gather3A_79 {strides = array<i32>} : memref<16x1024xf32, #tpu.memory_space<vmem>>, vector<16xf32>,
      %swap3A_171 = arith.constant 1 : i32
      %swap3A_172 = arith.index_cast %swap3A_171 : i32 to index
      %swap3A_173 = arith.index_cast %mul3A_54 : i32 to index
      %swap3A_174 = tpu.vector_load %arg11[%swap3A_172, %swap3A_173] {strides = array<i32>} : memref<16x1024xf32, #tpu.memory_space<vmem>>, vector<16xf32>,
      tpu.vector_store %arg11[%swap3A_172, %swap3A_173], %gather3A_86 {strides = array<i32>} : memref<16x1024xf32, #tpu.memory_space<vmem>>, vector<16xf32>,
      %swap3A_175 = arith.constant 2 : i32
      %swap3A_176 = arith.index_cast %swap3A_175 : i32 to index
      %swap3A_177 = arith.index_cast %mul3A_54 : i32 to index
      %swap3A_178 = tpu.vector_load %arg11[%swap3A_176, %swap3A_177] {strides = array<i32>} : memref<16x1024xf32, #tpu.memory_space<vmem>>, vector<16xf32>,
      tpu.vector_store %arg11[%swap3A_176, %swap3A_177], %gather3A_93 {strides = array<i32>} : memref<16x1024xf32, #tpu.memory_space<vmem>>, vector<16xf32>,
      %swap3A_179 = arith.constant 3 : i32
      %swap3A_180 = arith.index_cast %swap3A_179 : i32 to index
      %swap3A_181 = arith.index_cast %mul3A_54 : i32 to index
      %swap3A_182 = tpu.vector_load %arg11[%swap3A_180, %swap3A_181] {strides = array<i32>} : memref<16x1024xf32, #tpu.memory_space<vmem>>, vector<16xf32>,
      tpu.vector_store %arg11[%swap3A_180, %swap3A_181], %gather3A_114 {strides = array<i32>} : memref<16x1024xf32, #tpu.memory_space<vmem>>, vector<16xf32>,
      %swap3A_183 = arith.constant 4 : i32
      %swap3A_184 = arith.index_cast %swap3A_183 : i32 to index
      %swap3A_185 = arith.index_cast %mul3A_54 : i32 to index
      %swap3A_186 = tpu.vector_load %arg11[%swap3A_184, %swap3A_185] {strides = array<i32>} : memref<16x1024xf32, #tpu.memory_space<vmem>>, vector<16xf32>,
      tpu.vector_store %arg11[%swap3A_184, %swap3A_185], %gather3A_121 {strides = array<i32>} : memref<16x1024xf32, #tpu.memory_space<vmem>>, vector<16xf32>,
      %swap3A_187 = arith.constant 5 : i32
      %swap3A_188 = arith.index_cast %swap3A_187 : i32 to index
      %swap3A_189 = arith.index_cast %mul3A_54 : i32 to index
      %swap3A_190 = tpu.vector_load %arg11[%swap3A_188, %swap3A_189] {strides = array<i32>} : memref<16x1024xf32, #tpu.memory_space<vmem>>, vector<16xf32>,
      tpu.vector_store %arg11[%swap3A_188, %swap3A_189], %gather3A_128 {strides = array<i32>} : memref<16x1024xf32, #tpu.memory_space<vmem>>, vector<16xf32>,
      %swap3A_191 = arith.constant 6 : i32
      %swap3A_192 = arith.index_cast %swap3A_191 : i32 to index
      %swap3A_193 = arith.index_cast %mul3A_54 : i32 to index
      %swap3A_194 = tpu.vector_load %arg11[%swap3A_192, %swap3A_193] {strides = array<i32>} : memref<16x1024xf32, #tpu.memory_space<vmem>>, vector<16xf32>,
      tpu.vector_store %arg11[%swap3A_192, %swap3A_193], %add3A_161 {strides = array<i32>} : memref<16x1024xf32, #tpu.memory_space<vmem>>, vector<16xf32>,
      %swap3A_195 = arith.constant 7 : i32
      %swap3A_196 = arith.index_cast %swap3A_195 : i32 to index
      %swap3A_197 = arith.index_cast %mul3A_54 : i32 to index
      %swap3A_198 = tpu.vector_load %arg11[%swap3A_196, %swap3A_197] {strides = array<i32>} : memref<16x1024xf32, #tpu.memory_space<vmem>>, vector<16xf32>,
      tpu.vector_store %arg11[%swap3A_196, %swap3A_197], %add3A_166 {strides = array<i32>} : memref<16x1024xf32, #tpu.memory_space<vmem>>, vector<16xf32>,
      %swap3A_199 = arith.constant 8 : i32
      %swap3A_200 = arith.index_cast %swap3A_199 : i32 to index
      %swap3A_201 = arith.index_cast %mul3A_54 : i32 to index
      %swap3A_202 = tpu.vector_load %arg11[%swap3A_200, %swap3A_201] {strides = array<i32>} : memref<16x1024xf32, #tpu.memory_space<vmem>>, vector<16xf32>,
      tpu.vector_store %arg11[%swap3A_200, %swap3A_201], %gather3A_156 {strides = array<i32>} : memref<16x1024xf32, #tpu.memory_space<vmem>>, vector<16xf32>,
      %swap3A_203 = arith.constant 9 : i32
      %swap3A_204 = arith.index_cast %swap3A_203 : i32 to index
      %swap3A_205 = arith.index_cast %mul3A_54 : i32 to index
      %swap3A_206 = tpu.vector_load %arg11[%swap3A_204, %swap3A_205] {strides = array<i32>} : memref<16x1024xf32, #tpu.memory_space<vmem>>, vector<16xf32>,
      tpu.vector_store %arg11[%swap3A_204, %swap3A_205], %gather3A {strides = array<i32>} : memref<16x1024xf32, #tpu.memory_space<vmem>>, vector<16xf32>,
      %swap3A_207 = arith.constant 10 : i32
      %swap3A_208 = arith.index_cast %swap3A_207 : i32 to index
      %swap3A_209 = arith.index_cast %mul3A_54 : i32 to index
      %swap3A_210 = tpu.vector_load %arg11[%swap3A_208, %swap3A_209] {strides = array<i32>} : memref<16x1024xf32, #tpu.memory_space<vmem>>, vector<16xf32>,
      tpu.vector_store %arg11[%swap3A_208, %swap3A_209], %gather3A_72 {strides = array<i32>} : memref<16x1024xf32, #tpu.memory_space<vmem>>, vector<16xf32>,
      %swap3A_211 = arith.constant 11 : i32
      %swap3A_212 = arith.index_cast %swap3A_211 : i32 to index
      %swap3A_213 = arith.index_cast %mul3A_54 : i32 to index
      %swap3A_214 = tpu.vector_load %arg11[%swap3A_212, %swap3A_213] {strides = array<i32>} : memref<16x1024xf32, #tpu.memory_space<vmem>>, vector<16xf32>,
      tpu.vector_store %arg11[%swap3A_212, %swap3A_213], %gather3A_100 {strides = array<i32>} : memref<16x1024xf32, #tpu.memory_space<vmem>>, vector<16xf32>,
      %swap3A_215 = arith.constant 12 : i32
      %swap3A_216 = arith.index_cast %swap3A_215 : i32 to index
      %swap3A_217 = arith.index_cast %mul3A_54 : i32 to index
      %swap3A_218 = tpu.vector_load %arg11[%swap3A_216, %swap3A_217] {strides = array<i32>} : memref<16x1024xf32, #tpu.memory_space<vmem>>, vector<16xf32>,
      tpu.vector_store %arg11[%swap3A_216, %swap3A_217], %gather3A_107 {strides = array<i32>} : memref<16x1024xf32, #tpu.memory_space<vmem>>, vector<16xf32>,
      %swap3A_219 = arith.constant 13 : i32
      %swap3A_220 = arith.index_cast %swap3A_219 : i32 to index
      %swap3A_221 = arith.index_cast %mul3A_54 : i32 to index
      %swap3A_222 = tpu.vector_load %arg11[%swap3A_220, %swap3A_221] {strides = array<i32>} : memref<16x1024xf32, #tpu.memory_space<vmem>>, vector<16xf32>,
      tpu.vector_store %arg11[%swap3A_220, %swap3A_221], %broadcast_in_dim3A_167 {strides = array<i32>} : memref<16x1024xf32, #tpu.memory_space<vmem>>, vector<16xf32>,
      %swap3A_223 = arith.constant 14 : i32
      %swap3A_224 = arith.index_cast %swap3A_223 : i32 to index
      %swap3A_225 = arith.index_cast %mul3A_54 : i32 to index
      %swap3A_226 = tpu.vector_load %arg11[%swap3A_224, %swap3A_225] {strides = array<i32>} : memref<16x1024xf32, #tpu.memory_space<vmem>>, vector<16xf32>,
      tpu.vector_store %arg11[%swap3A_224, %swap3A_225], %broadcast_in_dim3A_167 {strides = array<i32>} : memref<16x1024xf32, #tpu.memory_space<vmem>>, vector<16xf32>,
      %swap3A_227 = arith.constant 15 : i32
      %swap3A_228 = arith.index_cast %swap3A_227 : i32 to index
      %swap3A_229 = arith.index_cast %mul3A_54 : i32 to index
      %swap3A_230 = tpu.vector_load %arg11[%swap3A_228, %swap3A_229] {strides = array<i32>} : memref<16x1024xf32, #tpu.memory_space<vmem>>, vector<16xf32>,
      tpu.vector_store %arg11[%swap3A_228, %swap3A_229], %broadcast_in_dim3A_167 {strides = array<i32>} : memref<16x1024xf32, #tpu.memory_space<vmem>>, vector<16xf32>,
    }
    %scan3A_31 = arith.constant 64 : i32
    "tpu.region"() ({
      %run_scoped3A = tpu.sem_alloc : memref<!tpu.dma_semaphore, #tpu.memory_space<semaphore_mem>>
      %dma_start3A = arith.constant 0 : i32
      %dma_start3A_52 = arith.constant 0 : i32
      %dma_start3A_53 = tpu.memref_slice %arg11[%dma_start3A, %dma_start3A_52] : memref<16x1024xf32, #tpu.memory_space<vmem>> -> memref<16x1024xf32, #tpu.memory_space<vmem>>
      %dma_start3A_54 = arith.constant 0 : i32
      %dma_start3A_55 = tpu.memref_slice %arg6[%dma_start3A_54, %add3A_23] : memref<16x163840xf32, #tpu.memory_space<hbm>> -> memref<16x1024xf32, #tpu.memory_space<hbm>>
      %dma_start3A_56 = arith.constant 0 : i32
      %dma_start3A_57 = tpu.memref_slice %arg6[%dma_start3A_56, %add3A_23] : memref<16x163840xf32, #tpu.memory_space<hbm>> -> memref<16x1024xf32, #tpu.memory_space<hbm>>
      %dma_start3A_58 = arith.constant 0 : i32
      %dma_start3A_59 = arith.constant 0 : i32
      %dma_start3A_60 = tpu.memref_slice %arg11[%dma_start3A_58, %dma_start3A_59] : memref<16x1024xf32, #tpu.memory_space<vmem>> -> memref<16x1024xf32, #tpu.memory_space<vmem>>
      tpu.enqueue_dma source(%dma_start3A_60 : memref<16x1024xf32, #tpu.memory_space<vmem>>) target(%dma_start3A_57 : memref<16x1024xf32, #tpu.memory_space<hbm>>) target_semaphore(%run_scoped3A : memref<!tpu.dma_semaphore, #tpu.memory_space<semaphore_mem>>)
      %dma_wait3A = arith.constant 0 : i32
      %dma_wait3A_61 = arith.constant 0 : i32
      %dma_wait3A_62 = tpu.memref_slice %arg11[%dma_wait3A, %dma_wait3A_61] : memref<16x1024xf32, #tpu.memory_space<vmem>> -> memref<16x1024xf32, #tpu.memory_space<vmem>>
      %dma_wait3A_63 = arith.constant 0 : i32
      %dma_wait3A_64 = tpu.memref_slice %arg6[%dma_wait3A_63, %add3A_23] : memref<16x163840xf32, #tpu.memory_space<hbm>> -> memref<16x1024xf32, #tpu.memory_space<hbm>>
      %dma_wait3A_65 = arith.constant 0 : i32
      %dma_wait3A_66 = tpu.memref_slice %arg6[%dma_wait3A_65, %add3A_23] : memref<16x163840xf32, #tpu.memory_space<hbm>> -> memref<16x1024xf32, #tpu.memory_space<hbm>>
      %dma_wait3A_67 = arith.constant 0 : i32
      %dma_wait3A_68 = arith.constant 0 : i32
      %dma_wait3A_69 = tpu.memref_slice %arg11[%dma_wait3A_67, %dma_wait3A_68] : memref<16x1024xf32, #tpu.memory_space<vmem>> -> memref<16x1024xf32, #tpu.memory_space<vmem>>
      tpu.wait_dma2 semaphore(%run_scoped3A : memref<!tpu.dma_semaphore, #tpu.memory_space<semaphore_mem>>) src(%dma_wait3A_69 : memref<16x1024xf32, #tpu.memory_space<vmem>>) dst(%dma_wait3A_66 : memref<16x1024xf32, #tpu.memory_space<hbm>>)
      tpu.yield
    }) : () -> ()
    %add3A_32 = arith.constant 3072 : i32
    %add3A_33 = arith.addi %mul3A_2, %add3A_32 : i32
    "tpu.region"() ({
      %run_scoped3A = tpu.sem_alloc : memref<!tpu.dma_semaphore, #tpu.memory_space<semaphore_mem>>
      %dma_start3A = arith.constant 0 : i32
      %dma_start3A_52 = tpu.memref_slice %arg8[%dma_start3A] : memref<1024xi32, #tpu.memory_space<vmem>> -> memref<1024xi32, #tpu.memory_space<vmem>>
      %dma_start3A_53 = tpu.memref_slice %arg3[%add3A_33] : memref<163840xi32, #tpu.memory_space<hbm>> -> memref<1024xi32, #tpu.memory_space<hbm>>
      %dma_start3A_54 = arith.constant 0 : i32
      %dma_start3A_55 = tpu.memref_slice %arg8[%dma_start3A_54] : memref<1024xi32, #tpu.memory_space<vmem>> -> memref<1024xi32, #tpu.memory_space<vmem>>
      %dma_start3A_56 = tpu.memref_slice %arg3[%add3A_33] : memref<163840xi32, #tpu.memory_space<hbm>> -> memref<1024xi32, #tpu.memory_space<hbm>>
      tpu.enqueue_dma source(%dma_start3A_56 : memref<1024xi32, #tpu.memory_space<hbm>>) target(%dma_start3A_55 : memref<1024xi32, #tpu.memory_space<vmem>>) target_semaphore(%run_scoped3A : memref<!tpu.dma_semaphore, #tpu.memory_space<semaphore_mem>>)
      %dma_wait3A = arith.constant 0 : i32
      %dma_wait3A_57 = tpu.memref_slice %arg8[%dma_wait3A] : memref<1024xi32, #tpu.memory_space<vmem>> -> memref<1024xi32, #tpu.memory_space<vmem>>
      %dma_wait3A_58 = tpu.memref_slice %arg3[%add3A_33] : memref<163840xi32, #tpu.memory_space<hbm>> -> memref<1024xi32, #tpu.memory_space<hbm>>
      %dma_wait3A_59 = arith.constant 0 : i32
      %dma_wait3A_60 = tpu.memref_slice %arg8[%dma_wait3A_59] : memref<1024xi32, #tpu.memory_space<vmem>> -> memref<1024xi32, #tpu.memory_space<vmem>>
      %dma_wait3A_61 = tpu.memref_slice %arg3[%add3A_33] : memref<163840xi32, #tpu.memory_space<hbm>> -> memref<1024xi32, #tpu.memory_space<hbm>>
      tpu.wait_dma2 semaphore(%run_scoped3A : memref<!tpu.dma_semaphore, #tpu.memory_space<semaphore_mem>>) src(%dma_wait3A_61 : memref<1024xi32, #tpu.memory_space<hbm>>) dst(%dma_wait3A_60 : memref<1024xi32, #tpu.memory_space<vmem>>)
      tpu.yield
    }) : () -> ()
    "tpu.region"() ({
      %run_scoped3A = tpu.sem_alloc : memref<!tpu.dma_semaphore, #tpu.memory_space<semaphore_mem>>
      %dma_start3A = arith.constant 0 : i32
      %dma_start3A_52 = tpu.memref_slice %arg9[%dma_start3A] : memref<1024xi32, #tpu.memory_space<vmem>> -> memref<1024xi32, #tpu.memory_space<vmem>>
      %dma_start3A_53 = tpu.memref_slice %arg4[%add3A_33] : memref<163840xi32, #tpu.memory_space<hbm>> -> memref<1024xi32, #tpu.memory_space<hbm>>
      %dma_start3A_54 = arith.constant 0 : i32
      %dma_start3A_55 = tpu.memref_slice %arg9[%dma_start3A_54] : memref<1024xi32, #tpu.memory_space<vmem>> -> memref<1024xi32, #tpu.memory_space<vmem>>
      %dma_start3A_56 = tpu.memref_slice %arg4[%add3A_33] : memref<163840xi32, #tpu.memory_space<hbm>> -> memref<1024xi32, #tpu.memory_space<hbm>>
      tpu.enqueue_dma source(%dma_start3A_56 : memref<1024xi32, #tpu.memory_space<hbm>>) target(%dma_start3A_55 : memref<1024xi32, #tpu.memory_space<vmem>>) target_semaphore(%run_scoped3A : memref<!tpu.dma_semaphore, #tpu.memory_space<semaphore_mem>>)
      %dma_wait3A = arith.constant 0 : i32
      %dma_wait3A_57 = tpu.memref_slice %arg9[%dma_wait3A] : memref<1024xi32, #tpu.memory_space<vmem>> -> memref<1024xi32, #tpu.memory_space<vmem>>
      %dma_wait3A_58 = tpu.memref_slice %arg4[%add3A_33] : memref<163840xi32, #tpu.memory_space<hbm>> -> memref<1024xi32, #tpu.memory_space<hbm>>
      %dma_wait3A_59 = arith.constant 0 : i32
      %dma_wait3A_60 = tpu.memref_slice %arg9[%dma_wait3A_59] : memref<1024xi32, #tpu.memory_space<vmem>> -> memref<1024xi32, #tpu.memory_space<vmem>>
      %dma_wait3A_61 = tpu.memref_slice %arg4[%add3A_33] : memref<163840xi32, #tpu.memory_space<hbm>> -> memref<1024xi32, #tpu.memory_space<hbm>>
      tpu.wait_dma2 semaphore(%run_scoped3A : memref<!tpu.dma_semaphore, #tpu.memory_space<semaphore_mem>>) src(%dma_wait3A_61 : memref<1024xi32, #tpu.memory_space<hbm>>) dst(%dma_wait3A_60 : memref<1024xi32, #tpu.memory_space<vmem>>)
      tpu.yield
    }) : () -> ()
    %mul3A_34 = arith.constant 4 : i32
    %mul3A_35 = arith.muli %add3A_33, %mul3A_34 : i32
    "tpu.region"() ({
      %run_scoped3A = tpu.sem_alloc : memref<!tpu.dma_semaphore, #tpu.memory_space<semaphore_mem>>
      %dma_start3A = arith.constant 0 : i32
      %dma_start3A_52 = tpu.memref_slice %arg10[%dma_start3A] : memref<4096xf32, #tpu.memory_space<vmem>> -> memref<4096xf32, #tpu.memory_space<vmem>>
      %dma_start3A_53 = tpu.memref_slice %arg5[%mul3A_35] : memref<655360xf32, #tpu.memory_space<hbm>> -> memref<4096xf32, #tpu.memory_space<hbm>>
      %dma_start3A_54 = arith.constant 0 : i32
      %dma_start3A_55 = tpu.memref_slice %arg10[%dma_start3A_54] : memref<4096xf32, #tpu.memory_space<vmem>> -> memref<4096xf32, #tpu.memory_space<vmem>>
      %dma_start3A_56 = tpu.memref_slice %arg5[%mul3A_35] : memref<655360xf32, #tpu.memory_space<hbm>> -> memref<4096xf32, #tpu.memory_space<hbm>>
      tpu.enqueue_dma source(%dma_start3A_56 : memref<4096xf32, #tpu.memory_space<hbm>>) target(%dma_start3A_55 : memref<4096xf32, #tpu.memory_space<vmem>>) target_semaphore(%run_scoped3A : memref<!tpu.dma_semaphore, #tpu.memory_space<semaphore_mem>>)
      %dma_wait3A = arith.constant 0 : i32
      %dma_wait3A_57 = tpu.memref_slice %arg10[%dma_wait3A] : memref<4096xf32, #tpu.memory_space<vmem>> -> memref<4096xf32, #tpu.memory_space<vmem>>
      %dma_wait3A_58 = tpu.memref_slice %arg5[%mul3A_35] : memref<655360xf32, #tpu.memory_space<hbm>> -> memref<4096xf32, #tpu.memory_space<hbm>>
      %dma_wait3A_59 = arith.constant 0 : i32
      %dma_wait3A_60 = tpu.memref_slice %arg10[%dma_wait3A_59] : memref<4096xf32, #tpu.memory_space<vmem>> -> memref<4096xf32, #tpu.memory_space<vmem>>
      %dma_wait3A_61 = tpu.memref_slice %arg5[%mul3A_35] : memref<655360xf32, #tpu.memory_space<hbm>> -> memref<4096xf32, #tpu.memory_space<hbm>>
      tpu.wait_dma2 semaphore(%run_scoped3A : memref<!tpu.dma_semaphore, #tpu.memory_space<semaphore_mem>>) src(%dma_wait3A_61 : memref<4096xf32, #tpu.memory_space<hbm>>) dst(%dma_wait3A_60 : memref<4096xf32, #tpu.memory_space<vmem>>)
      tpu.yield
    }) : () -> ()
    %scan3A_36 = arith.constant 0 : i32
    %scan3A_37 = arith.constant 0 : i32
    %scan3A_38 = arith.constant 64 : i32
    %scan3A_39 = arith.addi %scan3A_37, %scan3A_38 : i32
    %scan3A_40 = arith.constant 1 : i32
    scf.for %scan3A_52 = %scan3A_37 to %scan3A_39 step %scan3A_40  : i32 {
      %mul3A_53 = arith.constant 16 : i32
      %mul3A_54 = arith.muli %scan3A_52, %mul3A_53 : i32
      %get3A = arith.index_cast %mul3A_54 : i32 to index
      %get3A_55 = tpu.vector_load %arg8[%get3A] {strides = array<i32>} : memref<1024xi32, #tpu.memory_space<vmem>>, vector<16xi32>,
      %get3A_56 = arith.index_cast %mul3A_54 : i32 to index
      %get3A_57 = tpu.vector_load %arg9[%get3A_56] {strides = array<i32>} : memref<1024xi32, #tpu.memory_space<vmem>>, vector<16xi32>,
      %add3A_58 = vector.broadcast %mul3A_54 : i32 to vector<16xi32>
      %add3A_59 = arith.addi %add3A_58, %iota3A : vector<16xi32>
      %mul3A_60 = arith.constant 5 : i32
      %mul3A_61 = vector.broadcast %mul3A_60 : i32 to vector<16xi32>
      %mul3A_62 = arith.muli %get3A_57, %mul3A_61 : vector<16xi32>
      %add3A_63 = arith.constant 0 : i32
      %add3A_64 = vector.broadcast %add3A_63 : i32 to vector<16xi32>
      %add3A_65 = arith.addi %mul3A_62, %add3A_64 : vector<16xi32>
      %gather3A = tpu.vector_load_idx %arg7[%add3A_65] : memref<50000xf32, #tpu.memory_space<vmem>>[vector<16xi32>], vector<16xf32>,
      %mul3A_66 = arith.constant 5 : i32
      %mul3A_67 = vector.broadcast %mul3A_66 : i32 to vector<16xi32>
      %mul3A_68 = arith.muli %get3A_57, %mul3A_67 : vector<16xi32>
      %add3A_69 = arith.constant 1 : i32
      %add3A_70 = vector.broadcast %add3A_69 : i32 to vector<16xi32>
      %add3A_71 = arith.addi %mul3A_68, %add3A_70 : vector<16xi32>
      %gather3A_72 = tpu.vector_load_idx %arg7[%add3A_71] : memref<50000xf32, #tpu.memory_space<vmem>>[vector<16xi32>], vector<16xf32>,
      %mul3A_73 = arith.constant 5 : i32
      %mul3A_74 = vector.broadcast %mul3A_73 : i32 to vector<16xi32>
      %mul3A_75 = arith.muli %get3A_57, %mul3A_74 : vector<16xi32>
      %add3A_76 = arith.constant 2 : i32
      %add3A_77 = vector.broadcast %add3A_76 : i32 to vector<16xi32>
      %add3A_78 = arith.addi %mul3A_75, %add3A_77 : vector<16xi32>
      %gather3A_79 = tpu.vector_load_idx %arg7[%add3A_78] : memref<50000xf32, #tpu.memory_space<vmem>>[vector<16xi32>], vector<16xf32>,
      %mul3A_80 = arith.constant 5 : i32
      %mul3A_81 = vector.broadcast %mul3A_80 : i32 to vector<16xi32>
      %mul3A_82 = arith.muli %get3A_57, %mul3A_81 : vector<16xi32>
      %add3A_83 = arith.constant 3 : i32
      %add3A_84 = vector.broadcast %add3A_83 : i32 to vector<16xi32>
      %add3A_85 = arith.addi %mul3A_82, %add3A_84 : vector<16xi32>
      %gather3A_86 = tpu.vector_load_idx %arg7[%add3A_85] : memref<50000xf32, #tpu.memory_space<vmem>>[vector<16xi32>], vector<16xf32>,
      %mul3A_87 = arith.constant 5 : i32
      %mul3A_88 = vector.broadcast %mul3A_87 : i32 to vector<16xi32>
      %mul3A_89 = arith.muli %get3A_57, %mul3A_88 : vector<16xi32>
      %add3A_90 = arith.constant 4 : i32
      %add3A_91 = vector.broadcast %add3A_90 : i32 to vector<16xi32>
      %add3A_92 = arith.addi %mul3A_89, %add3A_91 : vector<16xi32>
      %gather3A_93 = tpu.vector_load_idx %arg7[%add3A_92] : memref<50000xf32, #tpu.memory_space<vmem>>[vector<16xi32>], vector<16xf32>,
      %mul3A_94 = arith.constant 5 : i32
      %mul3A_95 = vector.broadcast %mul3A_94 : i32 to vector<16xi32>
      %mul3A_96 = arith.muli %get3A_55, %mul3A_95 : vector<16xi32>
      %add3A_97 = arith.constant 0 : i32
      %add3A_98 = vector.broadcast %add3A_97 : i32 to vector<16xi32>
      %add3A_99 = arith.addi %mul3A_96, %add3A_98 : vector<16xi32>
      %gather3A_100 = tpu.vector_load_idx %arg7[%add3A_99] : memref<50000xf32, #tpu.memory_space<vmem>>[vector<16xi32>], vector<16xf32>,
      %mul3A_101 = arith.constant 5 : i32
      %mul3A_102 = vector.broadcast %mul3A_101 : i32 to vector<16xi32>
      %mul3A_103 = arith.muli %get3A_55, %mul3A_102 : vector<16xi32>
      %add3A_104 = arith.constant 1 : i32
      %add3A_105 = vector.broadcast %add3A_104 : i32 to vector<16xi32>
      %add3A_106 = arith.addi %mul3A_103, %add3A_105 : vector<16xi32>
      %gather3A_107 = tpu.vector_load_idx %arg7[%add3A_106] : memref<50000xf32, #tpu.memory_space<vmem>>[vector<16xi32>], vector<16xf32>,
      %mul3A_108 = arith.constant 5 : i32
      %mul3A_109 = vector.broadcast %mul3A_108 : i32 to vector<16xi32>
      %mul3A_110 = arith.muli %get3A_55, %mul3A_109 : vector<16xi32>
      %add3A_111 = arith.constant 2 : i32
      %add3A_112 = vector.broadcast %add3A_111 : i32 to vector<16xi32>
      %add3A_113 = arith.addi %mul3A_110, %add3A_112 : vector<16xi32>
      %gather3A_114 = tpu.vector_load_idx %arg7[%add3A_113] : memref<50000xf32, #tpu.memory_space<vmem>>[vector<16xi32>], vector<16xf32>,
      %mul3A_115 = arith.constant 5 : i32
      %mul3A_116 = vector.broadcast %mul3A_115 : i32 to vector<16xi32>
      %mul3A_117 = arith.muli %get3A_55, %mul3A_116 : vector<16xi32>
      %add3A_118 = arith.constant 3 : i32
      %add3A_119 = vector.broadcast %add3A_118 : i32 to vector<16xi32>
      %add3A_120 = arith.addi %mul3A_117, %add3A_119 : vector<16xi32>
      %gather3A_121 = tpu.vector_load_idx %arg7[%add3A_120] : memref<50000xf32, #tpu.memory_space<vmem>>[vector<16xi32>], vector<16xf32>,
      %mul3A_122 = arith.constant 5 : i32
      %mul3A_123 = vector.broadcast %mul3A_122 : i32 to vector<16xi32>
      %mul3A_124 = arith.muli %get3A_55, %mul3A_123 : vector<16xi32>
      %add3A_125 = arith.constant 4 : i32
      %add3A_126 = vector.broadcast %add3A_125 : i32 to vector<16xi32>
      %add3A_127 = arith.addi %mul3A_124, %add3A_126 : vector<16xi32>
      %gather3A_128 = tpu.vector_load_idx %arg7[%add3A_127] : memref<50000xf32, #tpu.memory_space<vmem>>[vector<16xi32>], vector<16xf32>,
      %mul3A_129 = arith.constant 4 : i32
      %mul3A_130 = vector.broadcast %mul3A_129 : i32 to vector<16xi32>
      %mul3A_131 = arith.muli %add3A_59, %mul3A_130 : vector<16xi32>
      %add3A_132 = arith.constant 0 : i32
      %add3A_133 = vector.broadcast %add3A_132 : i32 to vector<16xi32>
      %add3A_134 = arith.addi %mul3A_131, %add3A_133 : vector<16xi32>
      %gather3A_135 = tpu.vector_load_idx %arg10[%add3A_134] : memref<4096xf32, #tpu.memory_space<vmem>>[vector<16xi32>], vector<16xf32>,
      %mul3A_136 = arith.constant 4 : i32
      %mul3A_137 = vector.broadcast %mul3A_136 : i32 to vector<16xi32>
      %mul3A_138 = arith.muli %add3A_59, %mul3A_137 : vector<16xi32>
      %add3A_139 = arith.constant 1 : i32
      %add3A_140 = vector.broadcast %add3A_139 : i32 to vector<16xi32>
      %add3A_141 = arith.addi %mul3A_138, %add3A_140 : vector<16xi32>
      %gather3A_142 = tpu.vector_load_idx %arg10[%add3A_141] : memref<4096xf32, #tpu.memory_space<vmem>>[vector<16xi32>], vector<16xf32>,
      %mul3A_143 = arith.constant 4 : i32
      %mul3A_144 = vector.broadcast %mul3A_143 : i32 to vector<16xi32>
      %mul3A_145 = arith.muli %add3A_59, %mul3A_144 : vector<16xi32>
      %add3A_146 = arith.constant 2 : i32
      %add3A_147 = vector.broadcast %add3A_146 : i32 to vector<16xi32>
      %add3A_148 = arith.addi %mul3A_145, %add3A_147 : vector<16xi32>
      %gather3A_149 = tpu.vector_load_idx %arg10[%add3A_148] : memref<4096xf32, #tpu.memory_space<vmem>>[vector<16xi32>], vector<16xf32>,
      %mul3A_150 = arith.constant 4 : i32
      %mul3A_151 = vector.broadcast %mul3A_150 : i32 to vector<16xi32>
      %mul3A_152 = arith.muli %add3A_59, %mul3A_151 : vector<16xi32>
      %add3A_153 = arith.constant 3 : i32
      %add3A_154 = vector.broadcast %add3A_153 : i32 to vector<16xi32>
      %add3A_155 = arith.addi %mul3A_152, %add3A_154 : vector<16xi32>
      %gather3A_156 = tpu.vector_load_idx %arg10[%add3A_155] : memref<4096xf32, #tpu.memory_space<vmem>>[vector<16xi32>], vector<16xf32>,
      %mul3A_157 = arith.mulf %gather3A_79, %gather3A_114 : vector<16xf32>
      %mul3A_158 = arith.mulf %gather3A_86, %gather3A_121 : vector<16xf32>
      %add3A_159 = arith.addf %mul3A_157, %mul3A_158 : vector<16xf32>
      %mul3A_160 = arith.mulf %gather3A_93, %gather3A_128 : vector<16xf32>
      %add3A_161 = arith.addf %add3A_159, %mul3A_160 : vector<16xf32>
      %mul3A_162 = arith.mulf %gather3A_114, %gather3A_135 : vector<16xf32>
      %mul3A_163 = arith.mulf %gather3A_121, %gather3A_142 : vector<16xf32>
      %add3A_164 = arith.addf %mul3A_162, %mul3A_163 : vector<16xf32>
      %mul3A_165 = arith.mulf %gather3A_128, %gather3A_149 : vector<16xf32>
      %add3A_166 = arith.addf %add3A_164, %mul3A_165 : vector<16xf32>
      %broadcast_in_dim3A = arith.constant 0.000000e+00 : f32
      %broadcast_in_dim3A_167 = vector.broadcast %broadcast_in_dim3A : f32 to vector<16xf32>
      %swap3A = arith.constant 0 : i32
      %swap3A_168 = arith.index_cast %swap3A : i32 to index
      %swap3A_169 = arith.index_cast %mul3A_54 : i32 to index
      %swap3A_170 = tpu.vector_load %arg11[%swap3A_168, %swap3A_169] {strides = array<i32>} : memref<16x1024xf32, #tpu.memory_space<vmem>>, vector<16xf32>,
      tpu.vector_store %arg11[%swap3A_168, %swap3A_169], %gather3A_79 {strides = array<i32>} : memref<16x1024xf32, #tpu.memory_space<vmem>>, vector<16xf32>,
      %swap3A_171 = arith.constant 1 : i32
      %swap3A_172 = arith.index_cast %swap3A_171 : i32 to index
      %swap3A_173 = arith.index_cast %mul3A_54 : i32 to index
      %swap3A_174 = tpu.vector_load %arg11[%swap3A_172, %swap3A_173] {strides = array<i32>} : memref<16x1024xf32, #tpu.memory_space<vmem>>, vector<16xf32>,
      tpu.vector_store %arg11[%swap3A_172, %swap3A_173], %gather3A_86 {strides = array<i32>} : memref<16x1024xf32, #tpu.memory_space<vmem>>, vector<16xf32>,
      %swap3A_175 = arith.constant 2 : i32
      %swap3A_176 = arith.index_cast %swap3A_175 : i32 to index
      %swap3A_177 = arith.index_cast %mul3A_54 : i32 to index
      %swap3A_178 = tpu.vector_load %arg11[%swap3A_176, %swap3A_177] {strides = array<i32>} : memref<16x1024xf32, #tpu.memory_space<vmem>>, vector<16xf32>,
      tpu.vector_store %arg11[%swap3A_176, %swap3A_177], %gather3A_93 {strides = array<i32>} : memref<16x1024xf32, #tpu.memory_space<vmem>>, vector<16xf32>,
      %swap3A_179 = arith.constant 3 : i32
      %swap3A_180 = arith.index_cast %swap3A_179 : i32 to index
      %swap3A_181 = arith.index_cast %mul3A_54 : i32 to index
      %swap3A_182 = tpu.vector_load %arg11[%swap3A_180, %swap3A_181] {strides = array<i32>} : memref<16x1024xf32, #tpu.memory_space<vmem>>, vector<16xf32>,
      tpu.vector_store %arg11[%swap3A_180, %swap3A_181], %gather3A_114 {strides = array<i32>} : memref<16x1024xf32, #tpu.memory_space<vmem>>, vector<16xf32>,
      %swap3A_183 = arith.constant 4 : i32
      %swap3A_184 = arith.index_cast %swap3A_183 : i32 to index
      %swap3A_185 = arith.index_cast %mul3A_54 : i32 to index
      %swap3A_186 = tpu.vector_load %arg11[%swap3A_184, %swap3A_185] {strides = array<i32>} : memref<16x1024xf32, #tpu.memory_space<vmem>>, vector<16xf32>,
      tpu.vector_store %arg11[%swap3A_184, %swap3A_185], %gather3A_121 {strides = array<i32>} : memref<16x1024xf32, #tpu.memory_space<vmem>>, vector<16xf32>,
      %swap3A_187 = arith.constant 5 : i32
      %swap3A_188 = arith.index_cast %swap3A_187 : i32 to index
      %swap3A_189 = arith.index_cast %mul3A_54 : i32 to index
      %swap3A_190 = tpu.vector_load %arg11[%swap3A_188, %swap3A_189] {strides = array<i32>} : memref<16x1024xf32, #tpu.memory_space<vmem>>, vector<16xf32>,
      tpu.vector_store %arg11[%swap3A_188, %swap3A_189], %gather3A_128 {strides = array<i32>} : memref<16x1024xf32, #tpu.memory_space<vmem>>, vector<16xf32>,
      %swap3A_191 = arith.constant 6 : i32
      %swap3A_192 = arith.index_cast %swap3A_191 : i32 to index
      %swap3A_193 = arith.index_cast %mul3A_54 : i32 to index
      %swap3A_194 = tpu.vector_load %arg11[%swap3A_192, %swap3A_193] {strides = array<i32>} : memref<16x1024xf32, #tpu.memory_space<vmem>>, vector<16xf32>,
      tpu.vector_store %arg11[%swap3A_192, %swap3A_193], %add3A_161 {strides = array<i32>} : memref<16x1024xf32, #tpu.memory_space<vmem>>, vector<16xf32>,
      %swap3A_195 = arith.constant 7 : i32
      %swap3A_196 = arith.index_cast %swap3A_195 : i32 to index
      %swap3A_197 = arith.index_cast %mul3A_54 : i32 to index
      %swap3A_198 = tpu.vector_load %arg11[%swap3A_196, %swap3A_197] {strides = array<i32>} : memref<16x1024xf32, #tpu.memory_space<vmem>>, vector<16xf32>,
      tpu.vector_store %arg11[%swap3A_196, %swap3A_197], %add3A_166 {strides = array<i32>} : memref<16x1024xf32, #tpu.memory_space<vmem>>, vector<16xf32>,
      %swap3A_199 = arith.constant 8 : i32
      %swap3A_200 = arith.index_cast %swap3A_199 : i32 to index
      %swap3A_201 = arith.index_cast %mul3A_54 : i32 to index
      %swap3A_202 = tpu.vector_load %arg11[%swap3A_200, %swap3A_201] {strides = array<i32>} : memref<16x1024xf32, #tpu.memory_space<vmem>>, vector<16xf32>,
      tpu.vector_store %arg11[%swap3A_200, %swap3A_201], %gather3A_156 {strides = array<i32>} : memref<16x1024xf32, #tpu.memory_space<vmem>>, vector<16xf32>,
      %swap3A_203 = arith.constant 9 : i32
      %swap3A_204 = arith.index_cast %swap3A_203 : i32 to index
      %swap3A_205 = arith.index_cast %mul3A_54 : i32 to index
      %swap3A_206 = tpu.vector_load %arg11[%swap3A_204, %swap3A_205] {strides = array<i32>} : memref<16x1024xf32, #tpu.memory_space<vmem>>, vector<16xf32>,
      tpu.vector_store %arg11[%swap3A_204, %swap3A_205], %gather3A {strides = array<i32>} : memref<16x1024xf32, #tpu.memory_space<vmem>>, vector<16xf32>,
      %swap3A_207 = arith.constant 10 : i32
      %swap3A_208 = arith.index_cast %swap3A_207 : i32 to index
      %swap3A_209 = arith.index_cast %mul3A_54 : i32 to index
      %swap3A_210 = tpu.vector_load %arg11[%swap3A_208, %swap3A_209] {strides = array<i32>} : memref<16x1024xf32, #tpu.memory_space<vmem>>, vector<16xf32>,
      tpu.vector_store %arg11[%swap3A_208, %swap3A_209], %gather3A_72 {strides = array<i32>} : memref<16x1024xf32, #tpu.memory_space<vmem>>, vector<16xf32>,
      %swap3A_211 = arith.constant 11 : i32
      %swap3A_212 = arith.index_cast %swap3A_211 : i32 to index
      %swap3A_213 = arith.index_cast %mul3A_54 : i32 to index
      %swap3A_214 = tpu.vector_load %arg11[%swap3A_212, %swap3A_213] {strides = array<i32>} : memref<16x1024xf32, #tpu.memory_space<vmem>>, vector<16xf32>,
      tpu.vector_store %arg11[%swap3A_212, %swap3A_213], %gather3A_100 {strides = array<i32>} : memref<16x1024xf32, #tpu.memory_space<vmem>>, vector<16xf32>,
      %swap3A_215 = arith.constant 12 : i32
      %swap3A_216 = arith.index_cast %swap3A_215 : i32 to index
      %swap3A_217 = arith.index_cast %mul3A_54 : i32 to index
      %swap3A_218 = tpu.vector_load %arg11[%swap3A_216, %swap3A_217] {strides = array<i32>} : memref<16x1024xf32, #tpu.memory_space<vmem>>, vector<16xf32>,
      tpu.vector_store %arg11[%swap3A_216, %swap3A_217], %gather3A_107 {strides = array<i32>} : memref<16x1024xf32, #tpu.memory_space<vmem>>, vector<16xf32>,
      %swap3A_219 = arith.constant 13 : i32
      %swap3A_220 = arith.index_cast %swap3A_219 : i32 to index
      %swap3A_221 = arith.index_cast %mul3A_54 : i32 to index
      %swap3A_222 = tpu.vector_load %arg11[%swap3A_220, %swap3A_221] {strides = array<i32>} : memref<16x1024xf32, #tpu.memory_space<vmem>>, vector<16xf32>,
      tpu.vector_store %arg11[%swap3A_220, %swap3A_221], %broadcast_in_dim3A_167 {strides = array<i32>} : memref<16x1024xf32, #tpu.memory_space<vmem>>, vector<16xf32>,
      %swap3A_223 = arith.constant 14 : i32
      %swap3A_224 = arith.index_cast %swap3A_223 : i32 to index
      %swap3A_225 = arith.index_cast %mul3A_54 : i32 to index
      %swap3A_226 = tpu.vector_load %arg11[%swap3A_224, %swap3A_225] {strides = array<i32>} : memref<16x1024xf32, #tpu.memory_space<vmem>>, vector<16xf32>,
      tpu.vector_store %arg11[%swap3A_224, %swap3A_225], %broadcast_in_dim3A_167 {strides = array<i32>} : memref<16x1024xf32, #tpu.memory_space<vmem>>, vector<16xf32>,
      %swap3A_227 = arith.constant 15 : i32
      %swap3A_228 = arith.index_cast %swap3A_227 : i32 to index
      %swap3A_229 = arith.index_cast %mul3A_54 : i32 to index
      %swap3A_230 = tpu.vector_load %arg11[%swap3A_228, %swap3A_229] {strides = array<i32>} : memref<16x1024xf32, #tpu.memory_space<vmem>>, vector<16xf32>,
      tpu.vector_store %arg11[%swap3A_228, %swap3A_229], %broadcast_in_dim3A_167 {strides = array<i32>} : memref<16x1024xf32, #tpu.memory_space<vmem>>, vector<16xf32>,
    }
    %scan3A_41 = arith.constant 64 : i32
    "tpu.region"() ({
      %run_scoped3A = tpu.sem_alloc : memref<!tpu.dma_semaphore, #tpu.memory_space<semaphore_mem>>
      %dma_start3A = arith.constant 0 : i32
      %dma_start3A_52 = arith.constant 0 : i32
      %dma_start3A_53 = tpu.memref_slice %arg11[%dma_start3A, %dma_start3A_52] : memref<16x1024xf32, #tpu.memory_space<vmem>> -> memref<16x1024xf32, #tpu.memory_space<vmem>>
      %dma_start3A_54 = arith.constant 0 : i32
      %dma_start3A_55 = tpu.memref_slice %arg6[%dma_start3A_54, %add3A_33] : memref<16x163840xf32, #tpu.memory_space<hbm>> -> memref<16x1024xf32, #tpu.memory_space<hbm>>
      %dma_start3A_56 = arith.constant 0 : i32
      %dma_start3A_57 = tpu.memref_slice %arg6[%dma_start3A_56, %add3A_33] : memref<16x163840xf32, #tpu.memory_space<hbm>> -> memref<16x1024xf32, #tpu.memory_space<hbm>>
      %dma_start3A_58 = arith.constant 0 : i32
      %dma_start3A_59 = arith.constant 0 : i32
      %dma_start3A_60 = tpu.memref_slice %arg11[%dma_start3A_58, %dma_start3A_59] : memref<16x1024xf32, #tpu.memory_space<vmem>> -> memref<16x1024xf32, #tpu.memory_space<vmem>>
      tpu.enqueue_dma source(%dma_start3A_60 : memref<16x1024xf32, #tpu.memory_space<vmem>>) target(%dma_start3A_57 : memref<16x1024xf32, #tpu.memory_space<hbm>>) target_semaphore(%run_scoped3A : memref<!tpu.dma_semaphore, #tpu.memory_space<semaphore_mem>>)
      %dma_wait3A = arith.constant 0 : i32
      %dma_wait3A_61 = arith.constant 0 : i32
      %dma_wait3A_62 = tpu.memref_slice %arg11[%dma_wait3A, %dma_wait3A_61] : memref<16x1024xf32, #tpu.memory_space<vmem>> -> memref<16x1024xf32, #tpu.memory_space<vmem>>
      %dma_wait3A_63 = arith.constant 0 : i32
      %dma_wait3A_64 = tpu.memref_slice %arg6[%dma_wait3A_63, %add3A_33] : memref<16x163840xf32, #tpu.memory_space<hbm>> -> memref<16x1024xf32, #tpu.memory_space<hbm>>
      %dma_wait3A_65 = arith.constant 0 : i32
      %dma_wait3A_66 = tpu.memref_slice %arg6[%dma_wait3A_65, %add3A_33] : memref<16x163840xf32, #tpu.memory_space<hbm>> -> memref<16x1024xf32, #tpu.memory_space<hbm>>
      %dma_wait3A_67 = arith.constant 0 : i32
      %dma_wait3A_68 = arith.constant 0 : i32
      %dma_wait3A_69 = tpu.memref_slice %arg11[%dma_wait3A_67, %dma_wait3A_68] : memref<16x1024xf32, #tpu.memory_space<vmem>> -> memref<16x1024xf32, #tpu.memory_space<vmem>>
      tpu.wait_dma2 semaphore(%run_scoped3A : memref<!tpu.dma_semaphore, #tpu.memory_space<semaphore_mem>>) src(%dma_wait3A_69 : memref<16x1024xf32, #tpu.memory_space<vmem>>) dst(%dma_wait3A_66 : memref<16x1024xf32, #tpu.memory_space<hbm>>)
      tpu.yield
    }) : () -> ()
    %add3A_42 = arith.constant 4096 : i32
    %add3A_43 = arith.addi %mul3A_2, %add3A_42 : i32
    "tpu.region"() ({
      %run_scoped3A = tpu.sem_alloc : memref<!tpu.dma_semaphore, #tpu.memory_space<semaphore_mem>>
      %dma_start3A = arith.constant 0 : i32
      %dma_start3A_52 = tpu.memref_slice %arg8[%dma_start3A] : memref<1024xi32, #tpu.memory_space<vmem>> -> memref<1024xi32, #tpu.memory_space<vmem>>
      %dma_start3A_53 = tpu.memref_slice %arg3[%add3A_43] : memref<163840xi32, #tpu.memory_space<hbm>> -> memref<1024xi32, #tpu.memory_space<hbm>>
      %dma_start3A_54 = arith.constant 0 : i32
      %dma_start3A_55 = tpu.memref_slice %arg8[%dma_start3A_54] : memref<1024xi32, #tpu.memory_space<vmem>> -> memref<1024xi32, #tpu.memory_space<vmem>>
      %dma_start3A_56 = tpu.memref_slice %arg3[%add3A_43] : memref<163840xi32, #tpu.memory_space<hbm>> -> memref<1024xi32, #tpu.memory_space<hbm>>
      tpu.enqueue_dma source(%dma_start3A_56 : memref<1024xi32, #tpu.memory_space<hbm>>) target(%dma_start3A_55 : memref<1024xi32, #tpu.memory_space<vmem>>) target_semaphore(%run_scoped3A : memref<!tpu.dma_semaphore, #tpu.memory_space<semaphore_mem>>)
      %dma_wait3A = arith.constant 0 : i32
      %dma_wait3A_57 = tpu.memref_slice %arg8[%dma_wait3A] : memref<1024xi32, #tpu.memory_space<vmem>> -> memref<1024xi32, #tpu.memory_space<vmem>>
      %dma_wait3A_58 = tpu.memref_slice %arg3[%add3A_43] : memref<163840xi32, #tpu.memory_space<hbm>> -> memref<1024xi32, #tpu.memory_space<hbm>>
      %dma_wait3A_59 = arith.constant 0 : i32
      %dma_wait3A_60 = tpu.memref_slice %arg8[%dma_wait3A_59] : memref<1024xi32, #tpu.memory_space<vmem>> -> memref<1024xi32, #tpu.memory_space<vmem>>
      %dma_wait3A_61 = tpu.memref_slice %arg3[%add3A_43] : memref<163840xi32, #tpu.memory_space<hbm>> -> memref<1024xi32, #tpu.memory_space<hbm>>
      tpu.wait_dma2 semaphore(%run_scoped3A : memref<!tpu.dma_semaphore, #tpu.memory_space<semaphore_mem>>) src(%dma_wait3A_61 : memref<1024xi32, #tpu.memory_space<hbm>>) dst(%dma_wait3A_60 : memref<1024xi32, #tpu.memory_space<vmem>>)
      tpu.yield
    }) : () -> ()
    "tpu.region"() ({
      %run_scoped3A = tpu.sem_alloc : memref<!tpu.dma_semaphore, #tpu.memory_space<semaphore_mem>>
      %dma_start3A = arith.constant 0 : i32
      %dma_start3A_52 = tpu.memref_slice %arg9[%dma_start3A] : memref<1024xi32, #tpu.memory_space<vmem>> -> memref<1024xi32, #tpu.memory_space<vmem>>
      %dma_start3A_53 = tpu.memref_slice %arg4[%add3A_43] : memref<163840xi32, #tpu.memory_space<hbm>> -> memref<1024xi32, #tpu.memory_space<hbm>>
      %dma_start3A_54 = arith.constant 0 : i32
      %dma_start3A_55 = tpu.memref_slice %arg9[%dma_start3A_54] : memref<1024xi32, #tpu.memory_space<vmem>> -> memref<1024xi32, #tpu.memory_space<vmem>>
      %dma_start3A_56 = tpu.memref_slice %arg4[%add3A_43] : memref<163840xi32, #tpu.memory_space<hbm>> -> memref<1024xi32, #tpu.memory_space<hbm>>
      tpu.enqueue_dma source(%dma_start3A_56 : memref<1024xi32, #tpu.memory_space<hbm>>) target(%dma_start3A_55 : memref<1024xi32, #tpu.memory_space<vmem>>) target_semaphore(%run_scoped3A : memref<!tpu.dma_semaphore, #tpu.memory_space<semaphore_mem>>)
      %dma_wait3A = arith.constant 0 : i32
      %dma_wait3A_57 = tpu.memref_slice %arg9[%dma_wait3A] : memref<1024xi32, #tpu.memory_space<vmem>> -> memref<1024xi32, #tpu.memory_space<vmem>>
      %dma_wait3A_58 = tpu.memref_slice %arg4[%add3A_43] : memref<163840xi32, #tpu.memory_space<hbm>> -> memref<1024xi32, #tpu.memory_space<hbm>>
      %dma_wait3A_59 = arith.constant 0 : i32
      %dma_wait3A_60 = tpu.memref_slice %arg9[%dma_wait3A_59] : memref<1024xi32, #tpu.memory_space<vmem>> -> memref<1024xi32, #tpu.memory_space<vmem>>
      %dma_wait3A_61 = tpu.memref_slice %arg4[%add3A_43] : memref<163840xi32, #tpu.memory_space<hbm>> -> memref<1024xi32, #tpu.memory_space<hbm>>
      tpu.wait_dma2 semaphore(%run_scoped3A : memref<!tpu.dma_semaphore, #tpu.memory_space<semaphore_mem>>) src(%dma_wait3A_61 : memref<1024xi32, #tpu.memory_space<hbm>>) dst(%dma_wait3A_60 : memref<1024xi32, #tpu.memory_space<vmem>>)
      tpu.yield
    }) : () -> ()
    %mul3A_44 = arith.constant 4 : i32
    %mul3A_45 = arith.muli %add3A_43, %mul3A_44 : i32
    "tpu.region"() ({
      %run_scoped3A = tpu.sem_alloc : memref<!tpu.dma_semaphore, #tpu.memory_space<semaphore_mem>>
      %dma_start3A = arith.constant 0 : i32
      %dma_start3A_52 = tpu.memref_slice %arg10[%dma_start3A] : memref<4096xf32, #tpu.memory_space<vmem>> -> memref<4096xf32, #tpu.memory_space<vmem>>
      %dma_start3A_53 = tpu.memref_slice %arg5[%mul3A_45] : memref<655360xf32, #tpu.memory_space<hbm>> -> memref<4096xf32, #tpu.memory_space<hbm>>
      %dma_start3A_54 = arith.constant 0 : i32
      %dma_start3A_55 = tpu.memref_slice %arg10[%dma_start3A_54] : memref<4096xf32, #tpu.memory_space<vmem>> -> memref<4096xf32, #tpu.memory_space<vmem>>
      %dma_start3A_56 = tpu.memref_slice %arg5[%mul3A_45] : memref<655360xf32, #tpu.memory_space<hbm>> -> memref<4096xf32, #tpu.memory_space<hbm>>
      tpu.enqueue_dma source(%dma_start3A_56 : memref<4096xf32, #tpu.memory_space<hbm>>) target(%dma_start3A_55 : memref<4096xf32, #tpu.memory_space<vmem>>) target_semaphore(%run_scoped3A : memref<!tpu.dma_semaphore, #tpu.memory_space<semaphore_mem>>)
      %dma_wait3A = arith.constant 0 : i32
      %dma_wait3A_57 = tpu.memref_slice %arg10[%dma_wait3A] : memref<4096xf32, #tpu.memory_space<vmem>> -> memref<4096xf32, #tpu.memory_space<vmem>>
      %dma_wait3A_58 = tpu.memref_slice %arg5[%mul3A_45] : memref<655360xf32, #tpu.memory_space<hbm>> -> memref<4096xf32, #tpu.memory_space<hbm>>
      %dma_wait3A_59 = arith.constant 0 : i32
      %dma_wait3A_60 = tpu.memref_slice %arg10[%dma_wait3A_59] : memref<4096xf32, #tpu.memory_space<vmem>> -> memref<4096xf32, #tpu.memory_space<vmem>>
      %dma_wait3A_61 = tpu.memref_slice %arg5[%mul3A_45] : memref<655360xf32, #tpu.memory_space<hbm>> -> memref<4096xf32, #tpu.memory_space<hbm>>
      tpu.wait_dma2 semaphore(%run_scoped3A : memref<!tpu.dma_semaphore, #tpu.memory_space<semaphore_mem>>) src(%dma_wait3A_61 : memref<4096xf32, #tpu.memory_space<hbm>>) dst(%dma_wait3A_60 : memref<4096xf32, #tpu.memory_space<vmem>>)
      tpu.yield
    }) : () -> ()
    %scan3A_46 = arith.constant 0 : i32
    %scan3A_47 = arith.constant 0 : i32
    %scan3A_48 = arith.constant 64 : i32
    %scan3A_49 = arith.addi %scan3A_47, %scan3A_48 : i32
    %scan3A_50 = arith.constant 1 : i32
    scf.for %scan3A_52 = %scan3A_47 to %scan3A_49 step %scan3A_50  : i32 {
      %mul3A_53 = arith.constant 16 : i32
      %mul3A_54 = arith.muli %scan3A_52, %mul3A_53 : i32
      %get3A = arith.index_cast %mul3A_54 : i32 to index
      %get3A_55 = tpu.vector_load %arg8[%get3A] {strides = array<i32>} : memref<1024xi32, #tpu.memory_space<vmem>>, vector<16xi32>,
      %get3A_56 = arith.index_cast %mul3A_54 : i32 to index
      %get3A_57 = tpu.vector_load %arg9[%get3A_56] {strides = array<i32>} : memref<1024xi32, #tpu.memory_space<vmem>>, vector<16xi32>,
      %add3A_58 = vector.broadcast %mul3A_54 : i32 to vector<16xi32>
      %add3A_59 = arith.addi %add3A_58, %iota3A : vector<16xi32>
      %mul3A_60 = arith.constant 5 : i32
      %mul3A_61 = vector.broadcast %mul3A_60 : i32 to vector<16xi32>
      %mul3A_62 = arith.muli %get3A_57, %mul3A_61 : vector<16xi32>
      %add3A_63 = arith.constant 0 : i32
      %add3A_64 = vector.broadcast %add3A_63 : i32 to vector<16xi32>
      %add3A_65 = arith.addi %mul3A_62, %add3A_64 : vector<16xi32>
      %gather3A = tpu.vector_load_idx %arg7[%add3A_65] : memref<50000xf32, #tpu.memory_space<vmem>>[vector<16xi32>], vector<16xf32>,
      %mul3A_66 = arith.constant 5 : i32
      %mul3A_67 = vector.broadcast %mul3A_66 : i32 to vector<16xi32>
      %mul3A_68 = arith.muli %get3A_57, %mul3A_67 : vector<16xi32>
      %add3A_69 = arith.constant 1 : i32
      %add3A_70 = vector.broadcast %add3A_69 : i32 to vector<16xi32>
      %add3A_71 = arith.addi %mul3A_68, %add3A_70 : vector<16xi32>
      %gather3A_72 = tpu.vector_load_idx %arg7[%add3A_71] : memref<50000xf32, #tpu.memory_space<vmem>>[vector<16xi32>], vector<16xf32>,
      %mul3A_73 = arith.constant 5 : i32
      %mul3A_74 = vector.broadcast %mul3A_73 : i32 to vector<16xi32>
      %mul3A_75 = arith.muli %get3A_57, %mul3A_74 : vector<16xi32>
      %add3A_76 = arith.constant 2 : i32
      %add3A_77 = vector.broadcast %add3A_76 : i32 to vector<16xi32>
      %add3A_78 = arith.addi %mul3A_75, %add3A_77 : vector<16xi32>
      %gather3A_79 = tpu.vector_load_idx %arg7[%add3A_78] : memref<50000xf32, #tpu.memory_space<vmem>>[vector<16xi32>], vector<16xf32>,
      %mul3A_80 = arith.constant 5 : i32
      %mul3A_81 = vector.broadcast %mul3A_80 : i32 to vector<16xi32>
      %mul3A_82 = arith.muli %get3A_57, %mul3A_81 : vector<16xi32>
      %add3A_83 = arith.constant 3 : i32
      %add3A_84 = vector.broadcast %add3A_83 : i32 to vector<16xi32>
      %add3A_85 = arith.addi %mul3A_82, %add3A_84 : vector<16xi32>
      %gather3A_86 = tpu.vector_load_idx %arg7[%add3A_85] : memref<50000xf32, #tpu.memory_space<vmem>>[vector<16xi32>], vector<16xf32>,
      %mul3A_87 = arith.constant 5 : i32
      %mul3A_88 = vector.broadcast %mul3A_87 : i32 to vector<16xi32>
      %mul3A_89 = arith.muli %get3A_57, %mul3A_88 : vector<16xi32>
      %add3A_90 = arith.constant 4 : i32
      %add3A_91 = vector.broadcast %add3A_90 : i32 to vector<16xi32>
      %add3A_92 = arith.addi %mul3A_89, %add3A_91 : vector<16xi32>
      %gather3A_93 = tpu.vector_load_idx %arg7[%add3A_92] : memref<50000xf32, #tpu.memory_space<vmem>>[vector<16xi32>], vector<16xf32>,
      %mul3A_94 = arith.constant 5 : i32
      %mul3A_95 = vector.broadcast %mul3A_94 : i32 to vector<16xi32>
      %mul3A_96 = arith.muli %get3A_55, %mul3A_95 : vector<16xi32>
      %add3A_97 = arith.constant 0 : i32
      %add3A_98 = vector.broadcast %add3A_97 : i32 to vector<16xi32>
      %add3A_99 = arith.addi %mul3A_96, %add3A_98 : vector<16xi32>
      %gather3A_100 = tpu.vector_load_idx %arg7[%add3A_99] : memref<50000xf32, #tpu.memory_space<vmem>>[vector<16xi32>], vector<16xf32>,
      %mul3A_101 = arith.constant 5 : i32
      %mul3A_102 = vector.broadcast %mul3A_101 : i32 to vector<16xi32>
      %mul3A_103 = arith.muli %get3A_55, %mul3A_102 : vector<16xi32>
      %add3A_104 = arith.constant 1 : i32
      %add3A_105 = vector.broadcast %add3A_104 : i32 to vector<16xi32>
      %add3A_106 = arith.addi %mul3A_103, %add3A_105 : vector<16xi32>
      %gather3A_107 = tpu.vector_load_idx %arg7[%add3A_106] : memref<50000xf32, #tpu.memory_space<vmem>>[vector<16xi32>], vector<16xf32>,
      %mul3A_108 = arith.constant 5 : i32
      %mul3A_109 = vector.broadcast %mul3A_108 : i32 to vector<16xi32>
      %mul3A_110 = arith.muli %get3A_55, %mul3A_109 : vector<16xi32>
      %add3A_111 = arith.constant 2 : i32
      %add3A_112 = vector.broadcast %add3A_111 : i32 to vector<16xi32>
      %add3A_113 = arith.addi %mul3A_110, %add3A_112 : vector<16xi32>
      %gather3A_114 = tpu.vector_load_idx %arg7[%add3A_113] : memref<50000xf32, #tpu.memory_space<vmem>>[vector<16xi32>], vector<16xf32>,
      %mul3A_115 = arith.constant 5 : i32
      %mul3A_116 = vector.broadcast %mul3A_115 : i32 to vector<16xi32>
      %mul3A_117 = arith.muli %get3A_55, %mul3A_116 : vector<16xi32>
      %add3A_118 = arith.constant 3 : i32
      %add3A_119 = vector.broadcast %add3A_118 : i32 to vector<16xi32>
      %add3A_120 = arith.addi %mul3A_117, %add3A_119 : vector<16xi32>
      %gather3A_121 = tpu.vector_load_idx %arg7[%add3A_120] : memref<50000xf32, #tpu.memory_space<vmem>>[vector<16xi32>], vector<16xf32>,
      %mul3A_122 = arith.constant 5 : i32
      %mul3A_123 = vector.broadcast %mul3A_122 : i32 to vector<16xi32>
      %mul3A_124 = arith.muli %get3A_55, %mul3A_123 : vector<16xi32>
      %add3A_125 = arith.constant 4 : i32
      %add3A_126 = vector.broadcast %add3A_125 : i32 to vector<16xi32>
      %add3A_127 = arith.addi %mul3A_124, %add3A_126 : vector<16xi32>
      %gather3A_128 = tpu.vector_load_idx %arg7[%add3A_127] : memref<50000xf32, #tpu.memory_space<vmem>>[vector<16xi32>], vector<16xf32>,
      %mul3A_129 = arith.constant 4 : i32
      %mul3A_130 = vector.broadcast %mul3A_129 : i32 to vector<16xi32>
      %mul3A_131 = arith.muli %add3A_59, %mul3A_130 : vector<16xi32>
      %add3A_132 = arith.constant 0 : i32
      %add3A_133 = vector.broadcast %add3A_132 : i32 to vector<16xi32>
      %add3A_134 = arith.addi %mul3A_131, %add3A_133 : vector<16xi32>
      %gather3A_135 = tpu.vector_load_idx %arg10[%add3A_134] : memref<4096xf32, #tpu.memory_space<vmem>>[vector<16xi32>], vector<16xf32>,
      %mul3A_136 = arith.constant 4 : i32
      %mul3A_137 = vector.broadcast %mul3A_136 : i32 to vector<16xi32>
      %mul3A_138 = arith.muli %add3A_59, %mul3A_137 : vector<16xi32>
      %add3A_139 = arith.constant 1 : i32
      %add3A_140 = vector.broadcast %add3A_139 : i32 to vector<16xi32>
      %add3A_141 = arith.addi %mul3A_138, %add3A_140 : vector<16xi32>
      %gather3A_142 = tpu.vector_load_idx %arg10[%add3A_141] : memref<4096xf32, #tpu.memory_space<vmem>>[vector<16xi32>], vector<16xf32>,
      %mul3A_143 = arith.constant 4 : i32
      %mul3A_144 = vector.broadcast %mul3A_143 : i32 to vector<16xi32>
      %mul3A_145 = arith.muli %add3A_59, %mul3A_144 : vector<16xi32>
      %add3A_146 = arith.constant 2 : i32
      %add3A_147 = vector.broadcast %add3A_146 : i32 to vector<16xi32>
      %add3A_148 = arith.addi %mul3A_145, %add3A_147 : vector<16xi32>
      %gather3A_149 = tpu.vector_load_idx %arg10[%add3A_148] : memref<4096xf32, #tpu.memory_space<vmem>>[vector<16xi32>], vector<16xf32>,
      %mul3A_150 = arith.constant 4 : i32
      %mul3A_151 = vector.broadcast %mul3A_150 : i32 to vector<16xi32>
      %mul3A_152 = arith.muli %add3A_59, %mul3A_151 : vector<16xi32>
      %add3A_153 = arith.constant 3 : i32
      %add3A_154 = vector.broadcast %add3A_153 : i32 to vector<16xi32>
      %add3A_155 = arith.addi %mul3A_152, %add3A_154 : vector<16xi32>
      %gather3A_156 = tpu.vector_load_idx %arg10[%add3A_155] : memref<4096xf32, #tpu.memory_space<vmem>>[vector<16xi32>], vector<16xf32>,
      %mul3A_157 = arith.mulf %gather3A_79, %gather3A_114 : vector<16xf32>
      %mul3A_158 = arith.mulf %gather3A_86, %gather3A_121 : vector<16xf32>
      %add3A_159 = arith.addf %mul3A_157, %mul3A_158 : vector<16xf32>
      %mul3A_160 = arith.mulf %gather3A_93, %gather3A_128 : vector<16xf32>
      %add3A_161 = arith.addf %add3A_159, %mul3A_160 : vector<16xf32>
      %mul3A_162 = arith.mulf %gather3A_114, %gather3A_135 : vector<16xf32>
      %mul3A_163 = arith.mulf %gather3A_121, %gather3A_142 : vector<16xf32>
      %add3A_164 = arith.addf %mul3A_162, %mul3A_163 : vector<16xf32>
      %mul3A_165 = arith.mulf %gather3A_128, %gather3A_149 : vector<16xf32>
      %add3A_166 = arith.addf %add3A_164, %mul3A_165 : vector<16xf32>
      %broadcast_in_dim3A = arith.constant 0.000000e+00 : f32
      %broadcast_in_dim3A_167 = vector.broadcast %broadcast_in_dim3A : f32 to vector<16xf32>
      %swap3A = arith.constant 0 : i32
      %swap3A_168 = arith.index_cast %swap3A : i32 to index
      %swap3A_169 = arith.index_cast %mul3A_54 : i32 to index
      %swap3A_170 = tpu.vector_load %arg11[%swap3A_168, %swap3A_169] {strides = array<i32>} : memref<16x1024xf32, #tpu.memory_space<vmem>>, vector<16xf32>,
      tpu.vector_store %arg11[%swap3A_168, %swap3A_169], %gather3A_79 {strides = array<i32>} : memref<16x1024xf32, #tpu.memory_space<vmem>>, vector<16xf32>,
      %swap3A_171 = arith.constant 1 : i32
      %swap3A_172 = arith.index_cast %swap3A_171 : i32 to index
      %swap3A_173 = arith.index_cast %mul3A_54 : i32 to index
      %swap3A_174 = tpu.vector_load %arg11[%swap3A_172, %swap3A_173] {strides = array<i32>} : memref<16x1024xf32, #tpu.memory_space<vmem>>, vector<16xf32>,
      tpu.vector_store %arg11[%swap3A_172, %swap3A_173], %gather3A_86 {strides = array<i32>} : memref<16x1024xf32, #tpu.memory_space<vmem>>, vector<16xf32>,
      %swap3A_175 = arith.constant 2 : i32
      %swap3A_176 = arith.index_cast %swap3A_175 : i32 to index
      %swap3A_177 = arith.index_cast %mul3A_54 : i32 to index
      %swap3A_178 = tpu.vector_load %arg11[%swap3A_176, %swap3A_177] {strides = array<i32>} : memref<16x1024xf32, #tpu.memory_space<vmem>>, vector<16xf32>,
      tpu.vector_store %arg11[%swap3A_176, %swap3A_177], %gather3A_93 {strides = array<i32>} : memref<16x1024xf32, #tpu.memory_space<vmem>>, vector<16xf32>,
      %swap3A_179 = arith.constant 3 : i32
      %swap3A_180 = arith.index_cast %swap3A_179 : i32 to index
      %swap3A_181 = arith.index_cast %mul3A_54 : i32 to index
      %swap3A_182 = tpu.vector_load %arg11[%swap3A_180, %swap3A_181] {strides = array<i32>} : memref<16x1024xf32, #tpu.memory_space<vmem>>, vector<16xf32>,
      tpu.vector_store %arg11[%swap3A_180, %swap3A_181], %gather3A_114 {strides = array<i32>} : memref<16x1024xf32, #tpu.memory_space<vmem>>, vector<16xf32>,
      %swap3A_183 = arith.constant 4 : i32
      %swap3A_184 = arith.index_cast %swap3A_183 : i32 to index
      %swap3A_185 = arith.index_cast %mul3A_54 : i32 to index
      %swap3A_186 = tpu.vector_load %arg11[%swap3A_184, %swap3A_185] {strides = array<i32>} : memref<16x1024xf32, #tpu.memory_space<vmem>>, vector<16xf32>,
      tpu.vector_store %arg11[%swap3A_184, %swap3A_185], %gather3A_121 {strides = array<i32>} : memref<16x1024xf32, #tpu.memory_space<vmem>>, vector<16xf32>,
      %swap3A_187 = arith.constant 5 : i32
      %swap3A_188 = arith.index_cast %swap3A_187 : i32 to index
      %swap3A_189 = arith.index_cast %mul3A_54 : i32 to index
      %swap3A_190 = tpu.vector_load %arg11[%swap3A_188, %swap3A_189] {strides = array<i32>} : memref<16x1024xf32, #tpu.memory_space<vmem>>, vector<16xf32>,
      tpu.vector_store %arg11[%swap3A_188, %swap3A_189], %gather3A_128 {strides = array<i32>} : memref<16x1024xf32, #tpu.memory_space<vmem>>, vector<16xf32>,
      %swap3A_191 = arith.constant 6 : i32
      %swap3A_192 = arith.index_cast %swap3A_191 : i32 to index
      %swap3A_193 = arith.index_cast %mul3A_54 : i32 to index
      %swap3A_194 = tpu.vector_load %arg11[%swap3A_192, %swap3A_193] {strides = array<i32>} : memref<16x1024xf32, #tpu.memory_space<vmem>>, vector<16xf32>,
      tpu.vector_store %arg11[%swap3A_192, %swap3A_193], %add3A_161 {strides = array<i32>} : memref<16x1024xf32, #tpu.memory_space<vmem>>, vector<16xf32>,
      %swap3A_195 = arith.constant 7 : i32
      %swap3A_196 = arith.index_cast %swap3A_195 : i32 to index
      %swap3A_197 = arith.index_cast %mul3A_54 : i32 to index
      %swap3A_198 = tpu.vector_load %arg11[%swap3A_196, %swap3A_197] {strides = array<i32>} : memref<16x1024xf32, #tpu.memory_space<vmem>>, vector<16xf32>,
      tpu.vector_store %arg11[%swap3A_196, %swap3A_197], %add3A_166 {strides = array<i32>} : memref<16x1024xf32, #tpu.memory_space<vmem>>, vector<16xf32>,
      %swap3A_199 = arith.constant 8 : i32
      %swap3A_200 = arith.index_cast %swap3A_199 : i32 to index
      %swap3A_201 = arith.index_cast %mul3A_54 : i32 to index
      %swap3A_202 = tpu.vector_load %arg11[%swap3A_200, %swap3A_201] {strides = array<i32>} : memref<16x1024xf32, #tpu.memory_space<vmem>>, vector<16xf32>,
      tpu.vector_store %arg11[%swap3A_200, %swap3A_201], %gather3A_156 {strides = array<i32>} : memref<16x1024xf32, #tpu.memory_space<vmem>>, vector<16xf32>,
      %swap3A_203 = arith.constant 9 : i32
      %swap3A_204 = arith.index_cast %swap3A_203 : i32 to index
      %swap3A_205 = arith.index_cast %mul3A_54 : i32 to index
      %swap3A_206 = tpu.vector_load %arg11[%swap3A_204, %swap3A_205] {strides = array<i32>} : memref<16x1024xf32, #tpu.memory_space<vmem>>, vector<16xf32>,
      tpu.vector_store %arg11[%swap3A_204, %swap3A_205], %gather3A {strides = array<i32>} : memref<16x1024xf32, #tpu.memory_space<vmem>>, vector<16xf32>,
      %swap3A_207 = arith.constant 10 : i32
      %swap3A_208 = arith.index_cast %swap3A_207 : i32 to index
      %swap3A_209 = arith.index_cast %mul3A_54 : i32 to index
      %swap3A_210 = tpu.vector_load %arg11[%swap3A_208, %swap3A_209] {strides = array<i32>} : memref<16x1024xf32, #tpu.memory_space<vmem>>, vector<16xf32>,
      tpu.vector_store %arg11[%swap3A_208, %swap3A_209], %gather3A_72 {strides = array<i32>} : memref<16x1024xf32, #tpu.memory_space<vmem>>, vector<16xf32>,
      %swap3A_211 = arith.constant 11 : i32
      %swap3A_212 = arith.index_cast %swap3A_211 : i32 to index
      %swap3A_213 = arith.index_cast %mul3A_54 : i32 to index
      %swap3A_214 = tpu.vector_load %arg11[%swap3A_212, %swap3A_213] {strides = array<i32>} : memref<16x1024xf32, #tpu.memory_space<vmem>>, vector<16xf32>,
      tpu.vector_store %arg11[%swap3A_212, %swap3A_213], %gather3A_100 {strides = array<i32>} : memref<16x1024xf32, #tpu.memory_space<vmem>>, vector<16xf32>,
      %swap3A_215 = arith.constant 12 : i32
      %swap3A_216 = arith.index_cast %swap3A_215 : i32 to index
      %swap3A_217 = arith.index_cast %mul3A_54 : i32 to index
      %swap3A_218 = tpu.vector_load %arg11[%swap3A_216, %swap3A_217] {strides = array<i32>} : memref<16x1024xf32, #tpu.memory_space<vmem>>, vector<16xf32>,
      tpu.vector_store %arg11[%swap3A_216, %swap3A_217], %gather3A_107 {strides = array<i32>} : memref<16x1024xf32, #tpu.memory_space<vmem>>, vector<16xf32>,
      %swap3A_219 = arith.constant 13 : i32
      %swap3A_220 = arith.index_cast %swap3A_219 : i32 to index
      %swap3A_221 = arith.index_cast %mul3A_54 : i32 to index
      %swap3A_222 = tpu.vector_load %arg11[%swap3A_220, %swap3A_221] {strides = array<i32>} : memref<16x1024xf32, #tpu.memory_space<vmem>>, vector<16xf32>,
      tpu.vector_store %arg11[%swap3A_220, %swap3A_221], %broadcast_in_dim3A_167 {strides = array<i32>} : memref<16x1024xf32, #tpu.memory_space<vmem>>, vector<16xf32>,
      %swap3A_223 = arith.constant 14 : i32
      %swap3A_224 = arith.index_cast %swap3A_223 : i32 to index
      %swap3A_225 = arith.index_cast %mul3A_54 : i32 to index
      %swap3A_226 = tpu.vector_load %arg11[%swap3A_224, %swap3A_225] {strides = array<i32>} : memref<16x1024xf32, #tpu.memory_space<vmem>>, vector<16xf32>,
      tpu.vector_store %arg11[%swap3A_224, %swap3A_225], %broadcast_in_dim3A_167 {strides = array<i32>} : memref<16x1024xf32, #tpu.memory_space<vmem>>, vector<16xf32>,
      %swap3A_227 = arith.constant 15 : i32
      %swap3A_228 = arith.index_cast %swap3A_227 : i32 to index
      %swap3A_229 = arith.index_cast %mul3A_54 : i32 to index
      %swap3A_230 = tpu.vector_load %arg11[%swap3A_228, %swap3A_229] {strides = array<i32>} : memref<16x1024xf32, #tpu.memory_space<vmem>>, vector<16xf32>,
      tpu.vector_store %arg11[%swap3A_228, %swap3A_229], %broadcast_in_dim3A_167 {strides = array<i32>} : memref<16x1024xf32, #tpu.memory_space<vmem>>, vector<16xf32>,
    }
    %scan3A_51 = arith.constant 64 : i32
    "tpu.region"() ({
      %run_scoped3A = tpu.sem_alloc : memref<!tpu.dma_semaphore, #tpu.memory_space<semaphore_mem>>
      %dma_start3A = arith.constant 0 : i32
      %dma_start3A_52 = arith.constant 0 : i32
      %dma_start3A_53 = tpu.memref_slice %arg11[%dma_start3A, %dma_start3A_52] : memref<16x1024xf32, #tpu.memory_space<vmem>> -> memref<16x1024xf32, #tpu.memory_space<vmem>>
      %dma_start3A_54 = arith.constant 0 : i32
      %dma_start3A_55 = tpu.memref_slice %arg6[%dma_start3A_54, %add3A_43] : memref<16x163840xf32, #tpu.memory_space<hbm>> -> memref<16x1024xf32, #tpu.memory_space<hbm>>
      %dma_start3A_56 = arith.constant 0 : i32
      %dma_start3A_57 = tpu.memref_slice %arg6[%dma_start3A_56, %add3A_43] : memref<16x163840xf32, #tpu.memory_space<hbm>> -> memref<16x1024xf32, #tpu.memory_space<hbm>>
      %dma_start3A_58 = arith.constant 0 : i32
      %dma_start3A_59 = arith.constant 0 : i32
      %dma_start3A_60 = tpu.memref_slice %arg11[%dma_start3A_58, %dma_start3A_59] : memref<16x1024xf32, #tpu.memory_space<vmem>> -> memref<16x1024xf32, #tpu.memory_space<vmem>>
      tpu.enqueue_dma source(%dma_start3A_60 : memref<16x1024xf32, #tpu.memory_space<vmem>>) target(%dma_start3A_57 : memref<16x1024xf32, #tpu.memory_space<hbm>>) target_semaphore(%run_scoped3A : memref<!tpu.dma_semaphore, #tpu.memory_space<semaphore_mem>>)
      %dma_wait3A = arith.constant 0 : i32
      %dma_wait3A_61 = arith.constant 0 : i32
      %dma_wait3A_62 = tpu.memref_slice %arg11[%dma_wait3A, %dma_wait3A_61] : memref<16x1024xf32, #tpu.memory_space<vmem>> -> memref<16x1024xf32, #tpu.memory_space<vmem>>
      %dma_wait3A_63 = arith.constant 0 : i32
      %dma_wait3A_64 = tpu.memref_slice %arg6[%dma_wait3A_63, %add3A_43] : memref<16x163840xf32, #tpu.memory_space<hbm>> -> memref<16x1024xf32, #tpu.memory_space<hbm>>
      %dma_wait3A_65 = arith.constant 0 : i32
      %dma_wait3A_66 = tpu.memref_slice %arg6[%dma_wait3A_65, %add3A_43] : memref<16x163840xf32, #tpu.memory_space<hbm>> -> memref<16x1024xf32, #tpu.memory_space<hbm>>
      %dma_wait3A_67 = arith.constant 0 : i32
      %dma_wait3A_68 = arith.constant 0 : i32
      %dma_wait3A_69 = tpu.memref_slice %arg11[%dma_wait3A_67, %dma_wait3A_68] : memref<16x1024xf32, #tpu.memory_space<vmem>> -> memref<16x1024xf32, #tpu.memory_space<vmem>>
      tpu.wait_dma2 semaphore(%run_scoped3A : memref<!tpu.dma_semaphore, #tpu.memory_space<semaphore_mem>>) src(%dma_wait3A_69 : memref<16x1024xf32, #tpu.memory_space<vmem>>) dst(%dma_wait3A_66 : memref<16x1024xf32, #tpu.memory_space<hbm>>)
      tpu.yield
    }) : () -> ()
    return
  }
}

</mosaic_0001>

<sc_bundles>
// kernel: _build_ef.3.cloned.1.call-start
scs
__scs_entry_jumppad:
0x0: {  	(pc) =	sbr.rel $0x88, $3  }
0x1: {  	(tag) =	ssettag $0x0;
	lr =	simm.s32 $0x1  }
0x2: {  	[smem:$0x3F9D] =	sst lr;
	_ =	strace $0xD0000000  }
0x3: {  	_ = 	snop  }
0x4: {  	_ = 	snop  }
0x5: {  	_ = 	snop  }
0x6: {  	_ = 	snop  }
0x7: {  	_ = 	snop  }
__scs_overlays_trampoline_lowered:
0x8: {  	[smem:$0x3FAC] =	sst s0  }
0x9: {  	[smem:$0x3FAD] =	sst s1  }
0xa: {  	[smem:$0x3FAE] =	sst s2  }
0xb: {  	[smem:$0x3FAF] =	sst s3  }
0xc: {  	[smem:$0x3FB0] =	sst s4  }
0xd: {  	[smem:$0x3FB1] =	sst s5  }
0xe: {  	[smem:$0x3FB2] =	sst s6  }
0xf: {  	[smem:$0x3FB3] =	sst s7  }
0x10: {  	[smem:$0x3FB4] =	sst s8  }
0x11: {  	[smem:$0x3FB5] =	sst s9;
	s0 =	simm.s32 @!p0 $0x0  }
0x12: {  	s1 =	sld [smem:$0x3F9B];
	s0 =	simm.s32 @p0 $0x1  }
0x13: {  	[smem:$0x3FB6] =	sst s0;
	s0 =	simm.s32 @!p1 $0x0  }
0x14: {  	s2 =	sld [smem:$0x3F9A];
	s0 =	simm.s32 @p1 $0x1  }
0x15: {  	[smem:$0x3FB7] =	sst s0;
	s0 =	simm.s32 @!p2 $0x0  }
0x16: {  	s3 =	sld [smem:$0x3FDB];
	s0 =	simm.s32 @p2 $0x1  }
0x17: {  	s4 =	simm.s32 $0x1BF5;
	[smem:$0x3FB9] =	sst s0  }
0x18: {  	s0 =	sld [smem:$0x3F9C];
	_ =	swait.ge [sflag:s4], $0x0  }
0x19: {  	s7 =	sld [smem:$0x3F9D]  }
0x1a: {  	s8 =	sadd.s32 $0xFFFFE003, lr  }
0x1b: {  	s9 =	sadd.s32 $0xFFFFFEF7, lr;
	s5 =	simm.s32 $0xFFFFFFFF;
	p2 =	slt.u32 s8, $0xFFFFF086  }
0x1c: {  	p1 =	slt.u32 s9, $0xF7A;
	s5 =	simm.s32 @!p2 $0x0  }
0x1d: {  	s5 =	simm.s32 @p1 $0x1;
	p0 =	seq.s32 s7, s2  }
0x1e: {  	s7 =	smul.u32 @!p0 $0xF7A, s2;
	p2 =	seq.s32 @!p0 s5, $0x0  }
0x1f: {  	s9 =	smul.u32 $0xF7A, s1;
	s8 =	simm.s32 @!p0 $0x1BF5;
	p2 =	por !p2, p0  }
0x20: {  	[sflag:s8] =	ssyncset.s32 @!p0 $0xFFFFF086;
	s6 =	sadd.s32 @!p0 s3, s7;
	s7 =	simm.s32 @!p0 $0x108  }
0x21: {  	s3 =	sadd.s32 s3, s9;
	s6 =	sadd.s32 @!p0 $0x88, s6;
	s7 =	simm.s32 @p2 $0x1082  }
0x22: {  	[simem:s7], [sflag:s8] =	dma.local @!p0 [hbm:s6], $0xF7A  }
0x23: {  	s9 =	sor.u32 $0xD0000000, s2;
	s6 =	simm.s32 $0x108;
	_ =	swait.ge @!p0 [sflag:s8], $0x0  }
0x24: {  	s3 =	sadd.s32 $0x88, s3;
	s6 =	simm.s32 @!p1 $0x1082;
	[sflag:s4] =	ssyncset.s32 $0xFFFFF086  }
0x25: {  	[simem:s6], [sflag:s4] =	dma.local [hbm:s3], $0xF7A  }
0x26: {  	[smem:$0x3F9D] =	sst s1;
	(tag) =	ssettag s2;
	_ =	strace s9  }
0x27: {  	s1 =	sld [smem:$0x3FAD]  }
0x28: {  	s2 =	sld [smem:$0x3FAE]  }
0x29: {  	s4 =	sld [smem:$0x3FB0]  }
0x2a: {  	p0 =	seq.s32 s5, $0x0;
	s5 =	sld [smem:$0x3FB1]  }
0x2b: {  	s6 =	sld [smem:$0x3FB2]  }
0x2c: {  	s7 =	sld [smem:$0x3FB3]  }
0x2d: {  	s3 =	simm.s32 $0x108;
	s8 =	sld [smem:$0x3FB4]  }
0x2e: {  	s3 =	simm.s32 @!p0 $0x1082;
	s9 =	sld [smem:$0x3FB5]  }
0x2f: {  	lr =	sadd.s32 s0, s3;
	s0 =	sld [smem:$0x3FAC]  }
0x30: {  	s3 =	sld [smem:$0x3FAF]  }
0x31: {  	[smem:$0x3FB8] =	sst s10  }
0x32: {  	s10 =	sld [smem:$0x3FB6];
	_ =	sdelay $0x3  }
0x33: {  	p0 =	seq.s32 s10, $0x1;
	s10 =	sld [smem:$0x3FB8];
	_ =	sdelay $0x3  }
0x34: {  	[smem:$0x3FB8] =	sst s10  }
0x35: {  	s10 =	sld [smem:$0x3FB7];
	_ =	sdelay $0x3  }
0x36: {  	p1 =	seq.s32 s10, $0x1;
	s10 =	sld [smem:$0x3FB8];
	_ =	sdelay $0x3  }
0x37: {  	[smem:$0x3FB8] =	sst s10  }
0x38: {  	s10 =	sld [smem:$0x3FB9]  }
0x39: {  	_ = 	snop;
	(pc) =	sbr.ind lr, $3  }
0x3a: {  	_ = 	snop  }
0x3b: {  	_ = 	snop  }
0x3c: {  	p2 =	seq.s32 s10, $0x1;
	s10 =	sld [smem:$0x3FB8]  }
0x3d: {  	_ =	shalt  }
0x3e: {  	_ =	shalt  }
0x3f: {  	_ =	shalt  }
0x40: {  	_ =	shalt  }
0x41: {  	_ =	shalt  }
0x42: {  	_ =	shalt  }
0x43: {  	_ =	shalt  }
0x44: {  	_ =	shalt  }
0x45: {  	_ =	shalt  }
0x46: {  	_ =	shalt  }
0x47: {  	_ =	shalt  }
0x48: {  	_ =	shalt  }
0x49: {  	_ =	shalt  }
0x4a: {  	_ =	shalt  }
0x4b: {  	_ =	shalt  }
0x4c: {  	_ =	shalt  }
0x4d: {  	_ =	shalt  }
0x4e: {  	_ =	shalt  }
0x4f: {  	_ =	shalt  }
0x50: {  	_ =	shalt  }
0x51: {  	_ =	shalt  }
0x52: {  	_ =	shalt  }
0x53: {  	_ =	shalt  }
0x54: {  	_ =	shalt  }
0x55: {  	_ =	shalt  }
0x56: {  	_ =	shalt  }
0x57: {  	_ =	shalt  }
0x58: {  	_ =	shalt  }
0x59: {  	_ =	shalt  }
0x5a: {  	_ =	shalt  }
0x5b: {  	_ =	shalt  }
0x5c: {  	_ =	shalt  }
0x5d: {  	_ =	shalt  }
0x5e: {  	_ =	shalt  }
0x5f: {  	_ =	shalt  }
0x60: {  	_ =	shalt  }
0x61: {  	_ =	shalt  }
0x62: {  	_ =	shalt  }
0x63: {  	_ =	shalt  }
0x64: {  	_ =	shalt  }
0x65: {  	_ =	shalt  }
0x66: {  	_ =	shalt  }
0x67: {  	_ =	shalt  }
0x68: {  	_ =	shalt  }
0x69: {  	_ =	shalt  }
0x6a: {  	_ =	shalt  }
0x6b: {  	_ =	shalt  }
0x6c: {  	_ =	shalt  }
0x6d: {  	_ =	shalt  }
0x6e: {  	_ =	shalt  }
0x6f: {  	_ =	shalt  }
0x70: {  	_ =	shalt  }
0x71: {  	_ =	shalt  }
0x72: {  	_ =	shalt  }
0x73: {  	_ =	shalt  }
0x74: {  	_ =	shalt  }
0x75: {  	_ =	shalt  }
0x76: {  	_ =	shalt  }
0x77: {  	_ =	shalt  }
0x78: {  	_ =	shalt  }
0x79: {  	_ =	shalt  }
0x7a: {  	_ =	shalt  }
0x7b: {  	_ =	shalt  }
0x7c: {  	_ =	shalt  }
0x7d: {  	_ =	shalt  }
0x7e: {  	_ =	shalt  }
0x7f: {  	_ =	shalt  }
0x80: {  	_ =	shalt  }
0x81: {  	_ =	shalt  }
0x82: {  	_ =	shalt  }
0x83: {  	_ =	shalt  }
0x84: {  	_ =	shalt  }
0x85: {  	_ =	shalt  }
0x86: {  	_ =	shalt  }
0x87: {  	_ =	shalt  }
.Lfunc_end0:
.L_simem_size_0:
called_computation_lowered:
.L_overlay_start_0:
0x88: {  	s2 =	sld [smem:$0x3FD9]  }
0x89: {  	s3 =	sld [smem:$0x3FFE];
	_ =	sdelay $0x1  }
0x8a: {  	s1 =	srdreg.scid  }
0x8b: {  	s0 =	sand.u32 $0x1, s1  }
0x8c: {  	s17 =	sshll.u32 s0, $0xA;
	s2 =	sadd.s32 s3, s2  }
0x8d: {  	s2 =	sadd.s32 s2, s17  }
0x8e: {  	[smem:$0x3FC4] =	sst s2  }
0x8f: {  	_ = 	snop  }
0x90: {  	s2 =	sld [smem:$0x3FC9]  }
0x91: {  	s18 =	sld [smem:$0x3FC8]  }
0x92: {  	s4 =	sld [smem:$0x3FC7]  }
0x93: {  	s5 =	sld [smem:$0x3FC6];
	(tm) =	ssettm $0x1  }
0x94: {  	s6 =	sld [smem:$0x3FFB];
	_ =	sdelay $0x3  }
0x95: {  	_ =	strace s6  }
0x96: {  	s6 =	sld [smem:$0x3FFC];
	_ =	sdelay $0x3  }
0x97: {  	_ =	strace s6  }
0x98: {  	s6 =	sld [smem:$0x3FFD];
	_ =	sdelay $0x3  }
0x99: {  	_ =	strace s6  }
0x9a: {  	_ =	strace $0x8FFFFFFF  }
0x9b: {  	s19 =	sld [smem:$0x3FDB];
	_ =	sdelay $0x1  }
0x9c: {  	s7 =	simm.s32 $_scs_section_size  }
0x9d: {  	s8 =	simm.s32 $_size__tile_overlayer_lowered;
	s9 =	simm.s32 $_tile_overlayer_lowered  }
0x9e: {  	s22 =	simm.s32 $0x1BFF;
	s21 =	sshll.u32 s9, $0x1;
	s6 =	sadd.s32 s7, s19  }
0x9f: {  	s10 =	simm.s32 $0x0;
	s20 =	sshll.u32 s8, $0x1;
	s8 =	sadd.s32 s21, s6  }
0xa0: {  	[timem:s10], [sflag:s22] =	dma.local [hbm:s8], s20  }
0xa1: {  	_ =	swait.ge [sflag:s22], s20  }
0xa2: {  	s7 =	ssub.s32 $0x0, s20;
	[sflag:s22] =	ssyncset.done $0x0  }
0xa3: {  	[sflag:s22] =	ssyncadd.s32 s7;
	_ =	sdelay $0x1  }
0xa4: {  	s23 =	simm.s32 $0x1B8B  }
0xa5: {  	_ =	swait.ge [sflag:s23], $0x1  }
0xa6: {  	[sflag:s23] =	ssyncset.done $0x0  }
0xa7: {  	s25 =	simm.s32 $0x1B8E;
	s24 =	sld [smem:$0x3FFE];
	[sflag:s23] =	ssyncadd.s32 $0xFFFFFFFF  }
0xa8: {  	s26 =	simm.s32 $execute0_lowered;
	[smem:$0x3FD2] =	sst s25  }
0xa9: {  	s8 =	sshll.u32 s26, $0x1;
	_ =	strace $0x80000046;
	[dreg:$0x1] =	wrdreg $0xFFFFFFFF  }
0xaa: {  	s28 =	simm.s32 $_size_execute0_lowered;
	s6 =	sadd.s32 s6, s8;
	[dreg:$0x0] =	wrdreg $0x0  }
0xab: {  	s8 =	sshll.u32 s28, $0x1;
	[dreg:$0x2] =	wrdreg s6  }
0xac: {  	[dreg:$0x3] =	wrdreg s8  }
0xad: {  	[dreg:$0x4] =	wrdreg $0xC0  }
0xae: {  	_ =	task [dreg:s10], $0x5FFFF  }
0xaf: {  	[dreg:$0x1] =	wrdreg $0xFFFFFFFF  }
0xb0: {  	[dreg:$0x0] =	wrdreg $0x60  }
0xb1: {  	[dreg:$0x2] =	wrdreg s2  }
0xb2: {  	[dreg:$0x3] =	wrdreg s18  }
0xb3: {  	[dreg:$0x4] =	wrdreg s4  }
0xb4: {  	[dreg:$0x5] =	wrdreg s5  }
0xb5: {  	[dreg:$0x6] =	wrdreg s24  }
0xb6: {  	[dreg:$0x7] =	wrdreg $0x9  }
0xb7: {  	_ =	task.clear_ibuf [dreg:s10], $0x8FFFF;
	_ =	strace $0x90000046  }
0xb8: {  	s29 =	simm.s32 $0x9;
	_ =	strace $0x80000048  }
0xb9: {  	_ =	swait.ge [sflag:s29], $0x1  }
0xba: {  	[sflag:s29] =	ssyncadd.s32 $0xFFFFFFFF  }
0xbb: {  	_ =	strace $0x90000048  }
0xbc: {  	_ =	sfence  }
0xbd: {  	s30 =	sld [smem:$0x0];
	_ =	sdelay $0x2  }
0xbe: {  	s31 =	sshll.u32 s1, $0xD;
	s1 =	sshrl.u32 s1, $0x2  }
0xbf: {  	s3 =	sand.u32 $0x4000, s31;
	s1 =	sadd.s32 s1, s30  }
0xc0: {  	s0 =	sor.u32 s3, s0;
	s1 =	sshll.u32 s1, $0x11  }
0xc1: {  	s0 =	sor.u32 s1, s0  }
0xc2: {  	s0 =	sadd.s32 $0x8F2B, s0  }
0xc3: {  	[sflag:s0] =	ssyncadd.remote.s32 $0x1  }
0xc4: {  	_ =	sfence.sel $0xFFFF  }
0xc5: {  	[dreg:$0x0] =	wrdreg $0xFFFFFFFF;
	(pc) =	sbr.abs _section_cstart, $3  }
0xc6: {  	[dreg:$0x1] =	wrdreg $0xFFFFFFFF  }
0xc7: {  	_ =	task.clear_ibuf [dreg:s10], $0x2FFFF;
	_ =	strace $0x9FFFFFFF  }
0xc8: {  	(tm) =	ssettm $0x7FFFFFFF  }
0xc9: {  	_ =	shalt  }
tec
execute0_lowered:
.L_overlay_start_1:
0x0: {  	(tag) =	ssettag $0x1  }
0x1: {  	s0 =	rddreg [dreg:$0x1]  }
0x2: {  	s1 =	rddreg [dreg:$0x2]  }
0x3: {  	s2 =	rddreg [dreg:$0x3];
	s3 =	srdreg.scid  }
0x4: {  	s6 =	stileid.u32;
	s4 =	rddreg [dreg:$0x4];
	s28 =	simm.s32 $0x400  }
0x5: {  	s29 =	simm.s32 $0x28000;
	s5 =	sand.u32 $0x1, s3;
	s6 =	sshll.u32 s6, $0x1  }
0x6: {  	s30 =	simm.s32 $0xDB50;
	s31 =	simm.s32 $0x0;
	s6 =	sor.u32 s5, s6  }
0x7: {  	s3 =	simm.s32 $0x0;
	s5 =	ssub.s32 $0x2, s5;
	s7 =	smul.u32 $0x1400, s6  }
0x8: {  	[smem:$0x7FF] =	sst s3;
	s8 =	sshrl.u32 s5, $0x1;
	s6 =	smul.u32 $0xA00, s6  }
0x9: {  	s4 =	sadd.s32 $0x400, s4;
	_ =	strace $0x80000047;
	s5 =	ssub.s32 s5, s8  }
0xa: {  	s13 =	sshrl.u32 s7, $0x3;
	s15 =	sadd.s32 $0x400, s7;
	s6 =	sadd.s32 s2, s6  }
0xb: {  	s20 =	sadd.s32 $0x800, s7;
	s23 =	sadd.s32 $0xC00, s7;
	s7 =	sadd.s32 $0x1000, s7  }
0xc: {  	s9 =	sadd.s32 s0, s13;
	s14 =	sadd.s32 s1, s13;
	[dreg:$0x8] =	wrdreg s6  }
0xd: {  	s16 =	sadd.s32 s4, s13;
	s17 =	sshrl.u32 s15, $0x3;
	s19 =	sshrl.u32 s15, $0x1  }
0xe: {  	s21 =	sshrl.u32 s20, $0x3;
	s22 =	sshrl.u32 s20, $0x1;
	[dreg:$0x6] =	wrdreg s9  }
0xf: {  	s24 =	sshrl.u32 s23, $0x3;
	s6 =	sshrl.u32 s23, $0x1;
	[dreg:$0x7] =	wrdreg s14  }
0x10: {  	s25 =	sshrl.u32 s7, $0x1;
	s26 =	sshrl.u32 s7, $0x3;
	[dreg:$0x9] =	wrdreg s16  }
0x11: {  	s18 =	sadd.s32 s0, s17;
	s10 =	sadd.s32 s1, s17;
	s11 =	sadd.s32 s4, s17  }
0x12: {  	s12 =	sadd.s32 s0, s21;
	s13 =	sadd.s32 s1, s21;
	s14 =	sadd.s32 s2, s22  }
0x13: {  	s15 =	sadd.s32 s4, s21;
	s16 =	sadd.s32 s0, s24;
	s17 =	sadd.s32 s2, s6  }
0x14: {  	s20 =	sadd.s32 s4, s24;
	s21 =	sadd.s32 s0, s26;
	s22 =	sadd.s32 s1, s26  }
0x15: {  	s23 =	sadd.s32 s4, s26;
	s26 =	simm.s32 $0xCB50;
	[dreg:$0xa] =	wrdreg s18  }
0x16: {  	v0 =	vlaneseq.u32;
	[dreg:$0xb] =	wrdreg s10;
	s10 =	sadd.s32 s2, s19;
	s18 =	sadd.s32 s2, s25  }
0x17: {  	v1 =	vimm.f32 $0.0e+00;
	v0 =	vmul.u32 $0x4, v0;
	s19 =	sadd.s32 s1, s24;
	s24 =	smax.u32 s5, $0x1;
	s25 =	simm.s32 $0x1  }
.LBB2_1:
0x18: {  	s0 =	rddreg [dreg:$0x0]  }
0x19: {  	[tilespmem:s3], [sflag:$0x1] =	stream.linear.gather [hbm4b:s0+s3], $0xC350, $0x38;
	[tilespmem:$0x11B50] =	vst v63  }
0x1a: {  	_ =	swait.ge [sflag:s25], $0xC350  }
0x1b: {  	[sflag:s25] =	ssyncset.done $0x0  }
0x1c: {  	s6 =	simm.s32 $0xC350;
	s1 =	rddreg [dreg:$0x6];
	[sflag:s25] =	ssyncadd.s32 $0xFFFF3CB0  }
0x1d: {  	[tilespmem:s6], [sflag:$0x1] =	stream.linear.gather [hbm4b:s1+s3], $0x400, $0x38;
	[tilespmem:$0x11B50] =	vst v63  }
0x1e: {  	_ =	swait.ge [sflag:s25], $0x400  }
0x1f: {  	[sflag:s25] =	ssyncset.done $0x0  }
0x20: {  	s7 =	simm.s32 $0xC750;
	s2 =	rddreg [dreg:$0x7];
	[sflag:s25] =	ssyncadd.s32 $0xFFFFFC00  }
0x21: {  	[tilespmem:s7], [sflag:$0x1] =	stream.linear.gather [hbm4b:s2+s3], $0x400, $0x38;
	[tilespmem:$0x11B50] =	vst v63  }
0x22: {  	_ =	swait.ge [sflag:s25], $0x400  }
0x23: {  	[sflag:s25] =	ssyncset.done $0x0  }
0x24: {  	s8 =	rddreg [dreg:$0x8];
	[sflag:s25] =	ssyncadd.s32 $0xFFFFFC00  }
0x25: {  	[tilespmem:s26], [sflag:$0x1] =	stream.linear.gather [hbm4b:s8+s3], $0x1000, $0x38;
	[tilespmem:$0x11B50] =	vst v63  }
0x26: {  	_ =	swait.ge [sflag:s25], $0x1000  }
0x27: {  	[sflag:s25] =	ssyncset.done $0x0  }
0x28: {  	[sflag:s25] =	ssyncadd.s32 $0xFFFFF000  }
0x29: {  	v2 =	vmov s3;
	v3 =	vld [tilespmem:s6+$0x0]  }
0x2a: {  	v2 =	vshll.u32 v2, $0x2  }
0x2b: {  	v2 =	vor.u32 v0, v2;
	v4 =	vld [tilespmem:s7+$0x0]  }
0x2c: {  	v5 =	vor.u32 $0x3, v2  }
0x2d: {  	v6 =	vor.u32 $0x2, v2  }
0x2e: {  	v7 =	vor.u32 $0x1, v2;
	v3 =	vmul.u32 $0x5, v3;
	_ =	sdelay $0x1  }
0x2f: {  	v9 =	vld.idx.msk [tilespmem:v2+s26+$0x0], $0xffff;
	v4 =	vmul.u32 $0x5, v4;
	v8 =	vadd.s32 $0x3, v3  }
0x30: {  	v2 =	vld.idx.msk [tilespmem:v5+s26+$0x0], $0xffff;
	v10 =	vadd.s32 $0x2, v3  }
0x31: {  	v6 =	vld.idx.msk [tilespmem:v6+s26+$0x0], $0xffff;
	v5 =	vadd.s32 $0x3, v4  }
0x32: {  	v12 =	vld.idx.msk [tilespmem:v7+s26+$0x0], $0xffff;
	v11 =	vadd.s32 $0x2, v4  }
0x33: {  	v7 =	vadd.s32 $0x4, v4;
	v13 =	vld.idx.msk [tilespmem:v3+s3+$0x0], $0xffff  }
0x34: {  	v14 =	vadd.s32 $0x4, v3;
	v15 =	vld.idx.msk [tilespmem:v8+s3+$0x0], $0xffff  }
0x35: {  	v10 =	vld.idx.msk [tilespmem:v10+s3+$0x0], $0xffff  }
0x36: {  	v8 =	vadd.s32 $0x1, v4;
	v5 =	vld.idx.msk [tilespmem:v5+s3+$0x0], $0xffff  }
0x37: {  	v3 =	vadd.s32 $0x1, v3;
	v11 =	vld.idx.msk [tilespmem:v11+s3+$0x0], $0xffff  }
0x38: {  	v16 =	vld.idx.msk [tilespmem:v7+s3+$0x0], $0xffff  }
0x39: {  	v14 =	vld.idx.msk [tilespmem:v14+s3+$0x0], $0xffff  }
0x3a: {  	v4 =	vld.idx.msk [tilespmem:v4+s3+$0x0], $0xffff  }
0x3b: {  	s1 =	simm.s32 $0xFB50;
	v7 =	vld.idx.msk [tilespmem:v8+s3+$0x0], $0xffff  }
0x3c: {  	v8 =	vld.idx.msk [tilespmem:v3+s3+$0x0], $0xffff;
	[tilespmem:s1+$0x1C00] =	vst v1  }
0x3d: {  	[tilespmem:s1+$0x1400] =	vst v1  }
0x3e: {  	v3 =	vmul.f32 v15, v5;
	v17 =	vmul.f32 v10, v11;
	[tilespmem:s1+$0x1800] =	vst v1  }
0x3f: {  	[tilespmem:s1+$0x400] =	vst v4  }
0x40: {  	v63 =	vmul.f32 v14, v16;
	[tilespmem:s1+$0xFFFFF000] =	vst v15;
	v3 =	vadd.f32 v3, v17  }
0x41: {  	[tilespmem:s1+$0xC00] =	vst v13  }
0x42: {  	v4 =	vmul.f32 v9, v10;
	v9 =	vmul.f32 v12, v15;
	[tilespmem:s1+$0xFFFFF400] =	vst v14;
	v3 =	vadd.f32 v63, v3  }
0x43: {  	[tilespmem:s1+$0xFFFFE400] =	vst v5  }
0x44: {  	s9 =	simm.s32 $0x10;
	[tilespmem:s1+$0xFFFFF800] =	vst v3;
	v3 =	vadd.f32 v9, v4;
	v4 =	vmul.f32 v6, v14  }
0x45: {  	v5 =	vmov s9;
	[tilespmem:s1+$0xFFFFE000] =	vst v11  }
0x46: {  	s4 =	simm.s32 $0xC760;
	[tilespmem:s1+$0xFFFFE800] =	vst v16;
	v5 =	vshll.u32 v5, $0x2;
	v9 =	vadd.f32 v4, v3  }
0x47: {  	s5 =	simm.s32 $0xC360;
	s0 =	simm.s32 $0xC360;
	s2 =	simm.s32 $0xFB60;
	[tilespmem:s1+$0xFFFFEC00] =	vst v10;
	v6 =	vor.u32 v0, v5  }
0x48: {  	s8 =	simm.s32 $0x20;
	s7 =	simm.s32 $0xFB70;
	s6 =	simm.s32 $0xC760;
	v5 =	vor.u32 $0x3, v6;
	v3 =	vor.u32 $0x1, v6;
	v4 =	vor.u32 $0x2, v6;
	[tilespmem:s1+$0xFFFFFC00] =	vst v9  }
.LBB2_2:
0x49: {  	s9 =	smov.u32 s8  }
0x4a: {  	v9 =	vmov s8;
	s0 =	sadd.s32 $0x10, s0;
	s4 =	sadd.s32 $0x10, s4;
	[tilespmem:s1+$0x1000] =	vst v8;
	s9 =	sadd.s32 $0x10, s8  }
0x4b: {  	p0 =	sne.s32 s8, $0x3F0;
	v8 =	vshll.u32 v9, $0x2;
	[tilespmem:s1+$0x0] =	vst v2  }
0x4c: {  	[tilespmem:s1+$0x800] =	vst v7;
	s1 =	smov.u32 s2;
	s2 =	smov.u32 s7  }
0x4d: {  	v2 =	vld [tilespmem:s5+$0x0];
	s5 =	smov.u32 s0  }
0x4e: {  	v7 =	vld [tilespmem:s6+$0x0];
	s6 =	smov.u32 s4  }
0x4f: {  	v9 =	vld.idx.msk [tilespmem:v6+s26+$0x0], $0xffff;
	_ =	sdelay $0x2  }
0x50: {  	v10 =	vmul.u32 $0x5, v2  }
0x51: {  	v7 =	vmul.u32 $0x5, v7  }
0x52: {  	v11 =	vadd.s32 $0x3, v10;
	v12 =	vadd.s32 $0x4, v10  }
0x53: {  	v15 =	vadd.s32 $0x2, v10;
	v13 =	vadd.s32 $0x2, v7;
	v14 =	vadd.s32 $0x3, v7;
	v2 =	vld.idx.msk [tilespmem:v5+s26+$0x0], $0xffff  }
0x54: {  	v16 =	vld.idx.msk [tilespmem:v4+s26+$0x0], $0xffff  }
0x55: {  	v6 =	vor.u32 v0, v8;
	v8 =	vld.idx.msk [tilespmem:v3+s26+$0x0], $0xffff  }
0x56: {  	v17 =	vadd.s32 $0x4, v7;
	v4 =	vor.u32 $0x2, v6;
	v3 =	vor.u32 $0x1, v6;
	v18 =	vld.idx.msk [tilespmem:v10+s3+$0x0], $0xffff  }
0x57: {  	v5 =	vor.u32 $0x3, v6;
	v11 =	vld.idx.msk [tilespmem:v11+s3+$0x0], $0xffff  }
0x58: {  	v15 =	vld.idx.msk [tilespmem:v15+s3+$0x0], $0xffff  }
0x59: {  	v19 =	vadd.s32 $0x1, v7;
	v14 =	vld.idx.msk [tilespmem:v14+s3+$0x0], $0xffff  }
0x5a: {  	v10 =	vadd.s32 $0x1, v10;
	v13 =	vld.idx.msk [tilespmem:v13+s3+$0x0], $0xffff  }
0x5b: {  	v17 =	vld.idx.msk [tilespmem:v17+s3+$0x0], $0xffff  }
0x5c: {  	v12 =	vld.idx.msk [tilespmem:v12+s3+$0x0], $0xffff  }
0x5d: {  	v20 =	vld.idx.msk [tilespmem:v7+s3+$0x0], $0xffff  }
0x5e: {  	v9 =	vmul.f32 v9, v15;
	v7 =	vld.idx.msk [tilespmem:v19+s3+$0x0], $0xffff;
	v19 =	vmul.f32 v8, v11  }
0x5f: {  	v8 =	vld.idx.msk [tilespmem:v10+s3+$0x0], $0xffff;
	v10 =	vmul.f32 v11, v14  }
0x60: {  	v21 =	vmul.f32 v15, v13;
	v9 =	vadd.f32 v19, v9;
	[tilespmem:s1+$0x1C00] =	vst v1  }
0x61: {  	[tilespmem:s1+$0x1400] =	vst v1  }
0x62: {  	v10 =	vadd.f32 v10, v21;
	v19 =	vmul.f32 v12, v17;
	v16 =	vmul.f32 v16, v12;
	[tilespmem:s1+$0x1800] =	vst v1  }
0x63: {  	[tilespmem:s1+$0x400] =	vst v20  }
0x64: {  	v10 =	vadd.f32 v19, v10;
	v9 =	vadd.f32 v16, v9;
	[tilespmem:s1+$0xFFFFF000] =	vst v11  }
0x65: {  	[tilespmem:s1+$0xC00] =	vst v18  }
0x66: {  	[tilespmem:s1+$0xFFFFF800] =	vst v10  }
0x67: {  	[tilespmem:s1+$0xFFFFF400] =	vst v12  }
.Ltmp0:
0x68: {  	[tilespmem:s1+$0xFFFFE400] =	vst v14;
	(pc) =	sbr.rel @p0 .LBB2_2-.Ltmp0, $4  }
0x69: {  	[tilespmem:s1+$0xFFFFE000] =	vst v13  }
0x6a: {  	[tilespmem:s1+$0xFFFFE800] =	vst v17  }
0x6b: {  	[tilespmem:s1+$0xFFFFEC00] =	vst v15  }
0x6c: {  	s8 =	smov.u32 s9;
	s7 =	sadd.s32 $0x10, s7;
	[tilespmem:s1+$0xFFFFFC00] =	vst v9  }
0x6d: {  	[tilespmem:s1+$0x1000] =	vst v8  }
0x6e: {  	[tilespmem:s1+$0x0] =	vst v2  }
0x6f: {  	[tilespmem:s1+$0x800] =	vst v7  }
0x70: {  	v2 =	vld [tilespmem:s5+$0x0]  }
0x71: {  	v7 =	vld [tilespmem:s6+$0x0];
	_ =	sdelay $0x3  }
0x72: {  	v2 =	vmul.u32 $0x5, v2  }
0x73: {  	v7 =	vmul.u32 $0x5, v7  }
0x74: {  	v6 =	vld.idx.msk [tilespmem:v6+s26+$0x0], $0xffff  }
0x75: {  	v5 =	vld.idx.msk [tilespmem:v5+s26+$0x0], $0xffff;
	v8 =	vadd.s32 $0x3, v2  }
0x76: {  	v4 =	vld.idx.msk [tilespmem:v4+s26+$0x0], $0xffff;
	v9 =	vadd.s32 $0x2, v2  }
0x77: {  	v3 =	vld.idx.msk [tilespmem:v3+s26+$0x0], $0xffff;
	v10 =	vadd.s32 $0x3, v7  }
0x78: {  	v11 =	vadd.s32 $0x2, v7;
	v13 =	vld.idx.msk [tilespmem:v2+s3+$0x0], $0xffff  }
0x79: {  	v12 =	vadd.s32 $0x4, v7;
	v15 =	vadd.s32 $0x1, v7;
	v7 =	vld.idx.msk [tilespmem:v7+s3+$0x0], $0xffff  }
0x7a: {  	v14 =	vadd.s32 $0x4, v2;
	v8 =	vld.idx.msk [tilespmem:v8+s3+$0x0], $0xffff  }
0x7b: {  	v9 =	vld.idx.msk [tilespmem:v9+s3+$0x0], $0xffff  }
0x7c: {  	v2 =	vadd.s32 $0x1, v2;
	v10 =	vld.idx.msk [tilespmem:v10+s3+$0x0], $0xffff  }
0x7d: {  	v11 =	vld.idx.msk [tilespmem:v11+s3+$0x0], $0xffff  }
0x7e: {  	v12 =	vld.idx.msk [tilespmem:v12+s3+$0x0], $0xffff  }
0x7f: {  	v14 =	vld.idx.msk [tilespmem:v14+s3+$0x0], $0xffff  }
0x80: {  	v15 =	vld.idx.msk [tilespmem:v15+s3+$0x0], $0xffff  }
0x81: {  	v2 =	vld.idx.msk [tilespmem:v2+s3+$0x0], $0xffff;
	[tilespmem:s2+$0x1C00] =	vst v1  }
0x82: {  	[tilespmem:s2+$0x1400] =	vst v1  }
0x83: {  	[tilespmem:s2+$0x1800] =	vst v1  }
0x84: {  	[tilespmem:s2+$0x400] =	vst v7  }
0x85: {  	[tilespmem:s2+$0xC00] =	vst v13  }
0x86: {  	[tilespmem:s2+$0x0] =	vst v5  }
0x87: {  	[tilespmem:s2+$0xFFFFF000] =	vst v8  }
0x88: {  	[tilespmem:s2+$0xFFFFF400] =	vst v14  }
0x89: {  	v16 =	vmul.f32 v8, v10;
	v17 =	vmul.f32 v9, v11;
	[tilespmem:s2+$0xFFFFE400] =	vst v10  }
0x8a: {  	v6 =	vmul.f32 v6, v9;
	v3 =	vmul.f32 v3, v8;
	[tilespmem:s2+$0xFFFFE000] =	vst v11  }
0x8b: {  	v56 =	vmul.f32 v14, v12;
	[tilespmem:s2+$0xFFFFE800] =	vst v12;
	v16 =	vadd.f32 v16, v17  }
0x8c: {  	v4 =	vmul.f32 v4, v14;
	[tilespmem:s2+$0xFFFFEC00] =	vst v9;
	v3 =	vadd.f32 v3, v6  }
0x8d: {  	[tilespmem:s2+$0x800] =	vst v15;
	v7 =	vadd.f32 v56, v16  }
0x8e: {  	v3 =	vadd.f32 v4, v3;
	[tilespmem:s2+$0x1000] =	vst v2  }
0x8f: {  	[tilespmem:s2+$0xFFFFF800] =	vst v7  }
0x90: {  	s0 =	rddreg [dreg:$0x9];
	[tilespmem:s2+$0xFFFFFC00] =	vst v3  }
0x91: {  	[hbm4b:s0+s28] =	stream.strided.scatter [tilespmem:s30], [sflag:$0x1], $0x4000, s29, s28, $0x38;
	[tilespmem:$0x11B50] =	vst v63  }
0x92: {  	_ =	swait.ge [sflag:s25], $0x4000  }
0x93: {  	s5 =	simm.s32 $0x0;
	[sflag:s25] =	ssyncset.done $0x0  }
0x94: {  	s6 =	simm.s32 $0xC350;
	s7 =	rddreg [dreg:$0xa];
	[sflag:s25] =	ssyncadd.s32 $0xFFFFC000  }
0x95: {  	[tilespmem:s6], [sflag:$0x1] =	stream.linear.gather [hbm4b:s7+s5], $0x400, $0x38;
	[tilespmem:$0x11B50] =	vst v63  }
0x96: {  	_ =	swait.ge [sflag:s25], $0x400  }
0x97: {  	[sflag:s25] =	ssyncset.done $0x0  }
0x98: {  	s8 =	simm.s32 $0xC750;
	s4 =	rddreg [dreg:$0xb];
	[sflag:s25] =	ssyncadd.s32 $0xFFFFFC00  }
0x99: {  	[tilespmem:s8], [sflag:$0x1] =	stream.linear.gather [hbm4b:s4+s5], $0x400, $0x38;
	[tilespmem:$0x11B50] =	vst v63  }
0x9a: {  	_ =	swait.ge [sflag:s25], $0x400  }
0x9b: {  	[sflag:s25] =	ssyncset.done $0x0  }
0x9c: {  	[sflag:s25] =	ssyncadd.s32 $0xFFFFFC00  }
0x9d: {  	[tilespmem:s26], [sflag:$0x1] =	stream.linear.gather [hbm4b:s10+s5], $0x1000, $0x38;
	[tilespmem:$0x11B50] =	vst v63  }
0x9e: {  	_ =	swait.ge [sflag:s25], $0x1000  }
0x9f: {  	[sflag:s25] =	ssyncset.done $0x0  }
0xa0: {  	[sflag:s25] =	ssyncadd.s32 $0xFFFFF000  }
0xa1: {  	v2 =	vmov s5;
	v3 =	vld [tilespmem:s6+$0x0]  }
0xa2: {  	v2 =	vshll.u32 v2, $0x2  }
0xa3: {  	v2 =	vor.u32 v0, v2;
	v4 =	vld [tilespmem:s8+$0x0]  }
0xa4: {  	v5 =	vor.u32 $0x3, v2  }
0xa5: {  	v6 =	vor.u32 $0x2, v2  }
0xa6: {  	v7 =	vor.u32 $0x1, v2;
	v3 =	vmul.u32 $0x5, v3;
	_ =	sdelay $0x1  }
0xa7: {  	v9 =	vld.idx.msk [tilespmem:v2+s26+$0x0], $0xffff;
	v4 =	vmul.u32 $0x5, v4;
	v8 =	vadd.s32 $0x3, v3  }
0xa8: {  	v2 =	vld.idx.msk [tilespmem:v5+s26+$0x0], $0xffff;
	v10 =	vadd.s32 $0x2, v3  }
0xa9: {  	v6 =	vld.idx.msk [tilespmem:v6+s26+$0x0], $0xffff;
	v5 =	vadd.s32 $0x3, v4  }
0xaa: {  	v57 =	vld.idx.msk [tilespmem:v7+s26+$0x0], $0xffff;
	v11 =	vadd.s32 $0x2, v4  }
0xab: {  	v7 =	vadd.s32 $0x4, v4;
	v58 =	vld.idx.msk [tilespmem:v3+s3+$0x0], $0xffff  }
0xac: {  	v59 =	vadd.s32 $0x4, v3;
	v60 =	vld.idx.msk [tilespmem:v8+s3+$0x0], $0xffff  }
0xad: {  	v10 =	vld.idx.msk [tilespmem:v10+s3+$0x0], $0xffff  }
0xae: {  	v8 =	vadd.s32 $0x1, v4;
	v5 =	vld.idx.msk [tilespmem:v5+s3+$0x0], $0xffff  }
0xaf: {  	v3 =	vadd.s32 $0x1, v3;
	v11 =	vld.idx.msk [tilespmem:v11+s3+$0x0], $0xffff  }
0xb0: {  	v61 =	vld.idx.msk [tilespmem:v7+s3+$0x0], $0xffff  }
0xb1: {  	v14 =	vld.idx.msk [tilespmem:v59+s3+$0x0], $0xffff  }
0xb2: {  	v4 =	vld.idx.msk [tilespmem:v4+s3+$0x0], $0xffff  }
0xb3: {  	s1 =	simm.s32 $0xFB50;
	v7 =	vld.idx.msk [tilespmem:v8+s3+$0x0], $0xffff  }
0xb4: {  	v8 =	vld.idx.msk [tilespmem:v3+s3+$0x0], $0xffff;
	[tilespmem:s1+$0x1C00] =	vst v1  }
0xb5: {  	[tilespmem:s1+$0x1400] =	vst v1  }
0xb6: {  	v3 =	vmul.f32 v60, v5;
	v62 =	vmul.f32 v10, v11;
	[tilespmem:s1+$0x1800] =	vst v1  }
0xb7: {  	[tilespmem:s1+$0x400] =	vst v4  }
0xb8: {  	v63 =	vmul.f32 v14, v61;
	[tilespmem:s1+$0xFFFFF000] =	vst v60;
	v3 =	vadd.f32 v3, v62  }
0xb9: {  	[tilespmem:s1+$0xC00] =	vst v58  }
0xba: {  	v4 =	vmul.f32 v9, v10;
	v9 =	vmul.f32 v57, v60;
	[tilespmem:s1+$0xFFFFF400] =	vst v14;
	v3 =	vadd.f32 v63, v3  }
0xbb: {  	[tilespmem:s1+$0xFFFFE400] =	vst v5  }
0xbc: {  	s9 =	simm.s32 $0x10;
	[tilespmem:s1+$0xFFFFF800] =	vst v3;
	v3 =	vadd.f32 v9, v4;
	v4 =	vmul.f32 v6, v14  }
0xbd: {  	v5 =	vmov s9;
	[tilespmem:s1+$0xFFFFE000] =	vst v11  }
0xbe: {  	s2 =	simm.s32 $0xFB60;
	[tilespmem:s1+$0xFFFFE800] =	vst v61;
	v5 =	vshll.u32 v5, $0x2;
	v9 =	vadd.f32 v4, v3  }
0xbf: {  	s0 =	simm.s32 $0xC360;
	s7 =	simm.s32 $0xFB70;
	s4 =	simm.s32 $0xC760;
	[tilespmem:s1+$0xFFFFEC00] =	vst v10;
	v6 =	vor.u32 v0, v5  }
0xc0: {  	s5 =	simm.s32 $0xC360;
	s6 =	simm.s32 $0xC760;
	s9 =	simm.s32 $0x20;
	v5 =	vor.u32 $0x3, v6;
	v3 =	vor.u32 $0x1, v6;
	v4 =	vor.u32 $0x2, v6;
	[tilespmem:s1+$0xFFFFFC00] =	vst v9  }
.LBB2_4:
0xc1: {  	s8 =	smov.u32 s9  }
0xc2: {  	v9 =	vmov s9;
	s0 =	sadd.s32 $0x10, s0;
	s4 =	sadd.s32 $0x10, s4;
	[tilespmem:s1+$0x1000] =	vst v8;
	s8 =	sadd.s32 $0x10, s9  }
0xc3: {  	p0 =	sne.s32 s9, $0x3F0;
	v8 =	vshll.u32 v9, $0x2;
	[tilespmem:s1+$0x0] =	vst v2  }
0xc4: {  	[tilespmem:s1+$0x800] =	vst v7;
	s1 =	smov.u32 s2;
	s2 =	smov.u32 s7  }
0xc5: {  	v2 =	vld [tilespmem:s5+$0x0];
	s5 =	smov.u32 s0  }
0xc6: {  	v7 =	vld [tilespmem:s6+$0x0];
	s6 =	smov.u32 s4  }
0xc7: {  	v9 =	vld.idx.msk [tilespmem:v6+s26+$0x0], $0xffff;
	_ =	sdelay $0x2  }
0xc8: {  	v10 =	vmul.u32 $0x5, v2  }
0xc9: {  	v7 =	vmul.u32 $0x5, v7  }
0xca: {  	v11 =	vadd.s32 $0x3, v10;
	v12 =	vadd.s32 $0x4, v10  }
0xcb: {  	v15 =	vadd.s32 $0x2, v10;
	v13 =	vadd.s32 $0x2, v7;
	v14 =	vadd.s32 $0x3, v7;
	v2 =	vld.idx.msk [tilespmem:v5+s26+$0x0], $0xffff  }
0xcc: {  	v16 =	vld.idx.msk [tilespmem:v4+s26+$0x0], $0xffff  }
0xcd: {  	v6 =	vor.u32 v0, v8;
	v8 =	vld.idx.msk [tilespmem:v3+s26+$0x0], $0xffff  }
0xce: {  	v17 =	vadd.s32 $0x4, v7;
	v4 =	vor.u32 $0x2, v6;
	v3 =	vor.u32 $0x1, v6;
	v18 =	vld.idx.msk [tilespmem:v10+s3+$0x0], $0xffff  }
0xcf: {  	v5 =	vor.u32 $0x3, v6;
	v11 =	vld.idx.msk [tilespmem:v11+s3+$0x0], $0xffff  }
0xd0: {  	v15 =	vld.idx.msk [tilespmem:v15+s3+$0x0], $0xffff  }
0xd1: {  	v19 =	vadd.s32 $0x1, v7;
	v14 =	vld.idx.msk [tilespmem:v14+s3+$0x0], $0xffff  }
0xd2: {  	v10 =	vadd.s32 $0x1, v10;
	v13 =	vld.idx.msk [tilespmem:v13+s3+$0x0], $0xffff  }
0xd3: {  	v17 =	vld.idx.msk [tilespmem:v17+s3+$0x0], $0xffff  }
0xd4: {  	v12 =	vld.idx.msk [tilespmem:v12+s3+$0x0], $0xffff  }
0xd5: {  	v20 =	vld.idx.msk [tilespmem:v7+s3+$0x0], $0xffff  }
0xd6: {  	v9 =	vmul.f32 v9, v15;
	v7 =	vld.idx.msk [tilespmem:v19+s3+$0x0], $0xffff;
	v19 =	vmul.f32 v8, v11  }
0xd7: {  	v8 =	vld.idx.msk [tilespmem:v10+s3+$0x0], $0xffff;
	v10 =	vmul.f32 v11, v14  }
0xd8: {  	v21 =	vmul.f32 v15, v13;
	v9 =	vadd.f32 v19, v9;
	[tilespmem:s1+$0x1C00] =	vst v1  }
0xd9: {  	[tilespmem:s1+$0x1400] =	vst v1  }
0xda: {  	v10 =	vadd.f32 v10, v21;
	v19 =	vmul.f32 v12, v17;
	v16 =	vmul.f32 v16, v12;
	[tilespmem:s1+$0x1800] =	vst v1  }
0xdb: {  	[tilespmem:s1+$0x400] =	vst v20  }
0xdc: {  	v10 =	vadd.f32 v19, v10;
	v9 =	vadd.f32 v16, v9;
	[tilespmem:s1+$0xFFFFF000] =	vst v11  }
0xdd: {  	[tilespmem:s1+$0xC00] =	vst v18  }
0xde: {  	[tilespmem:s1+$0xFFFFF800] =	vst v10  }
0xdf: {  	[tilespmem:s1+$0xFFFFF400] =	vst v12  }
.Ltmp1:
0xe0: {  	[tilespmem:s1+$0xFFFFE400] =	vst v14;
	(pc) =	sbr.rel @p0 .LBB2_4-.Ltmp1, $4  }
0xe1: {  	[tilespmem:s1+$0xFFFFE000] =	vst v13  }
0xe2: {  	[tilespmem:s1+$0xFFFFE800] =	vst v17  }
0xe3: {  	[tilespmem:s1+$0xFFFFEC00] =	vst v15  }
0xe4: {  	s9 =	smov.u32 s8;
	s7 =	sadd.s32 $0x10, s7;
	[tilespmem:s1+$0xFFFFFC00] =	vst v9  }
0xe5: {  	[tilespmem:s1+$0x1000] =	vst v8  }
0xe6: {  	[tilespmem:s1+$0x0] =	vst v2  }
0xe7: {  	[tilespmem:s1+$0x800] =	vst v7  }
0xe8: {  	v2 =	vld [tilespmem:s5+$0x0]  }
0xe9: {  	v7 =	vld [tilespmem:s6+$0x0];
	_ =	sdelay $0x3  }
0xea: {  	v2 =	vmul.u32 $0x5, v2  }
0xeb: {  	v7 =	vmul.u32 $0x5, v7  }
0xec: {  	v6 =	vld.idx.msk [tilespmem:v6+s26+$0x0], $0xffff  }
0xed: {  	v5 =	vld.idx.msk [tilespmem:v5+s26+$0x0], $0xffff;
	v8 =	vadd.s32 $0x3, v2  }
0xee: {  	v4 =	vld.idx.msk [tilespmem:v4+s26+$0x0], $0xffff;
	v9 =	vadd.s32 $0x2, v2  }
0xef: {  	v3 =	vld.idx.msk [tilespmem:v3+s26+$0x0], $0xffff;
	v10 =	vadd.s32 $0x3, v7  }
0xf0: {  	v11 =	vadd.s32 $0x2, v7;
	v13 =	vld.idx.msk [tilespmem:v2+s3+$0x0], $0xffff  }
0xf1: {  	v12 =	vadd.s32 $0x4, v7;
	v15 =	vadd.s32 $0x1, v7;
	v7 =	vld.idx.msk [tilespmem:v7+s3+$0x0], $0xffff  }
0xf2: {  	v14 =	vadd.s32 $0x4, v2;
	v8 =	vld.idx.msk [tilespmem:v8+s3+$0x0], $0xffff  }
0xf3: {  	v9 =	vld.idx.msk [tilespmem:v9+s3+$0x0], $0xffff  }
0xf4: {  	v2 =	vadd.s32 $0x1, v2;
	v10 =	vld.idx.msk [tilespmem:v10+s3+$0x0], $0xffff  }
0xf5: {  	v11 =	vld.idx.msk [tilespmem:v11+s3+$0x0], $0xffff  }
0xf6: {  	v12 =	vld.idx.msk [tilespmem:v12+s3+$0x0], $0xffff  }
0xf7: {  	v14 =	vld.idx.msk [tilespmem:v14+s3+$0x0], $0xffff  }
0xf8: {  	v15 =	vld.idx.msk [tilespmem:v15+s3+$0x0], $0xffff  }
0xf9: {  	v2 =	vld.idx.msk [tilespmem:v2+s3+$0x0], $0xffff;
	[tilespmem:s2+$0x1C00] =	vst v1  }
0xfa: {  	[tilespmem:s2+$0x1400] =	vst v1  }
0xfb: {  	[tilespmem:s2+$0x1800] =	vst v1  }
0xfc: {  	[tilespmem:s2+$0x400] =	vst v7  }
0xfd: {  	[tilespmem:s2+$0xC00] =	vst v13  }
0xfe: {  	[tilespmem:s2+$0x0] =	vst v5  }
0xff: {  	[tilespmem:s2+$0xFFFFF000] =	vst v8  }
0x100: {  	[tilespmem:s2+$0xFFFFF400] =	vst v14  }
0x101: {  	v16 =	vmul.f32 v8, v10;
	v17 =	vmul.f32 v9, v11;
	[tilespmem:s2+$0xFFFFE400] =	vst v10  }
0x102: {  	v6 =	vmul.f32 v6, v9;
	v3 =	vmul.f32 v3, v8;
	[tilespmem:s2+$0xFFFFE000] =	vst v11  }
0x103: {  	v56 =	vmul.f32 v14, v12;
	[tilespmem:s2+$0xFFFFE800] =	vst v12;
	v16 =	vadd.f32 v16, v17  }
0x104: {  	v4 =	vmul.f32 v4, v14;
	[tilespmem:s2+$0xFFFFEC00] =	vst v9;
	v3 =	vadd.f32 v3, v6  }
0x105: {  	[tilespmem:s2+$0x800] =	vst v15;
	v7 =	vadd.f32 v56, v16  }
0x106: {  	v3 =	vadd.f32 v4, v3;
	[tilespmem:s2+$0x1000] =	vst v2  }
0x107: {  	[tilespmem:s2+$0xFFFFF800] =	vst v7  }
0x108: {  	[tilespmem:s2+$0xFFFFFC00] =	vst v3  }
0x109: {  	[hbm4b:s11+s28] =	stream.strided.scatter [tilespmem:s30], [sflag:$0x1], $0x4000, s29, s28, $0x38;
	[tilespmem:$0x11B50] =	vst v63  }
0x10a: {  	_ =	swait.ge [sflag:s25], $0x4000  }
0x10b: {  	[sflag:s25] =	ssyncset.done $0x0  }
0x10c: {  	s0 =	simm.s32 $0x0;
	s7 =	simm.s32 $0xC350;
	[sflag:s25] =	ssyncadd.s32 $0xFFFFC000  }
0x10d: {  	[tilespmem:s7], [sflag:$0x1] =	stream.linear.gather [hbm4b:s12+s0], $0x400, $0x38;
	[tilespmem:$0x11B50] =	vst v63  }
0x10e: {  	_ =	swait.ge [sflag:s25], $0x400  }
0x10f: {  	[sflag:s25] =	ssyncset.done $0x0  }
0x110: {  	s8 =	simm.s32 $0xC750;
	[sflag:s25] =	ssyncadd.s32 $0xFFFFFC00  }
0x111: {  	[tilespmem:s8], [sflag:$0x1] =	stream.linear.gather [hbm4b:s13+s0], $0x400, $0x38;
	[tilespmem:$0x11B50] =	vst v63  }
0x112: {  	_ =	swait.ge [sflag:s25], $0x400  }
0x113: {  	[sflag:s25] =	ssyncset.done $0x0  }
0x114: {  	[sflag:s25] =	ssyncadd.s32 $0xFFFFFC00  }
0x115: {  	[tilespmem:s26], [sflag:$0x1] =	stream.linear.gather [hbm4b:s14+s0], $0x1000, $0x38;
	[tilespmem:$0x11B50] =	vst v63  }
0x116: {  	_ =	swait.ge [sflag:s25], $0x1000  }
0x117: {  	[sflag:s25] =	ssyncset.done $0x0  }
0x118: {  	[sflag:s25] =	ssyncadd.s32 $0xFFFFF000  }
0x119: {  	v2 =	vmov s0;
	v3 =	vld [tilespmem:s7+$0x0]  }
0x11a: {  	v2 =	vshll.u32 v2, $0x2  }
0x11b: {  	v2 =	vor.u32 v0, v2;
	v4 =	vld [tilespmem:s8+$0x0]  }
0x11c: {  	v5 =	vor.u32 $0x3, v2  }
0x11d: {  	v6 =	vor.u32 $0x2, v2  }
0x11e: {  	v7 =	vor.u32 $0x1, v2;
	v3 =	vmul.u32 $0x5, v3;
	_ =	sdelay $0x1  }
0x11f: {  	v9 =	vld.idx.msk [tilespmem:v2+s26+$0x0], $0xffff;
	v4 =	vmul.u32 $0x5, v4;
	v8 =	vadd.s32 $0x3, v3  }
0x120: {  	v2 =	vld.idx.msk [tilespmem:v5+s26+$0x0], $0xffff;
	v10 =	vadd.s32 $0x2, v3  }
0x121: {  	v6 =	vld.idx.msk [tilespmem:v6+s26+$0x0], $0xffff;
	v5 =	vadd.s32 $0x3, v4  }
0x122: {  	v57 =	vld.idx.msk [tilespmem:v7+s26+$0x0], $0xffff;
	v11 =	vadd.s32 $0x2, v4  }
0x123: {  	v7 =	vadd.s32 $0x4, v4;
	v58 =	vld.idx.msk [tilespmem:v3+s3+$0x0], $0xffff  }
0x124: {  	v59 =	vadd.s32 $0x4, v3;
	v60 =	vld.idx.msk [tilespmem:v8+s3+$0x0], $0xffff  }
0x125: {  	v10 =	vld.idx.msk [tilespmem:v10+s3+$0x0], $0xffff  }
0x126: {  	v8 =	vadd.s32 $0x1, v4;
	v5 =	vld.idx.msk [tilespmem:v5+s3+$0x0], $0xffff  }
0x127: {  	v3 =	vadd.s32 $0x1, v3;
	v11 =	vld.idx.msk [tilespmem:v11+s3+$0x0], $0xffff  }
0x128: {  	v61 =	vld.idx.msk [tilespmem:v7+s3+$0x0], $0xffff  }
0x129: {  	v14 =	vld.idx.msk [tilespmem:v59+s3+$0x0], $0xffff  }
0x12a: {  	v4 =	vld.idx.msk [tilespmem:v4+s3+$0x0], $0xffff  }
0x12b: {  	s1 =	simm.s32 $0xFB50;
	v7 =	vld.idx.msk [tilespmem:v8+s3+$0x0], $0xffff  }
0x12c: {  	v8 =	vld.idx.msk [tilespmem:v3+s3+$0x0], $0xffff;
	[tilespmem:s1+$0x1C00] =	vst v1  }
0x12d: {  	[tilespmem:s1+$0x1400] =	vst v1  }
0x12e: {  	v3 =	vmul.f32 v60, v5;
	v62 =	vmul.f32 v10, v11;
	[tilespmem:s1+$0x1800] =	vst v1  }
0x12f: {  	[tilespmem:s1+$0x400] =	vst v4  }
0x130: {  	v63 =	vmul.f32 v14, v61;
	[tilespmem:s1+$0xFFFFF000] =	vst v60;
	v3 =	vadd.f32 v3, v62  }
0x131: {  	[tilespmem:s1+$0xC00] =	vst v58  }
0x132: {  	v4 =	vmul.f32 v9, v10;
	v9 =	vmul.f32 v57, v60;
	[tilespmem:s1+$0xFFFFF400] =	vst v14;
	v3 =	vadd.f32 v63, v3  }
0x133: {  	[tilespmem:s1+$0xFFFFE400] =	vst v5  }
0x134: {  	s9 =	simm.s32 $0x10;
	[tilespmem:s1+$0xFFFFF800] =	vst v3;
	v3 =	vadd.f32 v9, v4;
	v4 =	vmul.f32 v6, v14  }
0x135: {  	v5 =	vmov s9;
	[tilespmem:s1+$0xFFFFE000] =	vst v11  }
0x136: {  	s4 =	simm.s32 $0xC760;
	[tilespmem:s1+$0xFFFFE800] =	vst v61;
	v5 =	vshll.u32 v5, $0x2;
	v9 =	vadd.f32 v4, v3  }
0x137: {  	s5 =	simm.s32 $0xC360;
	s6 =	simm.s32 $0xC760;
	s2 =	simm.s32 $0xFB60;
	[tilespmem:s1+$0xFFFFEC00] =	vst v10;
	v6 =	vor.u32 v0, v5  }
0x138: {  	s0 =	simm.s32 $0xC360;
	s7 =	simm.s32 $0xFB70;
	s9 =	simm.s32 $0x20;
	v5 =	vor.u32 $0x3, v6;
	v3 =	vor.u32 $0x1, v6;
	v4 =	vor.u32 $0x2, v6;
	[tilespmem:s1+$0xFFFFFC00] =	vst v9  }
.LBB2_6:
0x139: {  	s8 =	smov.u32 s9  }
0x13a: {  	v9 =	vmov s9;
	s0 =	sadd.s32 $0x10, s0;
	s4 =	sadd.s32 $0x10, s4;
	[tilespmem:s1+$0x1000] =	vst v8;
	s8 =	sadd.s32 $0x10, s9  }
0x13b: {  	p0 =	sne.s32 s9, $0x3F0;
	v8 =	vshll.u32 v9, $0x2;
	[tilespmem:s1+$0x0] =	vst v2  }
0x13c: {  	[tilespmem:s1+$0x800] =	vst v7;
	s1 =	smov.u32 s2;
	s2 =	smov.u32 s7  }
0x13d: {  	v2 =	vld [tilespmem:s5+$0x0];
	s5 =	smov.u32 s0  }
0x13e: {  	v7 =	vld [tilespmem:s6+$0x0];
	s6 =	smov.u32 s4  }
0x13f: {  	v9 =	vld.idx.msk [tilespmem:v6+s26+$0x0], $0xffff;
	_ =	sdelay $0x2  }
0x140: {  	v10 =	vmul.u32 $0x5, v2  }
0x141: {  	v7 =	vmul.u32 $0x5, v7  }
0x142: {  	v11 =	vadd.s32 $0x3, v10;
	v12 =	vadd.s32 $0x4, v10  }
0x143: {  	v15 =	vadd.s32 $0x2, v10;
	v13 =	vadd.s32 $0x2, v7;
	v14 =	vadd.s32 $0x3, v7;
	v2 =	vld.idx.msk [tilespmem:v5+s26+$0x0], $0xffff  }
0x144: {  	v16 =	vld.idx.msk [tilespmem:v4+s26+$0x0], $0xffff  }
0x145: {  	v6 =	vor.u32 v0, v8;
	v8 =	vld.idx.msk [tilespmem:v3+s26+$0x0], $0xffff  }
0x146: {  	v17 =	vadd.s32 $0x4, v7;
	v4 =	vor.u32 $0x2, v6;
	v3 =	vor.u32 $0x1, v6;
	v18 =	vld.idx.msk [tilespmem:v10+s3+$0x0], $0xffff  }
0x147: {  	v5 =	vor.u32 $0x3, v6;
	v11 =	vld.idx.msk [tilespmem:v11+s3+$0x0], $0xffff  }
0x148: {  	v15 =	vld.idx.msk [tilespmem:v15+s3+$0x0], $0xffff  }
0x149: {  	v19 =	vadd.s32 $0x1, v7;
	v14 =	vld.idx.msk [tilespmem:v14+s3+$0x0], $0xffff  }
0x14a: {  	v10 =	vadd.s32 $0x1, v10;
	v13 =	vld.idx.msk [tilespmem:v13+s3+$0x0], $0xffff  }
0x14b: {  	v17 =	vld.idx.msk [tilespmem:v17+s3+$0x0], $0xffff  }
0x14c: {  	v12 =	vld.idx.msk [tilespmem:v12+s3+$0x0], $0xffff  }
0x14d: {  	v20 =	vld.idx.msk [tilespmem:v7+s3+$0x0], $0xffff  }
0x14e: {  	v9 =	vmul.f32 v9, v15;
	v7 =	vld.idx.msk [tilespmem:v19+s3+$0x0], $0xffff;
	v19 =	vmul.f32 v8, v11  }
0x14f: {  	v8 =	vld.idx.msk [tilespmem:v10+s3+$0x0], $0xffff;
	v10 =	vmul.f32 v11, v14  }
0x150: {  	v21 =	vmul.f32 v15, v13;
	v9 =	vadd.f32 v19, v9;
	[tilespmem:s1+$0x1C00] =	vst v1  }
0x151: {  	[tilespmem:s1+$0x1400] =	vst v1  }
0x152: {  	v10 =	vadd.f32 v10, v21;
	v19 =	vmul.f32 v12, v17;
	v16 =	vmul.f32 v16, v12;
	[tilespmem:s1+$0x1800] =	vst v1  }
0x153: {  	[tilespmem:s1+$0x400] =	vst v20  }
0x154: {  	v10 =	vadd.f32 v19, v10;
	v9 =	vadd.f32 v16, v9;
	[tilespmem:s1+$0xFFFFF000] =	vst v11  }
0x155: {  	[tilespmem:s1+$0xC00] =	vst v18  }
0x156: {  	[tilespmem:s1+$0xFFFFF800] =	vst v10  }
0x157: {  	[tilespmem:s1+$0xFFFFF400] =	vst v12  }
.Ltmp2:
0x158: {  	[tilespmem:s1+$0xFFFFE400] =	vst v14;
	(pc) =	sbr.rel @p0 .LBB2_6-.Ltmp2, $4  }
0x159: {  	[tilespmem:s1+$0xFFFFE000] =	vst v13  }
0x15a: {  	[tilespmem:s1+$0xFFFFE800] =	vst v17  }
0x15b: {  	[tilespmem:s1+$0xFFFFEC00] =	vst v15  }
0x15c: {  	s9 =	smov.u32 s8;
	s7 =	sadd.s32 $0x10, s7;
	[tilespmem:s1+$0xFFFFFC00] =	vst v9  }
0x15d: {  	[tilespmem:s1+$0x1000] =	vst v8  }
0x15e: {  	[tilespmem:s1+$0x0] =	vst v2  }
0x15f: {  	[tilespmem:s1+$0x800] =	vst v7  }
0x160: {  	v2 =	vld [tilespmem:s5+$0x0]  }
0x161: {  	v7 =	vld [tilespmem:s6+$0x0];
	_ =	sdelay $0x3  }
0x162: {  	v2 =	vmul.u32 $0x5, v2  }
0x163: {  	v7 =	vmul.u32 $0x5, v7  }
0x164: {  	v6 =	vld.idx.msk [tilespmem:v6+s26+$0x0], $0xffff  }
0x165: {  	v5 =	vld.idx.msk [tilespmem:v5+s26+$0x0], $0xffff;
	v8 =	vadd.s32 $0x3, v2  }
0x166: {  	v4 =	vld.idx.msk [tilespmem:v4+s26+$0x0], $0xffff;
	v9 =	vadd.s32 $0x2, v2  }
0x167: {  	v3 =	vld.idx.msk [tilespmem:v3+s26+$0x0], $0xffff;
	v10 =	vadd.s32 $0x3, v7  }
0x168: {  	v11 =	vadd.s32 $0x2, v7;
	v13 =	vld.idx.msk [tilespmem:v2+s3+$0x0], $0xffff  }
0x169: {  	v12 =	vadd.s32 $0x4, v7;
	v15 =	vadd.s32 $0x1, v7;
	v7 =	vld.idx.msk [tilespmem:v7+s3+$0x0], $0xffff  }
0x16a: {  	v14 =	vadd.s32 $0x4, v2;
	v8 =	vld.idx.msk [tilespmem:v8+s3+$0x0], $0xffff  }
0x16b: {  	v9 =	vld.idx.msk [tilespmem:v9+s3+$0x0], $0xffff  }
0x16c: {  	v2 =	vadd.s32 $0x1, v2;
	v10 =	vld.idx.msk [tilespmem:v10+s3+$0x0], $0xffff  }
0x16d: {  	v11 =	vld.idx.msk [tilespmem:v11+s3+$0x0], $0xffff  }
0x16e: {  	v12 =	vld.idx.msk [tilespmem:v12+s3+$0x0], $0xffff  }
0x16f: {  	v14 =	vld.idx.msk [tilespmem:v14+s3+$0x0], $0xffff  }
0x170: {  	v15 =	vld.idx.msk [tilespmem:v15+s3+$0x0], $0xffff  }
0x171: {  	v2 =	vld.idx.msk [tilespmem:v2+s3+$0x0], $0xffff;
	[tilespmem:s2+$0x1C00] =	vst v1  }
0x172: {  	[tilespmem:s2+$0x1400] =	vst v1  }
0x173: {  	[tilespmem:s2+$0x1800] =	vst v1  }
0x174: {  	[tilespmem:s2+$0x400] =	vst v7  }
0x175: {  	[tilespmem:s2+$0xC00] =	vst v13  }
0x176: {  	[tilespmem:s2+$0x0] =	vst v5  }
0x177: {  	[tilespmem:s2+$0xFFFFF000] =	vst v8  }
0x178: {  	[tilespmem:s2+$0xFFFFF400] =	vst v14  }
0x179: {  	v16 =	vmul.f32 v8, v10;
	v17 =	vmul.f32 v9, v11;
	[tilespmem:s2+$0xFFFFE400] =	vst v10  }
0x17a: {  	v6 =	vmul.f32 v6, v9;
	v3 =	vmul.f32 v3, v8;
	[tilespmem:s2+$0xFFFFE000] =	vst v11  }
0x17b: {  	v56 =	vmul.f32 v14, v12;
	[tilespmem:s2+$0xFFFFE800] =	vst v12;
	v16 =	vadd.f32 v16, v17  }
0x17c: {  	v4 =	vmul.f32 v4, v14;
	[tilespmem:s2+$0xFFFFEC00] =	vst v9;
	v3 =	vadd.f32 v3, v6  }
0x17d: {  	[tilespmem:s2+$0x800] =	vst v15;
	v7 =	vadd.f32 v56, v16  }
0x17e: {  	v3 =	vadd.f32 v4, v3;
	[tilespmem:s2+$0x1000] =	vst v2  }
0x17f: {  	[tilespmem:s2+$0xFFFFF800] =	vst v7  }
0x180: {  	[tilespmem:s2+$0xFFFFFC00] =	vst v3  }
0x181: {  	[hbm4b:s15+s28] =	stream.strided.scatter [tilespmem:s30], [sflag:$0x1], $0x4000, s29, s28, $0x38;
	[tilespmem:$0x11B50] =	vst v63  }
0x182: {  	_ =	swait.ge [sflag:s25], $0x4000  }
0x183: {  	[sflag:s25] =	ssyncset.done $0x0  }
0x184: {  	s0 =	simm.s32 $0x0;
	s7 =	simm.s32 $0xC350;
	[sflag:s25] =	ssyncadd.s32 $0xFFFFC000  }
0x185: {  	[tilespmem:s7], [sflag:$0x1] =	stream.linear.gather [hbm4b:s16+s0], $0x400, $0x38;
	[tilespmem:$0x11B50] =	vst v63  }
0x186: {  	_ =	swait.ge [sflag:s25], $0x400  }
0x187: {  	[sflag:s25] =	ssyncset.done $0x0  }
0x188: {  	s8 =	simm.s32 $0xC750;
	[sflag:s25] =	ssyncadd.s32 $0xFFFFFC00  }
0x189: {  	[tilespmem:s8], [sflag:$0x1] =	stream.linear.gather [hbm4b:s19+s0], $0x400, $0x38;
	[tilespmem:$0x11B50] =	vst v63  }
0x18a: {  	_ =	swait.ge [sflag:s25], $0x400  }
0x18b: {  	[sflag:s25] =	ssyncset.done $0x0  }
0x18c: {  	[sflag:s25] =	ssyncadd.s32 $0xFFFFFC00  }
0x18d: {  	[tilespmem:s26], [sflag:$0x1] =	stream.linear.gather [hbm4b:s17+s0], $0x1000, $0x38;
	[tilespmem:$0x11B50] =	vst v63  }
0x18e: {  	_ =	swait.ge [sflag:s25], $0x1000  }
0x18f: {  	[sflag:s25] =	ssyncset.done $0x0  }
0x190: {  	[sflag:s25] =	ssyncadd.s32 $0xFFFFF000  }
0x191: {  	v2 =	vmov s0;
	v3 =	vld [tilespmem:s7+$0x0]  }
0x192: {  	v2 =	vshll.u32 v2, $0x2  }
0x193: {  	v2 =	vor.u32 v0, v2;
	v4 =	vld [tilespmem:s8+$0x0]  }
0x194: {  	v5 =	vor.u32 $0x3, v2  }
0x195: {  	v6 =	vor.u32 $0x2, v2  }
0x196: {  	v7 =	vor.u32 $0x1, v2;
	v3 =	vmul.u32 $0x5, v3;
	_ =	sdelay $0x1  }
0x197: {  	v9 =	vld.idx.msk [tilespmem:v2+s26+$0x0], $0xffff;
	v4 =	vmul.u32 $0x5, v4;
	v8 =	vadd.s32 $0x3, v3  }
0x198: {  	v2 =	vld.idx.msk [tilespmem:v5+s26+$0x0], $0xffff;
	v10 =	vadd.s32 $0x2, v3  }
0x199: {  	v6 =	vld.idx.msk [tilespmem:v6+s26+$0x0], $0xffff;
	v5 =	vadd.s32 $0x3, v4  }
0x19a: {  	v57 =	vld.idx.msk [tilespmem:v7+s26+$0x0], $0xffff;
	v11 =	vadd.s32 $0x2, v4  }
0x19b: {  	v7 =	vadd.s32 $0x4, v4;
	v58 =	vld.idx.msk [tilespmem:v3+s3+$0x0], $0xffff  }
0x19c: {  	v59 =	vadd.s32 $0x4, v3;
	v60 =	vld.idx.msk [tilespmem:v8+s3+$0x0], $0xffff  }
0x19d: {  	v10 =	vld.idx.msk [tilespmem:v10+s3+$0x0], $0xffff  }
0x19e: {  	v8 =	vadd.s32 $0x1, v4;
	v5 =	vld.idx.msk [tilespmem:v5+s3+$0x0], $0xffff  }
0x19f: {  	v3 =	vadd.s32 $0x1, v3;
	v11 =	vld.idx.msk [tilespmem:v11+s3+$0x0], $0xffff  }
0x1a0: {  	v61 =	vld.idx.msk [tilespmem:v7+s3+$0x0], $0xffff  }
0x1a1: {  	v14 =	vld.idx.msk [tilespmem:v59+s3+$0x0], $0xffff  }
0x1a2: {  	v4 =	vld.idx.msk [tilespmem:v4+s3+$0x0], $0xffff  }
0x1a3: {  	s1 =	simm.s32 $0xFB50;
	v7 =	vld.idx.msk [tilespmem:v8+s3+$0x0], $0xffff  }
0x1a4: {  	v8 =	vld.idx.msk [tilespmem:v3+s3+$0x0], $0xffff;
	[tilespmem:s1+$0x1C00] =	vst v1  }
0x1a5: {  	[tilespmem:s1+$0x1400] =	vst v1  }
0x1a6: {  	v3 =	vmul.f32 v60, v5;
	v62 =	vmul.f32 v10, v11;
	[tilespmem:s1+$0x1800] =	vst v1  }
0x1a7: {  	[tilespmem:s1+$0x400] =	vst v4  }
0x1a8: {  	v63 =	vmul.f32 v14, v61;
	[tilespmem:s1+$0xFFFFF000] =	vst v60;
	v3 =	vadd.f32 v3, v62  }
0x1a9: {  	[tilespmem:s1+$0xC00] =	vst v58  }
0x1aa: {  	v4 =	vmul.f32 v9, v10;
	v9 =	vmul.f32 v57, v60;
	[tilespmem:s1+$0xFFFFF400] =	vst v14;
	v3 =	vadd.f32 v63, v3  }
0x1ab: {  	[tilespmem:s1+$0xFFFFE400] =	vst v5  }
0x1ac: {  	s9 =	simm.s32 $0x10;
	[tilespmem:s1+$0xFFFFF800] =	vst v3;
	v3 =	vadd.f32 v9, v4;
	v4 =	vmul.f32 v6, v14  }
0x1ad: {  	v5 =	vmov s9;
	[tilespmem:s1+$0xFFFFE000] =	vst v11  }
0x1ae: {  	s4 =	simm.s32 $0xC760;
	[tilespmem:s1+$0xFFFFE800] =	vst v61;
	v5 =	vshll.u32 v5, $0x2;
	v9 =	vadd.f32 v4, v3  }
0x1af: {  	s5 =	simm.s32 $0xC360;
	s6 =	simm.s32 $0xC760;
	s2 =	simm.s32 $0xFB60;
	[tilespmem:s1+$0xFFFFEC00] =	vst v10;
	v6 =	vor.u32 v0, v5  }
0x1b0: {  	s0 =	simm.s32 $0xC360;
	s7 =	simm.s32 $0xFB70;
	s9 =	simm.s32 $0x20;
	v5 =	vor.u32 $0x3, v6;
	v3 =	vor.u32 $0x1, v6;
	v4 =	vor.u32 $0x2, v6;
	[tilespmem:s1+$0xFFFFFC00] =	vst v9  }
.LBB2_8:
0x1b1: {  	s8 =	smov.u32 s9  }
0x1b2: {  	v9 =	vmov s9;
	s0 =	sadd.s32 $0x10, s0;
	s4 =	sadd.s32 $0x10, s4;
	[tilespmem:s1+$0x1000] =	vst v8;
	s8 =	sadd.s32 $0x10, s9  }
0x1b3: {  	p0 =	sne.s32 s9, $0x3F0;
	v8 =	vshll.u32 v9, $0x2;
	[tilespmem:s1+$0x0] =	vst v2  }
0x1b4: {  	[tilespmem:s1+$0x800] =	vst v7;
	s1 =	smov.u32 s2;
	s2 =	smov.u32 s7  }
0x1b5: {  	v2 =	vld [tilespmem:s5+$0x0];
	s5 =	smov.u32 s0  }
0x1b6: {  	v7 =	vld [tilespmem:s6+$0x0];
	s6 =	smov.u32 s4  }
0x1b7: {  	v9 =	vld.idx.msk [tilespmem:v6+s26+$0x0], $0xffff;
	_ =	sdelay $0x2  }
0x1b8: {  	v10 =	vmul.u32 $0x5, v2  }
0x1b9: {  	v7 =	vmul.u32 $0x5, v7  }
0x1ba: {  	v11 =	vadd.s32 $0x3, v10;
	v12 =	vadd.s32 $0x4, v10  }
0x1bb: {  	v15 =	vadd.s32 $0x2, v10;
	v13 =	vadd.s32 $0x2, v7;
	v14 =	vadd.s32 $0x3, v7;
	v2 =	vld.idx.msk [tilespmem:v5+s26+$0x0], $0xffff  }
0x1bc: {  	v16 =	vld.idx.msk [tilespmem:v4+s26+$0x0], $0xffff  }
0x1bd: {  	v6 =	vor.u32 v0, v8;
	v8 =	vld.idx.msk [tilespmem:v3+s26+$0x0], $0xffff  }
0x1be: {  	v17 =	vadd.s32 $0x4, v7;
	v4 =	vor.u32 $0x2, v6;
	v3 =	vor.u32 $0x1, v6;
	v18 =	vld.idx.msk [tilespmem:v10+s3+$0x0], $0xffff  }
0x1bf: {  	v5 =	vor.u32 $0x3, v6;
	v11 =	vld.idx.msk [tilespmem:v11+s3+$0x0], $0xffff  }
0x1c0: {  	v15 =	vld.idx.msk [tilespmem:v15+s3+$0x0], $0xffff  }
0x1c1: {  	v19 =	vadd.s32 $0x1, v7;
	v14 =	vld.idx.msk [tilespmem:v14+s3+$0x0], $0xffff  }
0x1c2: {  	v10 =	vadd.s32 $0x1, v10;
	v13 =	vld.idx.msk [tilespmem:v13+s3+$0x0], $0xffff  }
0x1c3: {  	v17 =	vld.idx.msk [tilespmem:v17+s3+$0x0], $0xffff  }
0x1c4: {  	v12 =	vld.idx.msk [tilespmem:v12+s3+$0x0], $0xffff  }
0x1c5: {  	v20 =	vld.idx.msk [tilespmem:v7+s3+$0x0], $0xffff  }
0x1c6: {  	v9 =	vmul.f32 v9, v15;
	v7 =	vld.idx.msk [tilespmem:v19+s3+$0x0], $0xffff;
	v19 =	vmul.f32 v8, v11  }
0x1c7: {  	v8 =	vld.idx.msk [tilespmem:v10+s3+$0x0], $0xffff;
	v10 =	vmul.f32 v11, v14  }
0x1c8: {  	v21 =	vmul.f32 v15, v13;
	v9 =	vadd.f32 v19, v9;
	[tilespmem:s1+$0x1C00] =	vst v1  }
0x1c9: {  	[tilespmem:s1+$0x1400] =	vst v1  }
0x1ca: {  	v10 =	vadd.f32 v10, v21;
	v19 =	vmul.f32 v12, v17;
	v16 =	vmul.f32 v16, v12;
	[tilespmem:s1+$0x1800] =	vst v1  }
0x1cb: {  	[tilespmem:s1+$0x400] =	vst v20  }
0x1cc: {  	v10 =	vadd.f32 v19, v10;
	v9 =	vadd.f32 v16, v9;
	[tilespmem:s1+$0xFFFFF000] =	vst v11  }
0x1cd: {  	[tilespmem:s1+$0xC00] =	vst v18  }
0x1ce: {  	[tilespmem:s1+$0xFFFFF800] =	vst v10  }
0x1cf: {  	[tilespmem:s1+$0xFFFFF400] =	vst v12  }
.Ltmp3:
0x1d0: {  	[tilespmem:s1+$0xFFFFE400] =	vst v14;
	(pc) =	sbr.rel @p0 .LBB2_8-.Ltmp3, $4  }
0x1d1: {  	[tilespmem:s1+$0xFFFFE000] =	vst v13  }
0x1d2: {  	[tilespmem:s1+$0xFFFFE800] =	vst v17  }
0x1d3: {  	[tilespmem:s1+$0xFFFFEC00] =	vst v15  }
0x1d4: {  	s9 =	smov.u32 s8;
	s7 =	sadd.s32 $0x10, s7;
	[tilespmem:s1+$0xFFFFFC00] =	vst v9  }
0x1d5: {  	[tilespmem:s1+$0x1000] =	vst v8  }
0x1d6: {  	[tilespmem:s1+$0x0] =	vst v2  }
0x1d7: {  	[tilespmem:s1+$0x800] =	vst v7  }
0x1d8: {  	v2 =	vld [tilespmem:s5+$0x0]  }
0x1d9: {  	v7 =	vld [tilespmem:s6+$0x0];
	_ =	sdelay $0x3  }
0x1da: {  	v2 =	vmul.u32 $0x5, v2  }
0x1db: {  	v7 =	vmul.u32 $0x5, v7  }
0x1dc: {  	v6 =	vld.idx.msk [tilespmem:v6+s26+$0x0], $0xffff  }
0x1dd: {  	v5 =	vld.idx.msk [tilespmem:v5+s26+$0x0], $0xffff;
	v8 =	vadd.s32 $0x3, v2  }
0x1de: {  	v4 =	vld.idx.msk [tilespmem:v4+s26+$0x0], $0xffff;
	v9 =	vadd.s32 $0x2, v2  }
0x1df: {  	v3 =	vld.idx.msk [tilespmem:v3+s26+$0x0], $0xffff;
	v10 =	vadd.s32 $0x3, v7  }
0x1e0: {  	v11 =	vadd.s32 $0x2, v7;
	v13 =	vld.idx.msk [tilespmem:v2+s3+$0x0], $0xffff  }
0x1e1: {  	v12 =	vadd.s32 $0x4, v7;
	v15 =	vadd.s32 $0x1, v7;
	v7 =	vld.idx.msk [tilespmem:v7+s3+$0x0], $0xffff  }
0x1e2: {  	v14 =	vadd.s32 $0x4, v2;
	v8 =	vld.idx.msk [tilespmem:v8+s3+$0x0], $0xffff  }
0x1e3: {  	v9 =	vld.idx.msk [tilespmem:v9+s3+$0x0], $0xffff  }
0x1e4: {  	v2 =	vadd.s32 $0x1, v2;
	v10 =	vld.idx.msk [tilespmem:v10+s3+$0x0], $0xffff  }
0x1e5: {  	v11 =	vld.idx.msk [tilespmem:v11+s3+$0x0], $0xffff  }
0x1e6: {  	v12 =	vld.idx.msk [tilespmem:v12+s3+$0x0], $0xffff  }
0x1e7: {  	v14 =	vld.idx.msk [tilespmem:v14+s3+$0x0], $0xffff  }
0x1e8: {  	v15 =	vld.idx.msk [tilespmem:v15+s3+$0x0], $0xffff  }
0x1e9: {  	v2 =	vld.idx.msk [tilespmem:v2+s3+$0x0], $0xffff;
	[tilespmem:s2+$0x1C00] =	vst v1  }
0x1ea: {  	[tilespmem:s2+$0x1400] =	vst v1  }
0x1eb: {  	[tilespmem:s2+$0x1800] =	vst v1  }
0x1ec: {  	[tilespmem:s2+$0x400] =	vst v7  }
0x1ed: {  	[tilespmem:s2+$0xC00] =	vst v13  }
0x1ee: {  	[tilespmem:s2+$0x0] =	vst v5  }
0x1ef: {  	[tilespmem:s2+$0xFFFFF000] =	vst v8  }
0x1f0: {  	[tilespmem:s2+$0xFFFFF400] =	vst v14  }
0x1f1: {  	v16 =	vmul.f32 v8, v10;
	v17 =	vmul.f32 v9, v11;
	[tilespmem:s2+$0xFFFFE400] =	vst v10  }
0x1f2: {  	v6 =	vmul.f32 v6, v9;
	v3 =	vmul.f32 v3, v8;
	[tilespmem:s2+$0xFFFFE000] =	vst v11  }
0x1f3: {  	v56 =	vmul.f32 v14, v12;
	[tilespmem:s2+$0xFFFFE800] =	vst v12;
	v16 =	vadd.f32 v16, v17  }
0x1f4: {  	v4 =	vmul.f32 v4, v14;
	[tilespmem:s2+$0xFFFFEC00] =	vst v9;
	v3 =	vadd.f32 v3, v6  }
0x1f5: {  	[tilespmem:s2+$0x800] =	vst v15;
	v7 =	vadd.f32 v56, v16  }
0x1f6: {  	v3 =	vadd.f32 v4, v3;
	[tilespmem:s2+$0x1000] =	vst v2  }
0x1f7: {  	[tilespmem:s2+$0xFFFFF800] =	vst v7  }
0x1f8: {  	[tilespmem:s2+$0xFFFFFC00] =	vst v3  }
0x1f9: {  	[hbm4b:s20+s28] =	stream.strided.scatter [tilespmem:s30], [sflag:$0x1], $0x4000, s29, s28, $0x38;
	[tilespmem:$0x11B50] =	vst v63  }
0x1fa: {  	_ =	swait.ge [sflag:s25], $0x4000  }
0x1fb: {  	[sflag:s25] =	ssyncset.done $0x0  }
0x1fc: {  	s0 =	simm.s32 $0x0;
	s7 =	simm.s32 $0xC350;
	[sflag:s25] =	ssyncadd.s32 $0xFFFFC000  }
0x1fd: {  	[tilespmem:s7], [sflag:$0x1] =	stream.linear.gather [hbm4b:s21+s0], $0x400, $0x38;
	[tilespmem:$0x11B50] =	vst v63  }
0x1fe: {  	_ =	swait.ge [sflag:s25], $0x400  }
0x1ff: {  	[sflag:s25] =	ssyncset.done $0x0  }
0x200: {  	s8 =	simm.s32 $0xC750;
	[sflag:s25] =	ssyncadd.s32 $0xFFFFFC00  }
0x201: {  	[tilespmem:s8], [sflag:$0x1] =	stream.linear.gather [hbm4b:s22+s0], $0x400, $0x38;
	[tilespmem:$0x11B50] =	vst v63  }
0x202: {  	_ =	swait.ge [sflag:s25], $0x400  }
0x203: {  	[sflag:s25] =	ssyncset.done $0x0  }
0x204: {  	[sflag:s25] =	ssyncadd.s32 $0xFFFFFC00  }
0x205: {  	[tilespmem:s26], [sflag:$0x1] =	stream.linear.gather [hbm4b:s18+s0], $0x1000, $0x38;
	[tilespmem:$0x11B50] =	vst v63  }
0x206: {  	_ =	swait.ge [sflag:s25], $0x1000  }
0x207: {  	[sflag:s25] =	ssyncset.done $0x0  }
0x208: {  	[sflag:s25] =	ssyncadd.s32 $0xFFFFF000  }
0x209: {  	v2 =	vmov s0;
	v3 =	vld [tilespmem:s7+$0x0]  }
0x20a: {  	v2 =	vshll.u32 v2, $0x2  }
0x20b: {  	v2 =	vor.u32 v0, v2;
	v4 =	vld [tilespmem:s8+$0x0]  }
0x20c: {  	v5 =	vor.u32 $0x3, v2  }
0x20d: {  	v6 =	vor.u32 $0x2, v2  }
0x20e: {  	v7 =	vor.u32 $0x1, v2;
	v3 =	vmul.u32 $0x5, v3;
	_ =	sdelay $0x1  }
0x20f: {  	v9 =	vld.idx.msk [tilespmem:v2+s26+$0x0], $0xffff;
	v4 =	vmul.u32 $0x5, v4;
	v8 =	vadd.s32 $0x3, v3  }
0x210: {  	v2 =	vld.idx.msk [tilespmem:v5+s26+$0x0], $0xffff;
	v10 =	vadd.s32 $0x2, v3  }
0x211: {  	v6 =	vld.idx.msk [tilespmem:v6+s26+$0x0], $0xffff;
	v5 =	vadd.s32 $0x3, v4  }
0x212: {  	v57 =	vld.idx.msk [tilespmem:v7+s26+$0x0], $0xffff;
	v11 =	vadd.s32 $0x2, v4  }
0x213: {  	v7 =	vadd.s32 $0x4, v4;
	v58 =	vld.idx.msk [tilespmem:v3+s3+$0x0], $0xffff  }
0x214: {  	v59 =	vadd.s32 $0x4, v3;
	v60 =	vld.idx.msk [tilespmem:v8+s3+$0x0], $0xffff  }
0x215: {  	v10 =	vld.idx.msk [tilespmem:v10+s3+$0x0], $0xffff  }
0x216: {  	v8 =	vadd.s32 $0x1, v4;
	v5 =	vld.idx.msk [tilespmem:v5+s3+$0x0], $0xffff  }
0x217: {  	v3 =	vadd.s32 $0x1, v3;
	v11 =	vld.idx.msk [tilespmem:v11+s3+$0x0], $0xffff  }
0x218: {  	v61 =	vld.idx.msk [tilespmem:v7+s3+$0x0], $0xffff  }
0x219: {  	v14 =	vld.idx.msk [tilespmem:v59+s3+$0x0], $0xffff  }
0x21a: {  	v4 =	vld.idx.msk [tilespmem:v4+s3+$0x0], $0xffff  }
0x21b: {  	s1 =	simm.s32 $0xFB50;
	v7 =	vld.idx.msk [tilespmem:v8+s3+$0x0], $0xffff  }
0x21c: {  	v8 =	vld.idx.msk [tilespmem:v3+s3+$0x0], $0xffff;
	[tilespmem:s1+$0x1C00] =	vst v1  }
0x21d: {  	[tilespmem:s1+$0x1400] =	vst v1  }
0x21e: {  	v3 =	vmul.f32 v60, v5;
	v62 =	vmul.f32 v10, v11;
	[tilespmem:s1+$0x1800] =	vst v1  }
0x21f: {  	[tilespmem:s1+$0x400] =	vst v4  }
0x220: {  	v63 =	vmul.f32 v14, v61;
	[tilespmem:s1+$0xFFFFF000] =	vst v60;
	v3 =	vadd.f32 v3, v62  }
0x221: {  	[tilespmem:s1+$0xC00] =	vst v58  }
0x222: {  	v4 =	vmul.f32 v9, v10;
	v9 =	vmul.f32 v57, v60;
	[tilespmem:s1+$0xFFFFF400] =	vst v14;
	v3 =	vadd.f32 v63, v3  }
0x223: {  	[tilespmem:s1+$0xFFFFE400] =	vst v5  }
0x224: {  	s9 =	simm.s32 $0x10;
	[tilespmem:s1+$0xFFFFF800] =	vst v3;
	v3 =	vadd.f32 v9, v4;
	v4 =	vmul.f32 v6, v14  }
0x225: {  	v5 =	vmov s9;
	[tilespmem:s1+$0xFFFFE000] =	vst v11  }
0x226: {  	s4 =	simm.s32 $0xC760;
	[tilespmem:s1+$0xFFFFE800] =	vst v61;
	v5 =	vshll.u32 v5, $0x2;
	v9 =	vadd.f32 v4, v3  }
0x227: {  	s5 =	simm.s32 $0xC360;
	s6 =	simm.s32 $0xC760;
	s2 =	simm.s32 $0xFB60;
	[tilespmem:s1+$0xFFFFEC00] =	vst v10;
	v6 =	vor.u32 v0, v5  }
0x228: {  	s0 =	simm.s32 $0xC360;
	s7 =	simm.s32 $0xFB70;
	s9 =	simm.s32 $0x20;
	v5 =	vor.u32 $0x3, v6;
	v3 =	vor.u32 $0x1, v6;
	v4 =	vor.u32 $0x2, v6;
	[tilespmem:s1+$0xFFFFFC00] =	vst v9  }
.LBB2_10:
0x229: {  	s8 =	smov.u32 s9  }
0x22a: {  	v9 =	vmov s9;
	s0 =	sadd.s32 $0x10, s0;
	s4 =	sadd.s32 $0x10, s4;
	[tilespmem:s1+$0x1000] =	vst v8;
	s8 =	sadd.s32 $0x10, s9  }
0x22b: {  	p0 =	sne.s32 s9, $0x3F0;
	v8 =	vshll.u32 v9, $0x2;
	[tilespmem:s1+$0x0] =	vst v2  }
0x22c: {  	[tilespmem:s1+$0x800] =	vst v7;
	s1 =	smov.u32 s2;
	s2 =	smov.u32 s7  }
0x22d: {  	v2 =	vld [tilespmem:s5+$0x0];
	s5 =	smov.u32 s0  }
0x22e: {  	v7 =	vld [tilespmem:s6+$0x0];
	s6 =	smov.u32 s4  }
0x22f: {  	v9 =	vld.idx.msk [tilespmem:v6+s26+$0x0], $0xffff;
	_ =	sdelay $0x2  }
0x230: {  	v10 =	vmul.u32 $0x5, v2  }
0x231: {  	v7 =	vmul.u32 $0x5, v7  }
0x232: {  	v11 =	vadd.s32 $0x3, v10;
	v12 =	vadd.s32 $0x4, v10  }
0x233: {  	v15 =	vadd.s32 $0x2, v10;
	v13 =	vadd.s32 $0x2, v7;
	v14 =	vadd.s32 $0x3, v7;
	v2 =	vld.idx.msk [tilespmem:v5+s26+$0x0], $0xffff  }
0x234: {  	v16 =	vld.idx.msk [tilespmem:v4+s26+$0x0], $0xffff  }
0x235: {  	v6 =	vor.u32 v0, v8;
	v8 =	vld.idx.msk [tilespmem:v3+s26+$0x0], $0xffff  }
0x236: {  	v17 =	vadd.s32 $0x4, v7;
	v4 =	vor.u32 $0x2, v6;
	v3 =	vor.u32 $0x1, v6;
	v18 =	vld.idx.msk [tilespmem:v10+s3+$0x0], $0xffff  }
0x237: {  	v5 =	vor.u32 $0x3, v6;
	v11 =	vld.idx.msk [tilespmem:v11+s3+$0x0], $0xffff  }
0x238: {  	v15 =	vld.idx.msk [tilespmem:v15+s3+$0x0], $0xffff  }
0x239: {  	v19 =	vadd.s32 $0x1, v7;
	v14 =	vld.idx.msk [tilespmem:v14+s3+$0x0], $0xffff  }
0x23a: {  	v10 =	vadd.s32 $0x1, v10;
	v13 =	vld.idx.msk [tilespmem:v13+s3+$0x0], $0xffff  }
0x23b: {  	v17 =	vld.idx.msk [tilespmem:v17+s3+$0x0], $0xffff  }
0x23c: {  	v12 =	vld.idx.msk [tilespmem:v12+s3+$0x0], $0xffff  }
0x23d: {  	v20 =	vld.idx.msk [tilespmem:v7+s3+$0x0], $0xffff  }
0x23e: {  	v9 =	vmul.f32 v9, v15;
	v7 =	vld.idx.msk [tilespmem:v19+s3+$0x0], $0xffff;
	v19 =	vmul.f32 v8, v11  }
0x23f: {  	v8 =	vld.idx.msk [tilespmem:v10+s3+$0x0], $0xffff;
	v10 =	vmul.f32 v11, v14  }
0x240: {  	v21 =	vmul.f32 v15, v13;
	v9 =	vadd.f32 v19, v9;
	[tilespmem:s1+$0x1C00] =	vst v1  }
0x241: {  	[tilespmem:s1+$0x1400] =	vst v1  }
0x242: {  	v10 =	vadd.f32 v10, v21;
	v19 =	vmul.f32 v12, v17;
	v16 =	vmul.f32 v16, v12;
	[tilespmem:s1+$0x1800] =	vst v1  }
0x243: {  	[tilespmem:s1+$0x400] =	vst v20  }
0x244: {  	v10 =	vadd.f32 v19, v10;
	v9 =	vadd.f32 v16, v9;
	[tilespmem:s1+$0xFFFFF000] =	vst v11  }
0x245: {  	[tilespmem:s1+$0xC00] =	vst v18  }
0x246: {  	[tilespmem:s1+$0xFFFFF800] =	vst v10  }
0x247: {  	[tilespmem:s1+$0xFFFFF400] =	vst v12  }
.Ltmp4:
0x248: {  	[tilespmem:s1+$0xFFFFE400] =	vst v14;
	(pc) =	sbr.rel @p0 .LBB2_10-.Ltmp4, $4  }
0x249: {  	[tilespmem:s1+$0xFFFFE000] =	vst v13  }
0x24a: {  	[tilespmem:s1+$0xFFFFE800] =	vst v17  }
0x24b: {  	[tilespmem:s1+$0xFFFFEC00] =	vst v15  }
0x24c: {  	s9 =	smov.u32 s8;
	s7 =	sadd.s32 $0x10, s7;
	[tilespmem:s1+$0xFFFFFC00] =	vst v9  }
0x24d: {  	[tilespmem:s1+$0x1000] =	vst v8  }
0x24e: {  	[tilespmem:s1+$0x0] =	vst v2  }
0x24f: {  	[tilespmem:s1+$0x800] =	vst v7  }
0x250: {  	v2 =	vld [tilespmem:s5+$0x0]  }
0x251: {  	v7 =	vld [tilespmem:s6+$0x0];
	_ =	sdelay $0x3  }
0x252: {  	v2 =	vmul.u32 $0x5, v2  }
0x253: {  	v7 =	vmul.u32 $0x5, v7  }
0x254: {  	v6 =	vld.idx.msk [tilespmem:v6+s26+$0x0], $0xffff  }
0x255: {  	v5 =	vld.idx.msk [tilespmem:v5+s26+$0x0], $0xffff;
	v61 =	vadd.s32 $0x3, v2  }
0x256: {  	v4 =	vld.idx.msk [tilespmem:v4+s26+$0x0], $0xffff;
	v9 =	vadd.s32 $0x2, v2  }
0x257: {  	v3 =	vld.idx.msk [tilespmem:v3+s26+$0x0], $0xffff;
	v10 =	vadd.s32 $0x3, v7  }
0x258: {  	v11 =	vadd.s32 $0x2, v7;
	v13 =	vld.idx.msk [tilespmem:v2+s3+$0x0], $0xffff  }
0x259: {  	v12 =	vadd.s32 $0x4, v7;
	v15 =	vadd.s32 $0x1, v7;
	v7 =	vld.idx.msk [tilespmem:v7+s3+$0x0], $0xffff  }
0x25a: {  	v14 =	vadd.s32 $0x4, v2;
	v8 =	vld.idx.msk [tilespmem:v61+s3+$0x0], $0xffff  }
0x25b: {  	v9 =	vld.idx.msk [tilespmem:v9+s3+$0x0], $0xffff  }
0x25c: {  	v2 =	vadd.s32 $0x1, v2;
	v10 =	vld.idx.msk [tilespmem:v10+s3+$0x0], $0xffff  }
0x25d: {  	v11 =	vld.idx.msk [tilespmem:v11+s3+$0x0], $0xffff  }
0x25e: {  	v12 =	vld.idx.msk [tilespmem:v12+s3+$0x0], $0xffff  }
0x25f: {  	v14 =	vld.idx.msk [tilespmem:v14+s3+$0x0], $0xffff  }
0x260: {  	v15 =	vld.idx.msk [tilespmem:v15+s3+$0x0], $0xffff  }
0x261: {  	v2 =	vld.idx.msk [tilespmem:v2+s3+$0x0], $0xffff;
	[tilespmem:s2+$0x1C00] =	vst v1  }
0x262: {  	[tilespmem:s2+$0x1400] =	vst v1  }
0x263: {  	[tilespmem:s2+$0x1800] =	vst v1  }
0x264: {  	[tilespmem:s2+$0x400] =	vst v7  }
0x265: {  	[tilespmem:s2+$0xC00] =	vst v13  }
0x266: {  	[tilespmem:s2+$0x0] =	vst v5  }
0x267: {  	[tilespmem:s2+$0xFFFFF000] =	vst v8  }
0x268: {  	[tilespmem:s2+$0xFFFFF400] =	vst v14  }
0x269: {  	v16 =	vmul.f32 v8, v10;
	v17 =	vmul.f32 v9, v11;
	[tilespmem:s2+$0xFFFFE400] =	vst v10  }
0x26a: {  	v6 =	vmul.f32 v6, v9;
	v3 =	vmul.f32 v3, v8;
	[tilespmem:s2+$0xFFFFE000] =	vst v11  }
0x26b: {  	v62 =	vmul.f32 v14, v12;
	[tilespmem:s2+$0xFFFFE800] =	vst v12;
	v16 =	vadd.f32 v16, v17  }
0x26c: {  	v4 =	vmul.f32 v4, v14;
	[tilespmem:s2+$0xFFFFEC00] =	vst v9;
	v3 =	vadd.f32 v3, v6  }
0x26d: {  	[tilespmem:s2+$0x800] =	vst v15;
	v63 =	vadd.f32 v62, v16  }
0x26e: {  	s31 =	sadd.s32 $0x1, s31;
	v3 =	vadd.f32 v4, v3;
	[tilespmem:s2+$0x1000] =	vst v2  }
0x26f: {  	p0 =	sne.s32 s31, s24;
	[tilespmem:s2+$0xFFFFF800] =	vst v63  }
.Ltmp5:
0x270: {  	[tilespmem:s2+$0xFFFFFC00] =	vst v3;
	(pc) =	sbr.rel @p0 .LBB2_1-.Ltmp5, $4  }
0x271: {  	[hbm4b:s23+s28] =	stream.strided.scatter [tilespmem:s30], [sflag:$0x1], $0x4000, s29, s28, $0x38;
	[tilespmem:$0x11B50] =	vst v63  }
0x272: {  	_ =	swait.ge [sflag:s25], $0x4000  }
0x273: {  	[sflag:s25] =	ssyncset.done $0x0  }
0x274: {  	[sflag:s25] =	ssyncadd.s32 $0xFFFFC000  }
0x275: {  	_ =	sfence.sel $0x180000  }
0x276: {  	[bflag:$0x0] =	sbarrier.arrive $0xFFFF  }
0x277: {  	_ =	strace $0x90000047  }
0x278: {  	s0 =	stileid.u32;
	[bflag:$0x2] =	sbarrier.arrive $0xFFFF  }
0x279: {  	p0 =	sne.s32 s0, $0x0;
	s0 =	rddreg [dreg:$0x5]  }
0x27a: {  	s0 =	sadd.s32 @!p0 $0x100000, s0  }
0x27b: {  	[sflag:s0] =	ssyncadd.tile.s32 @!p0 $0x1;
	_ =	shalt  }
.Lfunc_end2:
_tile_overlayer_lowered:
.L_overlay_start_2:
0x27c: {  	(tag) =	ssettag $0x2  }
0x27d: {  	s0 =	rddreg [dreg:$0x0];
	s2 =	stileid.u32  }
0x27e: {  	s1 =	rddreg [dreg:$0x1];
	p0 =	sne.s32 s2, $0x0  }
0x27f: {  	s3 =	rddreg [dreg:$0x2];
	[bflag:$0x3] =	sbarrier.arrive $0xFFFF;
	s2 =	simm.s32 @!p0 $0x1C01  }
0x280: {  	[timem:s3], [sflag:s2] =	dma.local @!p0 [hbm:s0], s1  }
0x281: {  	s0 =	simm.s32 @!p0 $0x1  }
0x282: {  	_ =	swait.ge @!p0 [sflag:s0], s1  }
0x283: {  	s1 =	ssub.s32 @!p0 $0x0, s1;
	[sflag:s0] =	ssyncset.done @!p0 $0x0  }
0x284: {  	[sflag:s0] =	ssyncadd.s32 @!p0 s1  }
0x285: {  	[bflag:$0x3] =	sbarrier.arrive $0xFFFF  }
0x286: {  	_ =	shalt  }

</sc_bundles>
